<compile_context>
chip_gen: v7x
topology: tpu7x:2x2x1
jax: 0.10.2.dev20260603
libtpu: 0.0.44.dev20260713+nightly
codegen_flags: <defaults>
</compile_context>

<pallas_src>
import functools

import jax
import jax.numpy as jnp
from jax import lax
from jax.experimental import pallas as pl
from jax.experimental.pallas import tpu as pltpu
from jax.experimental.pallas import tpu_sc as plsc

N = 10000
E = 320000
D = 128

NC = 2
NS = 16
NW = NC * NS
CB = 128
EP = NW * CB * 80
PADE = EP - E
EPW = EP // NW
CK = EPW // CB
GC = 8
NG = CK // GC
NP = N + PADE // NW
RPT = NP // NS


def _sc_aggregate_body(x_hbm, ei_hbm, zrows_hbm, zflat_hbm, ones_hbm,
                       y0_hbm, y1_hbm, c0_hbm, c1_hbm,
                       srcv, dstv, rows0, rows1, ones,
                       acc, dcnt, s0, s1, semi, semo):
    rows = (rows0, rows1)
    sems = (s0, s1)
    cid = lax.axis_index("c")
    sid = lax.axis_index("s")
    wid = sid * NC + cid
    rs = pl.ds(sid * RPT, RPT)

    pltpu.sync_copy(zrows_hbm.at[rs], acc.at[rs])

    @pl.when(sid == 0)
    def _():
        pltpu.sync_copy(zflat_hbm, dcnt)

    pltpu.sync_copy(ones_hbm, ones)

    plsc.subcore_barrier()

    def gather(par, jj, k):
        pltpu.async_copy(x_hbm.at[srcv.at[par, jj]], rows[k], sems[k])

    def wait_gather(par, jj, k):
        pltpu.make_async_copy(x_hbm.at[srcv.at[par, jj]], rows[k], sems[k]).wait()

    def wait_scatter(k):
        pltpu.make_async_copy(rows[k], acc.at[dstv.at[0, 0]], sems[k]).wait()

    pltpu.sync_copy(ei_hbm.at[wid, pl.ds(0, GC)], srcv.at[0])
    pltpu.sync_copy(ei_hbm.at[NW + wid, pl.ds(0, GC)], dstv.at[0])
    gather(0, 0, 0)
    gather(0, 1, 1)

    def group(g, carry):
        par = lax.rem(g, 2)
        nxt = lax.rem(g + 1, 2)
        for jj in range(GC):
            k = jj % 2
            wait_gather(par, jj, k)
            pltpu.async_copy(rows[k], acc.at[dstv.at[par, jj]], sems[k],
                             add=True)
            pltpu.async_copy(ones, dcnt.at[dstv.at[par, jj]], semo, add=True)
            if jj == 2:
                @pl.when(g < NG - 1)
                def _():
                    gs = pl.ds((g + 1) * GC, GC)
                    pltpu.async_copy(ei_hbm.at[wid, gs], srcv.at[nxt], semi)
                    pltpu.async_copy(ei_hbm.at[NW + wid, gs], dstv.at[nxt], semi)
            wait_scatter(k)
            if jj < GC - 2:
                gather(par, jj + 2, k)
            else:
                @pl.when(g < NG - 1)
                def _():
                    if jj == GC - 2:
                        pltpu.make_async_copy(
                            ei_hbm.at[wid, pl.ds(0, GC)], srcv.at[nxt], semi
                        ).wait()
                        pltpu.make_async_copy(
                            ei_hbm.at[NW + wid, pl.ds(0, GC)], dstv.at[nxt], semi
                        ).wait()
                    gather(nxt, jj + 2 - GC, k)

        def drain(p, c2):
            pltpu.make_async_copy(ones, dcnt.at[dstv.at[0, 0]], semo).wait()
            return c2

        lax.fori_loop(0, GC, drain, 0)
        return carry

    lax.fori_loop(0, NG, group, 0)

    plsc.subcore_barrier()

    @pl.when(cid == 0)
    def _():
        pltpu.sync_copy(acc.at[rs], y0_hbm.at[rs])

        @pl.when(sid == 0)
        def _():
            pltpu.sync_copy(dcnt, c0_hbm)

    @pl.when(cid == 1)
    def _():
        pltpu.sync_copy(acc.at[rs], y1_hbm.at[rs])

        @pl.when(sid == 0)
        def _():
            pltpu.sync_copy(dcnt, c1_hbm)


@functools.cache
def _sc_aggregate():
    mesh = plsc.VectorSubcoreMesh(core_axis_name="c", subcore_axis_name="s")
    return pl.kernel(
        _sc_aggregate_body,
        out_type=[
            jax.ShapeDtypeStruct((NP, D), jnp.float32),
            jax.ShapeDtypeStruct((NP, D), jnp.float32),
            jax.ShapeDtypeStruct((NP,), jnp.float32),
            jax.ShapeDtypeStruct((NP,), jnp.float32),
        ],
        mesh=mesh,
        scratch_types=[
            pltpu.VMEM((2, GC, CB), jnp.int32),
            pltpu.VMEM((2, GC, CB), jnp.int32),
            pltpu.VMEM((CB, D), jnp.float32),
            pltpu.VMEM((CB, D), jnp.float32),
            pltpu.VMEM((CB,), jnp.float32),
            pltpu.VMEM_SHARED((NP, D), jnp.float32),
            pltpu.VMEM_SHARED((NP,), jnp.float32),
            pltpu.SemaphoreType.DMA,
            pltpu.SemaphoreType.DMA,
            pltpu.SemaphoreType.DMA,
            pltpu.SemaphoreType.DMA,
        ],
    )


BN = 2048
BC = BN // D


def _eye():
    r = jax.lax.broadcasted_iota(jnp.int32, (D, D), 0)
    c = jax.lax.broadcasted_iota(jnp.int32, (D, D), 1)
    return (r == c).astype(jnp.float32)


def _col(row_vec):
    return jax.lax.dot_general(
        _eye(), row_vec, (((1,), (1,)), ((), ())),
        preferred_element_type=jnp.float32)


def _deg_cols(c0, c1):
    cs = c0[...] + c1[...]
    cnt = jnp.concatenate([_col(cs[s]) for s in range(BC)], axis=0)
    di = 1.0 / jnp.maximum(cnt, 1.0)
    m = cnt * di
    return di, m


def _mid_body(y0, y1, c0, c1, w1p, b1p, w1t, b1t, w2p, w2t, z):
    di, m = _deg_cols(c0, c1)
    y = (y0[...] + y1[...]) * di
    ap = jnp.dot(y, w1p[...], preferred_element_type=jnp.float32) + m * b1p[...]
    at = jnp.dot(y, w1t[...], preferred_element_type=jnp.float32) + m * b1t[...]
    rp = jnp.maximum(ap, 0.0)
    rt = jnp.maximum(at, 0.0)
    z[...] = (jnp.dot(rt, w2t[...], preferred_element_type=jnp.float32)
              - jnp.dot(rp, w2p[...], preferred_element_type=jnp.float32))


def _loss_body(u0, u1, c0, c1, b2p, b2t, out):
    i = pl.program_id(0)
    nb = pl.num_programs(0)
    di, m = _deg_cols(c0, c1)
    diff = (u0[...] + u1[...]) * di + m * (b2t[...] - b2p[...])
    row = i * BN + jax.lax.broadcasted_iota(jnp.int32, (BN, 1), 0)
    d2 = jnp.where(row < N, diff * diff, 0.0)
    part = jnp.sum(d2)
    tot = jnp.where(i == 0, part, out[...] + part)
    out[...] = tot * jnp.where(i == nb - 1, 1.0 / (N * D), 1.0)


def _row_spec(bn, w):
    return pl.BlockSpec((bn, w), lambda i: (i, 0))


def _full_spec(a, b):
    return pl.BlockSpec((a, b), lambda i: (0, 0))


_tc_mid = pl.pallas_call(
    _mid_body,
    grid=(NP // BN,),
    in_specs=[
        _row_spec(BN, D), _row_spec(BN, D),
        pl.BlockSpec((BC, 1, D), lambda i: (i, 0, 0)),
        pl.BlockSpec((BC, 1, D), lambda i: (i, 0, 0)),
        _full_spec(D, D), _full_spec(1, D),
        _full_spec(D, D), _full_spec(1, D),
        _full_spec(D, D), _full_spec(D, D),
    ],
    out_specs=[_row_spec(BN, D)],
    out_shape=[jax.ShapeDtypeStruct((NP, D), jnp.float32)],
)

_tc_loss = pl.pallas_call(
    _loss_body,
    grid=(NP // BN,),
    in_specs=[
        _row_spec(BN, D), _row_spec(BN, D),
        pl.BlockSpec((BC, 1, D), lambda i: (i, 0, 0)),
        pl.BlockSpec((BC, 1, D), lambda i: (i, 0, 0)),
        _full_spec(1, D), _full_spec(1, D),
    ],
    out_specs=pl.BlockSpec((1, 1), lambda i: (0, 0)),
    out_shape=jax.ShapeDtypeStruct((1, 1), jnp.float32),
)


def kernel(x, edge_index, W1p, b1p, W2p, b2p, W1t, b1t, W2t, b2t):
    npad = PADE // NW
    pad_src = (jnp.arange(npad, dtype=jnp.int32) * 41) % N
    pad_dst = N + jnp.arange(npad, dtype=jnp.int32)
    pad = jnp.broadcast_to(jnp.stack([pad_src, pad_dst])[:, None, :],
                           (2, NW, npad))
    ei3 = jnp.concatenate(
        [edge_index.reshape(2, NW, E // NW), pad], axis=2
    ).reshape(2 * NW, CK, CB)

    xp = jnp.concatenate([x, jnp.zeros((NP - N, D), jnp.float32)])
    zrows = jnp.zeros((NP, D), jnp.float32)
    zflat = jnp.zeros((NP,), jnp.float32)
    ones = jnp.ones((CB,), jnp.float32)

    y0, y1, c0, c1 = _sc_aggregate()(xp, ei3, zrows, zflat, ones)
    c0r = c0.reshape(NP // D, 1, D)
    c1r = c1.reshape(NP // D, 1, D)
    (z,) = _tc_mid(y0, y1, c0r, c1r,
                   W1p, b1p.reshape(1, D), W1t, b1t.reshape(1, D),
                   W2p, W2t)
    u0, u1, _, _ = _sc_aggregate()(z, ei3, zrows, zflat, ones)
    loss = _tc_loss(u0, u1, c0r, c1r, b2p.reshape(1, D), b2t.reshape(1, D))
    return loss.reshape(())

# --- scband reference (transcript-rebuilt; emitter-appended) ---
"""Pipeline reference for scband-random-network-distiller-75342316306642 (READ-ONLY COPY).

The authoritative reference and input builder live on the scoring server;
editing this copy changes nothing except your own understanding.
"""

import jax, jax.numpy as jnp
import numpy as np

N = 10000
E = 320000
D = 128
H = 128


def _gcn(x, edge_index, W1, b1, W2, b2):
    src = edge_index[0]
    dst = edge_index[1]
    deg = jax.ops.segment_sum(jnp.ones((edge_index.shape[1],), jnp.float32), dst, num_segments=N)
    deg = jnp.clip(deg, 1.0, None)
    h = x @ W1 + b1
    agg = jax.ops.segment_sum(h[src], dst, num_segments=N) / deg[:, None]
    h = jax.nn.relu(agg)
    h2 = h @ W2 + b2
    agg2 = jax.ops.segment_sum(h2[src], dst, num_segments=N) / deg[:, None]
    return agg2


def setup_inputs(seed: int = 0) -> dict:
    key = jax.random.key(seed)
    ks = jax.random.split(key, 12)
    x = jax.random.normal(ks[0], (N, D), dtype=jnp.float32)
    edge_index = jax.random.randint(ks[1], (2, E), 0, N)
    s1 = 1.0 / np.sqrt(D)
    s2 = 1.0 / np.sqrt(H)
    # prediction network params (trainable)
    W1p = jax.random.uniform(ks[2], (D, H), jnp.float32, -s1, s1)
    b1p = jax.random.uniform(ks[3], (H,), jnp.float32, -s1, s1)
    W2p = jax.random.uniform(ks[4], (H, H), jnp.float32, -s2, s2)
    b2p = jax.random.uniform(ks[5], (H,), jnp.float32, -s2, s2)
    # target network params (frozen, randomly initialized copy)
    W1t = jax.random.uniform(ks[6], (D, H), jnp.float32, -s1, s1)
    b1t = jax.random.uniform(ks[7], (H,), jnp.float32, -s1, s1)
    W2t = jax.random.uniform(ks[8], (H, H), jnp.float32, -s2, s2)
    b2t = jax.random.uniform(ks[9], (H,), jnp.float32, -s2, s2)
    return {"x": x, "edge_index": edge_index, "W1p": W1p, "b1p": b1p, "W2p": W2p, "b2p": b2p,
            "W1t": W1t, "b1t": b1t, "W2t": W2t, "b2t": b2t}


def reference(x, edge_index, W1p, b1p, W2p, b2p, W1t, b1t, W2t, b2t):
    predicted = _gcn(x, edge_index, W1p, b1p, W2p, b2p)
    target = jax.lax.stop_gradient(_gcn(x, edge_index, W1t, b1t, W2t, b2t))
    loss = jnp.mean((target - predicted) ** 2)
    return loss

if __name__ == "__main__":
    import jax
    _d = setup_inputs()
    print(jax.jit(kernel)(*tuple(_d.values())))

</pallas_src>

<mosaic_0001>
#map = affine_map<(d0, d1) -> (0, 0)>
#map1 = affine_map<(d0, d1) -> (0, 0, 0)>
#map2 = affine_map<(d0, d1) -> (0)>
module attributes {stable_mosaic.version = 14 : i64} {
  func.func @_sc_aggregate_body(%arg0: i32, %arg1: i32, %arg2: memref<10240x128xf32, #tpu.memory_space<hbm>>, %arg3: memref<64x80x128xi32, #tpu.memory_space<hbm>>, %arg4: memref<10240x128xf32, #tpu.memory_space<hbm>>, %arg5: memref<10240xf32, #tpu.memory_space<hbm>>, %arg6: memref<128xf32, #tpu.memory_space<hbm>>, %arg7: memref<10240x128xf32, #tpu.memory_space<hbm>>, %arg8: memref<10240x128xf32, #tpu.memory_space<hbm>>, %arg9: memref<10240xf32, #tpu.memory_space<hbm>>, %arg10: memref<10240xf32, #tpu.memory_space<hbm>>, %arg11: memref<2x8x128xi32, #tpu.memory_space<vmem>>, %arg12: memref<2x8x128xi32, #tpu.memory_space<vmem>>, %arg13: memref<128x128xf32, #tpu.memory_space<vmem>>, %arg14: memref<128x128xf32, #tpu.memory_space<vmem>>, %arg15: memref<128xf32, #tpu.memory_space<vmem>>, %arg16: memref<10240x128xf32, #tpu.memory_space<vmem_shared>>, %arg17: memref<10240xf32, #tpu.memory_space<vmem_shared>>, %arg18: memref<!tpu.dma_semaphore, #tpu.memory_space<semaphore_mem>>, %arg19: memref<!tpu.dma_semaphore, #tpu.memory_space<semaphore_mem>>, %arg20: memref<!tpu.dma_semaphore, #tpu.memory_space<semaphore_mem>>, %arg21: memref<!tpu.dma_semaphore, #tpu.memory_space<semaphore_mem>>) attributes {dimension_semantics = [#tpu.dimension_semantics<core_parallel>, #tpu.dimension_semantics<subcore_parallel>], iteration_bounds = array<i64: 2, 16>, scalar_prefetch = 0 : i64, scratch_operands = 11 : i64, tpu.core_type = #tpu.core_type<sc_vector_subcore>, window_params = [{transform_indices = #map}, {transform_indices = #map1}, {transform_indices = #map}, {transform_indices = #map2}, {transform_indices = #map2}, {transform_indices = #map}, {transform_indices = #map}, {transform_indices = #map2}, {transform_indices = #map2}]} {
    %mul3A = arith.constant 2 : i32
    %mul3A_0 = arith.muli %arg1, %mul3A : i32
    %add3A = arith.addi %mul3A_0, %arg0 : i32
    %mul3A_1 = arith.constant 640 : i32
    %mul3A_2 = arith.muli %arg1, %mul3A_1 : i32
    "tpu.region"() ({
      %run_scoped3A_39 = tpu.sem_alloc : memref<!tpu.dma_semaphore, #tpu.memory_space<semaphore_mem>>
      %dma_start3A_40 = arith.constant 0 : i32
      %dma_start3A_41 = tpu.memref_slice %arg16[%mul3A_2, %dma_start3A_40] : memref<10240x128xf32, #tpu.memory_space<vmem_shared>> -> memref<640x128xf32, #tpu.memory_space<vmem_shared>>
      %dma_start3A_42 = arith.constant 0 : i32
      %dma_start3A_43 = tpu.memref_slice %arg4[%mul3A_2, %dma_start3A_42] : memref<10240x128xf32, #tpu.memory_space<hbm>> -> memref<640x128xf32, #tpu.memory_space<hbm>>
      tpu.enqueue_dma source(%dma_start3A_43 : memref<640x128xf32, #tpu.memory_space<hbm>>) target(%dma_start3A_41 : memref<640x128xf32, #tpu.memory_space<vmem_shared>>) target_semaphore(%run_scoped3A_39 : memref<!tpu.dma_semaphore, #tpu.memory_space<semaphore_mem>>)
      %dma_wait3A = arith.constant 0 : i32
      %dma_wait3A_44 = tpu.memref_slice %arg16[%mul3A_2, %dma_wait3A] : memref<10240x128xf32, #tpu.memory_space<vmem_shared>> -> memref<640x128xf32, #tpu.memory_space<vmem_shared>>
      %dma_wait3A_45 = arith.constant 0 : i32
      %dma_wait3A_46 = tpu.memref_slice %arg4[%mul3A_2, %dma_wait3A_45] : memref<10240x128xf32, #tpu.memory_space<hbm>> -> memref<640x128xf32, #tpu.memory_space<hbm>>
      tpu.wait_dma2 semaphore(%run_scoped3A_39 : memref<!tpu.dma_semaphore, #tpu.memory_space<semaphore_mem>>) src(%dma_wait3A_46 : memref<640x128xf32, #tpu.memory_space<hbm>>) dst(%dma_wait3A_44 : memref<640x128xf32, #tpu.memory_space<vmem_shared>>)
      tpu.yield
    }) : () -> ()
    %eq3A = arith.constant 0 : i32
    %eq3A_3 = arith.cmpi eq, %arg1, %eq3A : i32
    %convert_element_type3A = arith.extui %eq3A_3 : i1 to i32
    %cond3A = arith.constant 0 : i32
    %cond3A_4 = arith.cmpi ne, %convert_element_type3A, %cond3A : i32
    scf.if %cond3A_4 {
      "tpu.region"() ({
        %run_scoped3A_39 = tpu.sem_alloc : memref<!tpu.dma_semaphore, #tpu.memory_space<semaphore_mem>>
        tpu.enqueue_dma source(%arg5 : memref<10240xf32, #tpu.memory_space<hbm>>) target(%arg17 : memref<10240xf32, #tpu.memory_space<vmem_shared>>) target_semaphore(%run_scoped3A_39 : memref<!tpu.dma_semaphore, #tpu.memory_space<semaphore_mem>>)
        tpu.wait_dma2 semaphore(%run_scoped3A_39 : memref<!tpu.dma_semaphore, #tpu.memory_space<semaphore_mem>>) src(%arg5 : memref<10240xf32, #tpu.memory_space<hbm>>) dst(%arg17 : memref<10240xf32, #tpu.memory_space<vmem_shared>>)
        tpu.yield
      }) : () -> ()
    } else {
    }
    "tpu.region"() ({
      %run_scoped3A_39 = tpu.sem_alloc : memref<!tpu.dma_semaphore, #tpu.memory_space<semaphore_mem>>
      tpu.enqueue_dma source(%arg6 : memref<128xf32, #tpu.memory_space<hbm>>) target(%arg15 : memref<128xf32, #tpu.memory_space<vmem>>) target_semaphore(%run_scoped3A_39 : memref<!tpu.dma_semaphore, #tpu.memory_space<semaphore_mem>>)
      tpu.wait_dma2 semaphore(%run_scoped3A_39 : memref<!tpu.dma_semaphore, #tpu.memory_space<semaphore_mem>>) src(%arg6 : memref<128xf32, #tpu.memory_space<hbm>>) dst(%arg15 : memref<128xf32, #tpu.memory_space<vmem>>)
      tpu.yield
    }) : () -> ()
    %barrier3A = arith.constant 0 : index
    tpu.barrier barrier_id(%barrier3A)
    %run_scoped3A = arith.constant 0 : i32
    "tpu.region"() ({
      %run_scoped3A_39 = tpu.sem_alloc : memref<!tpu.dma_semaphore, #tpu.memory_space<semaphore_mem>>
      %dma_start3A_40 = arith.constant 0 : i32
      %dma_start3A_41 = arith.constant 0 : i32
      %dma_start3A_42 = tpu.memref_slice %arg11[%run_scoped3A, %dma_start3A_40, %dma_start3A_41] : memref<2x8x128xi32, #tpu.memory_space<vmem>> -> memref<1x8x128xi32, #tpu.memory_space<vmem>>
      %dma_start3A_43 = tpu.memref_squeeze %dma_start3A_42 : memref<1x8x128xi32, #tpu.memory_space<vmem>> -> memref<8x128xi32, #tpu.memory_space<vmem>>
      %dma_start3A_44 = arith.constant 0 : i32
      %dma_start3A_45 = arith.constant 0 : i32
      %dma_start3A_46 = tpu.memref_slice %arg3[%add3A, %dma_start3A_44, %dma_start3A_45] : memref<64x80x128xi32, #tpu.memory_space<hbm>> -> memref<1x8x128xi32, #tpu.memory_space<hbm>>
      %dma_start3A_47 = tpu.memref_squeeze %dma_start3A_46 : memref<1x8x128xi32, #tpu.memory_space<hbm>> -> memref<8x128xi32, #tpu.memory_space<hbm>>
      %dma_start3A_48 = arith.constant 0 : i32
      %dma_start3A_49 = arith.constant 0 : i32
      %dma_start3A_50 = tpu.memref_slice %arg11[%run_scoped3A, %dma_start3A_48, %dma_start3A_49] : memref<2x8x128xi32, #tpu.memory_space<vmem>> -> memref<1x8x128xi32, #tpu.memory_space<vmem>>
      %dma_start3A_51 = tpu.memref_squeeze %dma_start3A_50 : memref<1x8x128xi32, #tpu.memory_space<vmem>> -> memref<8x128xi32, #tpu.memory_space<vmem>>
      %dma_start3A_52 = arith.constant 0 : i32
      %dma_start3A_53 = arith.constant 0 : i32
      %dma_start3A_54 = tpu.memref_slice %arg3[%add3A, %dma_start3A_52, %dma_start3A_53] : memref<64x80x128xi32, #tpu.memory_space<hbm>> -> memref<1x8x128xi32, #tpu.memory_space<hbm>>
      %dma_start3A_55 = tpu.memref_squeeze %dma_start3A_54 : memref<1x8x128xi32, #tpu.memory_space<hbm>> -> memref<8x128xi32, #tpu.memory_space<hbm>>
      tpu.enqueue_dma source(%dma_start3A_55 : memref<8x128xi32, #tpu.memory_space<hbm>>) target(%dma_start3A_51 : memref<8x128xi32, #tpu.memory_space<vmem>>) target_semaphore(%run_scoped3A_39 : memref<!tpu.dma_semaphore, #tpu.memory_space<semaphore_mem>>)
      %dma_wait3A = arith.constant 0 : i32
      %dma_wait3A_56 = arith.constant 0 : i32
      %dma_wait3A_57 = tpu.memref_slice %arg11[%run_scoped3A, %dma_wait3A, %dma_wait3A_56] : memref<2x8x128xi32, #tpu.memory_space<vmem>> -> memref<1x8x128xi32, #tpu.memory_space<vmem>>
      %dma_wait3A_58 = tpu.memref_squeeze %dma_wait3A_57 : memref<1x8x128xi32, #tpu.memory_space<vmem>> -> memref<8x128xi32, #tpu.memory_space<vmem>>
      %dma_wait3A_59 = arith.constant 0 : i32
      %dma_wait3A_60 = arith.constant 0 : i32
      %dma_wait3A_61 = tpu.memref_slice %arg3[%add3A, %dma_wait3A_59, %dma_wait3A_60] : memref<64x80x128xi32, #tpu.memory_space<hbm>> -> memref<1x8x128xi32, #tpu.memory_space<hbm>>
      %dma_wait3A_62 = tpu.memref_squeeze %dma_wait3A_61 : memref<1x8x128xi32, #tpu.memory_space<hbm>> -> memref<8x128xi32, #tpu.memory_space<hbm>>
      %dma_wait3A_63 = arith.constant 0 : i32
      %dma_wait3A_64 = arith.constant 0 : i32
      %dma_wait3A_65 = tpu.memref_slice %arg11[%run_scoped3A, %dma_wait3A_63, %dma_wait3A_64] : memref<2x8x128xi32, #tpu.memory_space<vmem>> -> memref<1x8x128xi32, #tpu.memory_space<vmem>>
      %dma_wait3A_66 = tpu.memref_squeeze %dma_wait3A_65 : memref<1x8x128xi32, #tpu.memory_space<vmem>> -> memref<8x128xi32, #tpu.memory_space<vmem>>
      %dma_wait3A_67 = arith.constant 0 : i32
      %dma_wait3A_68 = arith.constant 0 : i32
      %dma_wait3A_69 = tpu.memref_slice %arg3[%add3A, %dma_wait3A_67, %dma_wait3A_68] : memref<64x80x128xi32, #tpu.memory_space<hbm>> -> memref<1x8x128xi32, #tpu.memory_space<hbm>>
      %dma_wait3A_70 = tpu.memref_squeeze %dma_wait3A_69 : memref<1x8x128xi32, #tpu.memory_space<hbm>> -> memref<8x128xi32, #tpu.memory_space<hbm>>
      tpu.wait_dma2 semaphore(%run_scoped3A_39 : memref<!tpu.dma_semaphore, #tpu.memory_space<semaphore_mem>>) src(%dma_wait3A_70 : memref<8x128xi32, #tpu.memory_space<hbm>>) dst(%dma_wait3A_66 : memref<8x128xi32, #tpu.memory_space<vmem>>)
      tpu.yield
    }) : () -> ()
    %add3A_5 = arith.constant 32 : i32
    %add3A_6 = arith.addi %add3A_5, %add3A : i32
    %run_scoped3A_7 = arith.constant 0 : i32
    "tpu.region"() ({
      %run_scoped3A_39 = tpu.sem_alloc : memref<!tpu.dma_semaphore, #tpu.memory_space<semaphore_mem>>
      %dma_start3A_40 = arith.constant 0 : i32
      %dma_start3A_41 = arith.constant 0 : i32
      %dma_start3A_42 = tpu.memref_slice %arg12[%run_scoped3A_7, %dma_start3A_40, %dma_start3A_41] : memref<2x8x128xi32, #tpu.memory_space<vmem>> -> memref<1x8x128xi32, #tpu.memory_space<vmem>>
      %dma_start3A_43 = tpu.memref_squeeze %dma_start3A_42 : memref<1x8x128xi32, #tpu.memory_space<vmem>> -> memref<8x128xi32, #tpu.memory_space<vmem>>
      %dma_start3A_44 = arith.constant 0 : i32
      %dma_start3A_45 = arith.constant 0 : i32
      %dma_start3A_46 = tpu.memref_slice %arg3[%add3A_6, %dma_start3A_44, %dma_start3A_45] : memref<64x80x128xi32, #tpu.memory_space<hbm>> -> memref<1x8x128xi32, #tpu.memory_space<hbm>>
      %dma_start3A_47 = tpu.memref_squeeze %dma_start3A_46 : memref<1x8x128xi32, #tpu.memory_space<hbm>> -> memref<8x128xi32, #tpu.memory_space<hbm>>
      %dma_start3A_48 = arith.constant 0 : i32
      %dma_start3A_49 = arith.constant 0 : i32
      %dma_start3A_50 = tpu.memref_slice %arg12[%run_scoped3A_7, %dma_start3A_48, %dma_start3A_49] : memref<2x8x128xi32, #tpu.memory_space<vmem>> -> memref<1x8x128xi32, #tpu.memory_space<vmem>>
      %dma_start3A_51 = tpu.memref_squeeze %dma_start3A_50 : memref<1x8x128xi32, #tpu.memory_space<vmem>> -> memref<8x128xi32, #tpu.memory_space<vmem>>
      %dma_start3A_52 = arith.constant 0 : i32
      %dma_start3A_53 = arith.constant 0 : i32
      %dma_start3A_54 = tpu.memref_slice %arg3[%add3A_6, %dma_start3A_52, %dma_start3A_53] : memref<64x80x128xi32, #tpu.memory_space<hbm>> -> memref<1x8x128xi32, #tpu.memory_space<hbm>>
      %dma_start3A_55 = tpu.memref_squeeze %dma_start3A_54 : memref<1x8x128xi32, #tpu.memory_space<hbm>> -> memref<8x128xi32, #tpu.memory_space<hbm>>
      tpu.enqueue_dma source(%dma_start3A_55 : memref<8x128xi32, #tpu.memory_space<hbm>>) target(%dma_start3A_51 : memref<8x128xi32, #tpu.memory_space<vmem>>) target_semaphore(%run_scoped3A_39 : memref<!tpu.dma_semaphore, #tpu.memory_space<semaphore_mem>>)
      %dma_wait3A = arith.constant 0 : i32
      %dma_wait3A_56 = arith.constant 0 : i32
      %dma_wait3A_57 = tpu.memref_slice %arg12[%run_scoped3A_7, %dma_wait3A, %dma_wait3A_56] : memref<2x8x128xi32, #tpu.memory_space<vmem>> -> memref<1x8x128xi32, #tpu.memory_space<vmem>>
      %dma_wait3A_58 = tpu.memref_squeeze %dma_wait3A_57 : memref<1x8x128xi32, #tpu.memory_space<vmem>> -> memref<8x128xi32, #tpu.memory_space<vmem>>
      %dma_wait3A_59 = arith.constant 0 : i32
      %dma_wait3A_60 = arith.constant 0 : i32
      %dma_wait3A_61 = tpu.memref_slice %arg3[%add3A_6, %dma_wait3A_59, %dma_wait3A_60] : memref<64x80x128xi32, #tpu.memory_space<hbm>> -> memref<1x8x128xi32, #tpu.memory_space<hbm>>
      %dma_wait3A_62 = tpu.memref_squeeze %dma_wait3A_61 : memref<1x8x128xi32, #tpu.memory_space<hbm>> -> memref<8x128xi32, #tpu.memory_space<hbm>>
      %dma_wait3A_63 = arith.constant 0 : i32
      %dma_wait3A_64 = arith.constant 0 : i32
      %dma_wait3A_65 = tpu.memref_slice %arg12[%run_scoped3A_7, %dma_wait3A_63, %dma_wait3A_64] : memref<2x8x128xi32, #tpu.memory_space<vmem>> -> memref<1x8x128xi32, #tpu.memory_space<vmem>>
      %dma_wait3A_66 = tpu.memref_squeeze %dma_wait3A_65 : memref<1x8x128xi32, #tpu.memory_space<vmem>> -> memref<8x128xi32, #tpu.memory_space<vmem>>
      %dma_wait3A_67 = arith.constant 0 : i32
      %dma_wait3A_68 = arith.constant 0 : i32
      %dma_wait3A_69 = tpu.memref_slice %arg3[%add3A_6, %dma_wait3A_67, %dma_wait3A_68] : memref<64x80x128xi32, #tpu.memory_space<hbm>> -> memref<1x8x128xi32, #tpu.memory_space<hbm>>
      %dma_wait3A_70 = tpu.memref_squeeze %dma_wait3A_69 : memref<1x8x128xi32, #tpu.memory_space<hbm>> -> memref<8x128xi32, #tpu.memory_space<hbm>>
      tpu.wait_dma2 semaphore(%run_scoped3A_39 : memref<!tpu.dma_semaphore, #tpu.memory_space<semaphore_mem>>) src(%dma_wait3A_70 : memref<8x128xi32, #tpu.memory_space<hbm>>) dst(%dma_wait3A_66 : memref<8x128xi32, #tpu.memory_space<vmem>>)
      tpu.yield
    }) : () -> ()
    %dma_start3A = arith.constant 0 : i32
    %dma_start3A_8 = arith.constant 0 : i32
    %dma_start3A_9 = arith.constant 0 : i32
    %dma_start3A_10 = tpu.memref_slice %arg11[%dma_start3A, %dma_start3A_8, %dma_start3A_9] : memref<2x8x128xi32, #tpu.memory_space<vmem>> -> memref<1x1x128xi32, #tpu.memory_space<vmem>>
    %dma_start3A_11 = tpu.memref_squeeze %dma_start3A_10 : memref<1x1x128xi32, #tpu.memory_space<vmem>> -> memref<128xi32, #tpu.memory_space<vmem>>
    %dma_start3A_12 = arith.constant 0 : i32
    %dma_start3A_13 = arith.constant 0 : i32
    %dma_start3A_14 = tpu.memref_slice %arg2[%dma_start3A_12, %dma_start3A_13] : memref<10240x128xf32, #tpu.memory_space<hbm>> -> memref<10240x128xf32, #tpu.memory_space<hbm>>
    tpu.enqueue_indirect_dma source(%dma_start3A_14 : memref<10240x128xf32, #tpu.memory_space<hbm>>) target(%arg13 : memref<128x128xf32, #tpu.memory_space<vmem>>) offsets(%dma_start3A_11 : memref<128xi32, #tpu.memory_space<vmem>>) semaphore(%arg18 : memref<!tpu.dma_semaphore, #tpu.memory_space<semaphore_mem>>)
    %dma_start3A_15 = arith.constant 0 : i32
    %dma_start3A_16 = arith.constant 1 : i32
    %dma_start3A_17 = arith.constant 0 : i32
    %dma_start3A_18 = tpu.memref_slice %arg11[%dma_start3A_15, %dma_start3A_16, %dma_start3A_17] : memref<2x8x128xi32, #tpu.memory_space<vmem>> -> memref<1x1x128xi32, #tpu.memory_space<vmem>>
    %dma_start3A_19 = tpu.memref_squeeze %dma_start3A_18 : memref<1x1x128xi32, #tpu.memory_space<vmem>> -> memref<128xi32, #tpu.memory_space<vmem>>
    %dma_start3A_20 = arith.constant 0 : i32
    %dma_start3A_21 = arith.constant 0 : i32
    %dma_start3A_22 = tpu.memref_slice %arg2[%dma_start3A_20, %dma_start3A_21] : memref<10240x128xf32, #tpu.memory_space<hbm>> -> memref<10240x128xf32, #tpu.memory_space<hbm>>
    tpu.enqueue_indirect_dma source(%dma_start3A_22 : memref<10240x128xf32, #tpu.memory_space<hbm>>) target(%arg14 : memref<128x128xf32, #tpu.memory_space<vmem>>) offsets(%dma_start3A_19 : memref<128xi32, #tpu.memory_space<vmem>>) semaphore(%arg19 : memref<!tpu.dma_semaphore, #tpu.memory_space<semaphore_mem>>)
    %scan3A = arith.constant 0 : i32
    %scan3A_23 = arith.constant 0 : i32
    %scan3A_24 = arith.constant 10 : i32
    %scan3A_25 = arith.addi %scan3A_23, %scan3A_24 : i32
    %scan3A_26 = arith.constant 1 : i32
    scf.for %scan3A_39 = %scan3A_23 to %scan3A_25 step %scan3A_26  : i32 {
      %rem3A = arith.constant 2 : i32
      %rem3A_40 = arith.remsi %scan3A_39, %rem3A : i32
      %add3A_41 = arith.constant 1 : i32
      %add3A_42 = arith.addi %scan3A_39, %add3A_41 : i32
      %rem3A_43 = arith.constant 2 : i32
      %rem3A_44 = arith.remsi %add3A_42, %rem3A_43 : i32
      %dma_wait3A = arith.constant 0 : i32
      %dma_wait3A_45 = arith.constant 0 : i32
      %dma_wait3A_46 = tpu.memref_slice %arg11[%rem3A_40, %dma_wait3A, %dma_wait3A_45] : memref<2x8x128xi32, #tpu.memory_space<vmem>> -> memref<1x1x128xi32, #tpu.memory_space<vmem>>
      %dma_wait3A_47 = tpu.memref_squeeze %dma_wait3A_46 : memref<1x1x128xi32, #tpu.memory_space<vmem>> -> memref<128xi32, #tpu.memory_space<vmem>>
      %dma_wait3A_48 = arith.constant 0 : i32
      %dma_wait3A_49 = arith.constant 0 : i32
      %dma_wait3A_50 = tpu.memref_slice %arg2[%dma_wait3A_48, %dma_wait3A_49] : memref<10240x128xf32, #tpu.memory_space<hbm>> -> memref<10240x128xf32, #tpu.memory_space<hbm>>
      tpu.wait_indirect_dma semaphore(%arg18 : memref<!tpu.dma_semaphore, #tpu.memory_space<semaphore_mem>>) src(%dma_wait3A_50 : memref<10240x128xf32, #tpu.memory_space<hbm>>) dst(%arg13 : memref<128x128xf32, #tpu.memory_space<vmem>>)
      %dma_start3A_51 = arith.constant 0 : i32
      %dma_start3A_52 = arith.constant 0 : i32
      %dma_start3A_53 = tpu.memref_slice %arg12[%rem3A_40, %dma_start3A_51, %dma_start3A_52] : memref<2x8x128xi32, #tpu.memory_space<vmem>> -> memref<1x1x128xi32, #tpu.memory_space<vmem>>
      %dma_start3A_54 = tpu.memref_squeeze %dma_start3A_53 : memref<1x1x128xi32, #tpu.memory_space<vmem>> -> memref<128xi32, #tpu.memory_space<vmem>>
      %dma_start3A_55 = arith.constant 0 : i32
      %dma_start3A_56 = arith.constant 0 : i32
      %dma_start3A_57 = tpu.memref_slice %arg16[%dma_start3A_55, %dma_start3A_56] : memref<10240x128xf32, #tpu.memory_space<vmem_shared>> -> memref<10240x128xf32, #tpu.memory_space<vmem_shared>>
      tpu.enqueue_indirect_dma source(%arg13 : memref<128x128xf32, #tpu.memory_space<vmem>>) target(%dma_start3A_57 : memref<10240x128xf32, #tpu.memory_space<vmem_shared>>) offsets(%dma_start3A_54 : memref<128xi32, #tpu.memory_space<vmem>>) semaphore(%arg18 : memref<!tpu.dma_semaphore, #tpu.memory_space<semaphore_mem>>) {add = true}
      %dma_start3A_58 = arith.constant 0 : i32
      %dma_start3A_59 = arith.constant 0 : i32
      %dma_start3A_60 = tpu.memref_slice %arg12[%rem3A_40, %dma_start3A_58, %dma_start3A_59] : memref<2x8x128xi32, #tpu.memory_space<vmem>> -> memref<1x1x128xi32, #tpu.memory_space<vmem>>
      %dma_start3A_61 = tpu.memref_squeeze %dma_start3A_60 : memref<1x1x128xi32, #tpu.memory_space<vmem>> -> memref<128xi32, #tpu.memory_space<vmem>>
      %dma_start3A_62 = arith.constant 0 : i32
      %dma_start3A_63 = tpu.memref_slice %arg17[%dma_start3A_62] : memref<10240xf32, #tpu.memory_space<vmem_shared>> -> memref<10240xf32, #tpu.memory_space<vmem_shared>>
      tpu.enqueue_indirect_dma source(%arg15 : memref<128xf32, #tpu.memory_space<vmem>>) target(%dma_start3A_63 : memref<10240xf32, #tpu.memory_space<vmem_shared>>) offsets(%dma_start3A_61 : memref<128xi32, #tpu.memory_space<vmem>>) semaphore(%arg21 : memref<!tpu.dma_semaphore, #tpu.memory_space<semaphore_mem>>) {add = true}
      %dma_wait3A_64 = arith.constant 0 : i32
      %dma_wait3A_65 = arith.constant 0 : i32
      %dma_wait3A_66 = arith.constant 0 : i32
      %dma_wait3A_67 = tpu.memref_slice %arg12[%dma_wait3A_64, %dma_wait3A_65, %dma_wait3A_66] : memref<2x8x128xi32, #tpu.memory_space<vmem>> -> memref<1x1x128xi32, #tpu.memory_space<vmem>>
      %dma_wait3A_68 = tpu.memref_squeeze %dma_wait3A_67 : memref<1x1x128xi32, #tpu.memory_space<vmem>> -> memref<128xi32, #tpu.memory_space<vmem>>
      %dma_wait3A_69 = arith.constant 0 : i32
      %dma_wait3A_70 = arith.constant 0 : i32
      %dma_wait3A_71 = tpu.memref_slice %arg16[%dma_wait3A_69, %dma_wait3A_70] : memref<10240x128xf32, #tpu.memory_space<vmem_shared>> -> memref<10240x128xf32, #tpu.memory_space<vmem_shared>>
      tpu.wait_indirect_dma semaphore(%arg18 : memref<!tpu.dma_semaphore, #tpu.memory_space<semaphore_mem>>) src(%arg13 : memref<128x128xf32, #tpu.memory_space<vmem>>) dst(%dma_wait3A_71 : memref<10240x128xf32, #tpu.memory_space<vmem_shared>>)
      %dma_start3A_72 = arith.constant 2 : i32
      %dma_start3A_73 = arith.constant 0 : i32
      %dma_start3A_74 = tpu.memref_slice %arg11[%rem3A_40, %dma_start3A_72, %dma_start3A_73] : memref<2x8x128xi32, #tpu.memory_space<vmem>> -> memref<1x1x128xi32, #tpu.memory_space<vmem>>
      %dma_start3A_75 = tpu.memref_squeeze %dma_start3A_74 : memref<1x1x128xi32, #tpu.memory_space<vmem>> -> memref<128xi32, #tpu.memory_space<vmem>>
      %dma_start3A_76 = arith.constant 0 : i32
      %dma_start3A_77 = arith.constant 0 : i32
      %dma_start3A_78 = tpu.memref_slice %arg2[%dma_start3A_76, %dma_start3A_77] : memref<10240x128xf32, #tpu.memory_space<hbm>> -> memref<10240x128xf32, #tpu.memory_space<hbm>>
      tpu.enqueue_indirect_dma source(%dma_start3A_78 : memref<10240x128xf32, #tpu.memory_space<hbm>>) target(%arg13 : memref<128x128xf32, #tpu.memory_space<vmem>>) offsets(%dma_start3A_75 : memref<128xi32, #tpu.memory_space<vmem>>) semaphore(%arg18 : memref<!tpu.dma_semaphore, #tpu.memory_space<semaphore_mem>>)
      %dma_wait3A_79 = arith.constant 1 : i32
      %dma_wait3A_80 = arith.constant 0 : i32
      %dma_wait3A_81 = tpu.memref_slice %arg11[%rem3A_40, %dma_wait3A_79, %dma_wait3A_80] : memref<2x8x128xi32, #tpu.memory_space<vmem>> -> memref<1x1x128xi32, #tpu.memory_space<vmem>>
      %dma_wait3A_82 = tpu.memref_squeeze %dma_wait3A_81 : memref<1x1x128xi32, #tpu.memory_space<vmem>> -> memref<128xi32, #tpu.memory_space<vmem>>
      %dma_wait3A_83 = arith.constant 0 : i32
      %dma_wait3A_84 = arith.constant 0 : i32
      %dma_wait3A_85 = tpu.memref_slice %arg2[%dma_wait3A_83, %dma_wait3A_84] : memref<10240x128xf32, #tpu.memory_space<hbm>> -> memref<10240x128xf32, #tpu.memory_space<hbm>>
      tpu.wait_indirect_dma semaphore(%arg19 : memref<!tpu.dma_semaphore, #tpu.memory_space<semaphore_mem>>) src(%dma_wait3A_85 : memref<10240x128xf32, #tpu.memory_space<hbm>>) dst(%arg14 : memref<128x128xf32, #tpu.memory_space<vmem>>)
      %dma_start3A_86 = arith.constant 1 : i32
      %dma_start3A_87 = arith.constant 0 : i32
      %dma_start3A_88 = tpu.memref_slice %arg12[%rem3A_40, %dma_start3A_86, %dma_start3A_87] : memref<2x8x128xi32, #tpu.memory_space<vmem>> -> memref<1x1x128xi32, #tpu.memory_space<vmem>>
      %dma_start3A_89 = tpu.memref_squeeze %dma_start3A_88 : memref<1x1x128xi32, #tpu.memory_space<vmem>> -> memref<128xi32, #tpu.memory_space<vmem>>
      %dma_start3A_90 = arith.constant 0 : i32
      %dma_start3A_91 = arith.constant 0 : i32
      %dma_start3A_92 = tpu.memref_slice %arg16[%dma_start3A_90, %dma_start3A_91] : memref<10240x128xf32, #tpu.memory_space<vmem_shared>> -> memref<10240x128xf32, #tpu.memory_space<vmem_shared>>
      tpu.enqueue_indirect_dma source(%arg14 : memref<128x128xf32, #tpu.memory_space<vmem>>) target(%dma_start3A_92 : memref<10240x128xf32, #tpu.memory_space<vmem_shared>>) offsets(%dma_start3A_89 : memref<128xi32, #tpu.memory_space<vmem>>) semaphore(%arg19 : memref<!tpu.dma_semaphore, #tpu.memory_space<semaphore_mem>>) {add = true}
      %dma_start3A_93 = arith.constant 1 : i32
      %dma_start3A_94 = arith.constant 0 : i32
      %dma_start3A_95 = tpu.memref_slice %arg12[%rem3A_40, %dma_start3A_93, %dma_start3A_94] : memref<2x8x128xi32, #tpu.memory_space<vmem>> -> memref<1x1x128xi32, #tpu.memory_space<vmem>>
      %dma_start3A_96 = tpu.memref_squeeze %dma_start3A_95 : memref<1x1x128xi32, #tpu.memory_space<vmem>> -> memref<128xi32, #tpu.memory_space<vmem>>
      %dma_start3A_97 = arith.constant 0 : i32
      %dma_start3A_98 = tpu.memref_slice %arg17[%dma_start3A_97] : memref<10240xf32, #tpu.memory_space<vmem_shared>> -> memref<10240xf32, #tpu.memory_space<vmem_shared>>
      tpu.enqueue_indirect_dma source(%arg15 : memref<128xf32, #tpu.memory_space<vmem>>) target(%dma_start3A_98 : memref<10240xf32, #tpu.memory_space<vmem_shared>>) offsets(%dma_start3A_96 : memref<128xi32, #tpu.memory_space<vmem>>) semaphore(%arg21 : memref<!tpu.dma_semaphore, #tpu.memory_space<semaphore_mem>>) {add = true}
      %dma_wait3A_99 = arith.constant 0 : i32
      %dma_wait3A_100 = arith.constant 0 : i32
      %dma_wait3A_101 = arith.constant 0 : i32
      %dma_wait3A_102 = tpu.memref_slice %arg12[%dma_wait3A_99, %dma_wait3A_100, %dma_wait3A_101] : memref<2x8x128xi32, #tpu.memory_space<vmem>> -> memref<1x1x128xi32, #tpu.memory_space<vmem>>
      %dma_wait3A_103 = tpu.memref_squeeze %dma_wait3A_102 : memref<1x1x128xi32, #tpu.memory_space<vmem>> -> memref<128xi32, #tpu.memory_space<vmem>>
      %dma_wait3A_104 = arith.constant 0 : i32
      %dma_wait3A_105 = arith.constant 0 : i32
      %dma_wait3A_106 = tpu.memref_slice %arg16[%dma_wait3A_104, %dma_wait3A_105] : memref<10240x128xf32, #tpu.memory_space<vmem_shared>> -> memref<10240x128xf32, #tpu.memory_space<vmem_shared>>
      tpu.wait_indirect_dma semaphore(%arg19 : memref<!tpu.dma_semaphore, #tpu.memory_space<semaphore_mem>>) src(%arg14 : memref<128x128xf32, #tpu.memory_space<vmem>>) dst(%dma_wait3A_106 : memref<10240x128xf32, #tpu.memory_space<vmem_shared>>)
      %dma_start3A_107 = arith.constant 3 : i32
      %dma_start3A_108 = arith.constant 0 : i32
      %dma_start3A_109 = tpu.memref_slice %arg11[%rem3A_40, %dma_start3A_107, %dma_start3A_108] : memref<2x8x128xi32, #tpu.memory_space<vmem>> -> memref<1x1x128xi32, #tpu.memory_space<vmem>>
      %dma_start3A_110 = tpu.memref_squeeze %dma_start3A_109 : memref<1x1x128xi32, #tpu.memory_space<vmem>> -> memref<128xi32, #tpu.memory_space<vmem>>
      %dma_start3A_111 = arith.constant 0 : i32
      %dma_start3A_112 = arith.constant 0 : i32
      %dma_start3A_113 = tpu.memref_slice %arg2[%dma_start3A_111, %dma_start3A_112] : memref<10240x128xf32, #tpu.memory_space<hbm>> -> memref<10240x128xf32, #tpu.memory_space<hbm>>
      tpu.enqueue_indirect_dma source(%dma_start3A_113 : memref<10240x128xf32, #tpu.memory_space<hbm>>) target(%arg14 : memref<128x128xf32, #tpu.memory_space<vmem>>) offsets(%dma_start3A_110 : memref<128xi32, #tpu.memory_space<vmem>>) semaphore(%arg19 : memref<!tpu.dma_semaphore, #tpu.memory_space<semaphore_mem>>)
      %dma_wait3A_114 = arith.constant 2 : i32
      %dma_wait3A_115 = arith.constant 0 : i32
      %dma_wait3A_116 = tpu.memref_slice %arg11[%rem3A_40, %dma_wait3A_114, %dma_wait3A_115] : memref<2x8x128xi32, #tpu.memory_space<vmem>> -> memref<1x1x128xi32, #tpu.memory_space<vmem>>
      %dma_wait3A_117 = tpu.memref_squeeze %dma_wait3A_116 : memref<1x1x128xi32, #tpu.memory_space<vmem>> -> memref<128xi32, #tpu.memory_space<vmem>>
      %dma_wait3A_118 = arith.constant 0 : i32
      %dma_wait3A_119 = arith.constant 0 : i32
      %dma_wait3A_120 = tpu.memref_slice %arg2[%dma_wait3A_118, %dma_wait3A_119] : memref<10240x128xf32, #tpu.memory_space<hbm>> -> memref<10240x128xf32, #tpu.memory_space<hbm>>
      tpu.wait_indirect_dma semaphore(%arg18 : memref<!tpu.dma_semaphore, #tpu.memory_space<semaphore_mem>>) src(%dma_wait3A_120 : memref<10240x128xf32, #tpu.memory_space<hbm>>) dst(%arg13 : memref<128x128xf32, #tpu.memory_space<vmem>>)
      %dma_start3A_121 = arith.constant 2 : i32
      %dma_start3A_122 = arith.constant 0 : i32
      %dma_start3A_123 = tpu.memref_slice %arg12[%rem3A_40, %dma_start3A_121, %dma_start3A_122] : memref<2x8x128xi32, #tpu.memory_space<vmem>> -> memref<1x1x128xi32, #tpu.memory_space<vmem>>
      %dma_start3A_124 = tpu.memref_squeeze %dma_start3A_123 : memref<1x1x128xi32, #tpu.memory_space<vmem>> -> memref<128xi32, #tpu.memory_space<vmem>>
      %dma_start3A_125 = arith.constant 0 : i32
      %dma_start3A_126 = arith.constant 0 : i32
      %dma_start3A_127 = tpu.memref_slice %arg16[%dma_start3A_125, %dma_start3A_126] : memref<10240x128xf32, #tpu.memory_space<vmem_shared>> -> memref<10240x128xf32, #tpu.memory_space<vmem_shared>>
      tpu.enqueue_indirect_dma source(%arg13 : memref<128x128xf32, #tpu.memory_space<vmem>>) target(%dma_start3A_127 : memref<10240x128xf32, #tpu.memory_space<vmem_shared>>) offsets(%dma_start3A_124 : memref<128xi32, #tpu.memory_space<vmem>>) semaphore(%arg18 : memref<!tpu.dma_semaphore, #tpu.memory_space<semaphore_mem>>) {add = true}
      %dma_start3A_128 = arith.constant 2 : i32
      %dma_start3A_129 = arith.constant 0 : i32
      %dma_start3A_130 = tpu.memref_slice %arg12[%rem3A_40, %dma_start3A_128, %dma_start3A_129] : memref<2x8x128xi32, #tpu.memory_space<vmem>> -> memref<1x1x128xi32, #tpu.memory_space<vmem>>
      %dma_start3A_131 = tpu.memref_squeeze %dma_start3A_130 : memref<1x1x128xi32, #tpu.memory_space<vmem>> -> memref<128xi32, #tpu.memory_space<vmem>>
      %dma_start3A_132 = arith.constant 0 : i32
      %dma_start3A_133 = tpu.memref_slice %arg17[%dma_start3A_132] : memref<10240xf32, #tpu.memory_space<vmem_shared>> -> memref<10240xf32, #tpu.memory_space<vmem_shared>>
      tpu.enqueue_indirect_dma source(%arg15 : memref<128xf32, #tpu.memory_space<vmem>>) target(%dma_start3A_133 : memref<10240xf32, #tpu.memory_space<vmem_shared>>) offsets(%dma_start3A_131 : memref<128xi32, #tpu.memory_space<vmem>>) semaphore(%arg21 : memref<!tpu.dma_semaphore, #tpu.memory_space<semaphore_mem>>) {add = true}
      %lt3A = arith.constant 9 : i32
      %lt3A_134 = arith.cmpi slt, %scan3A_39, %lt3A : i32
      %convert_element_type3A_135 = arith.extui %lt3A_134 : i1 to i32
      %cond3A_136 = arith.constant 0 : i32
      %cond3A_137 = arith.cmpi ne, %convert_element_type3A_135, %cond3A_136 : i32
      scf.if %cond3A_137 {
        %add3A_330 = arith.constant 1 : i32
        %add3A_331 = arith.addi %scan3A_39, %add3A_330 : i32
        %mul3A_332 = arith.constant 8 : i32
        %mul3A_333 = arith.muli %add3A_331, %mul3A_332 : i32
        %dma_start3A_334 = arith.constant 0 : i32
        %dma_start3A_335 = arith.constant 0 : i32
        %dma_start3A_336 = tpu.memref_slice %arg11[%rem3A_44, %dma_start3A_334, %dma_start3A_335] : memref<2x8x128xi32, #tpu.memory_space<vmem>> -> memref<1x8x128xi32, #tpu.memory_space<vmem>>
        %dma_start3A_337 = tpu.memref_squeeze %dma_start3A_336 : memref<1x8x128xi32, #tpu.memory_space<vmem>> -> memref<8x128xi32, #tpu.memory_space<vmem>>
        %dma_start3A_338 = arith.constant 0 : i32
        %dma_start3A_339 = tpu.memref_slice %arg3[%add3A, %mul3A_333, %dma_start3A_338] : memref<64x80x128xi32, #tpu.memory_space<hbm>> -> memref<1x8x128xi32, #tpu.memory_space<hbm>>
        %dma_start3A_340 = tpu.memref_squeeze %dma_start3A_339 : memref<1x8x128xi32, #tpu.memory_space<hbm>> -> memref<8x128xi32, #tpu.memory_space<hbm>>
        %dma_start3A_341 = arith.constant 0 : i32
        %dma_start3A_342 = arith.constant 0 : i32
        %dma_start3A_343 = tpu.memref_slice %arg11[%rem3A_44, %dma_start3A_341, %dma_start3A_342] : memref<2x8x128xi32, #tpu.memory_space<vmem>> -> memref<1x8x128xi32, #tpu.memory_space<vmem>>
        %dma_start3A_344 = tpu.memref_squeeze %dma_start3A_343 : memref<1x8x128xi32, #tpu.memory_space<vmem>> -> memref<8x128xi32, #tpu.memory_space<vmem>>
        %dma_start3A_345 = arith.constant 0 : i32
        %dma_start3A_346 = tpu.memref_slice %arg3[%add3A, %mul3A_333, %dma_start3A_345] : memref<64x80x128xi32, #tpu.memory_space<hbm>> -> memref<1x8x128xi32, #tpu.memory_space<hbm>>
        %dma_start3A_347 = tpu.memref_squeeze %dma_start3A_346 : memref<1x8x128xi32, #tpu.memory_space<hbm>> -> memref<8x128xi32, #tpu.memory_space<hbm>>
        tpu.enqueue_dma source(%dma_start3A_347 : memref<8x128xi32, #tpu.memory_space<hbm>>) target(%dma_start3A_344 : memref<8x128xi32, #tpu.memory_space<vmem>>) target_semaphore(%arg20 : memref<!tpu.dma_semaphore, #tpu.memory_space<semaphore_mem>>)
        %add3A_348 = arith.constant 32 : i32
        %add3A_349 = arith.addi %add3A_348, %add3A : i32
        %dma_start3A_350 = arith.constant 0 : i32
        %dma_start3A_351 = arith.constant 0 : i32
        %dma_start3A_352 = tpu.memref_slice %arg12[%rem3A_44, %dma_start3A_350, %dma_start3A_351] : memref<2x8x128xi32, #tpu.memory_space<vmem>> -> memref<1x8x128xi32, #tpu.memory_space<vmem>>
        %dma_start3A_353 = tpu.memref_squeeze %dma_start3A_352 : memref<1x8x128xi32, #tpu.memory_space<vmem>> -> memref<8x128xi32, #tpu.memory_space<vmem>>
        %dma_start3A_354 = arith.constant 0 : i32
        %dma_start3A_355 = tpu.memref_slice %arg3[%add3A_349, %mul3A_333, %dma_start3A_354] : memref<64x80x128xi32, #tpu.memory_space<hbm>> -> memref<1x8x128xi32, #tpu.memory_space<hbm>>
        %dma_start3A_356 = tpu.memref_squeeze %dma_start3A_355 : memref<1x8x128xi32, #tpu.memory_space<hbm>> -> memref<8x128xi32, #tpu.memory_space<hbm>>
        %dma_start3A_357 = arith.constant 0 : i32
        %dma_start3A_358 = arith.constant 0 : i32
        %dma_start3A_359 = tpu.memref_slice %arg12[%rem3A_44, %dma_start3A_357, %dma_start3A_358] : memref<2x8x128xi32, #tpu.memory_space<vmem>> -> memref<1x8x128xi32, #tpu.memory_space<vmem>>
        %dma_start3A_360 = tpu.memref_squeeze %dma_start3A_359 : memref<1x8x128xi32, #tpu.memory_space<vmem>> -> memref<8x128xi32, #tpu.memory_space<vmem>>
        %dma_start3A_361 = arith.constant 0 : i32
        %dma_start3A_362 = tpu.memref_slice %arg3[%add3A_349, %mul3A_333, %dma_start3A_361] : memref<64x80x128xi32, #tpu.memory_space<hbm>> -> memref<1x8x128xi32, #tpu.memory_space<hbm>>
        %dma_start3A_363 = tpu.memref_squeeze %dma_start3A_362 : memref<1x8x128xi32, #tpu.memory_space<hbm>> -> memref<8x128xi32, #tpu.memory_space<hbm>>
        tpu.enqueue_dma source(%dma_start3A_363 : memref<8x128xi32, #tpu.memory_space<hbm>>) target(%dma_start3A_360 : memref<8x128xi32, #tpu.memory_space<vmem>>) target_semaphore(%arg20 : memref<!tpu.dma_semaphore, #tpu.memory_space<semaphore_mem>>)
      } else {
      }
      %dma_wait3A_138 = arith.constant 0 : i32
      %dma_wait3A_139 = arith.constant 0 : i32
      %dma_wait3A_140 = arith.constant 0 : i32
      %dma_wait3A_141 = tpu.memref_slice %arg12[%dma_wait3A_138, %dma_wait3A_139, %dma_wait3A_140] : memref<2x8x128xi32, #tpu.memory_space<vmem>> -> memref<1x1x128xi32, #tpu.memory_space<vmem>>
      %dma_wait3A_142 = tpu.memref_squeeze %dma_wait3A_141 : memref<1x1x128xi32, #tpu.memory_space<vmem>> -> memref<128xi32, #tpu.memory_space<vmem>>
      %dma_wait3A_143 = arith.constant 0 : i32
      %dma_wait3A_144 = arith.constant 0 : i32
      %dma_wait3A_145 = tpu.memref_slice %arg16[%dma_wait3A_143, %dma_wait3A_144] : memref<10240x128xf32, #tpu.memory_space<vmem_shared>> -> memref<10240x128xf32, #tpu.memory_space<vmem_shared>>
      tpu.wait_indirect_dma semaphore(%arg18 : memref<!tpu.dma_semaphore, #tpu.memory_space<semaphore_mem>>) src(%arg13 : memref<128x128xf32, #tpu.memory_space<vmem>>) dst(%dma_wait3A_145 : memref<10240x128xf32, #tpu.memory_space<vmem_shared>>)
      %dma_start3A_146 = arith.constant 4 : i32
      %dma_start3A_147 = arith.constant 0 : i32
      %dma_start3A_148 = tpu.memref_slice %arg11[%rem3A_40, %dma_start3A_146, %dma_start3A_147] : memref<2x8x128xi32, #tpu.memory_space<vmem>> -> memref<1x1x128xi32, #tpu.memory_space<vmem>>
      %dma_start3A_149 = tpu.memref_squeeze %dma_start3A_148 : memref<1x1x128xi32, #tpu.memory_space<vmem>> -> memref<128xi32, #tpu.memory_space<vmem>>
      %dma_start3A_150 = arith.constant 0 : i32
      %dma_start3A_151 = arith.constant 0 : i32
      %dma_start3A_152 = tpu.memref_slice %arg2[%dma_start3A_150, %dma_start3A_151] : memref<10240x128xf32, #tpu.memory_space<hbm>> -> memref<10240x128xf32, #tpu.memory_space<hbm>>
      tpu.enqueue_indirect_dma source(%dma_start3A_152 : memref<10240x128xf32, #tpu.memory_space<hbm>>) target(%arg13 : memref<128x128xf32, #tpu.memory_space<vmem>>) offsets(%dma_start3A_149 : memref<128xi32, #tpu.memory_space<vmem>>) semaphore(%arg18 : memref<!tpu.dma_semaphore, #tpu.memory_space<semaphore_mem>>)
      %dma_wait3A_153 = arith.constant 3 : i32
      %dma_wait3A_154 = arith.constant 0 : i32
      %dma_wait3A_155 = tpu.memref_slice %arg11[%rem3A_40, %dma_wait3A_153, %dma_wait3A_154] : memref<2x8x128xi32, #tpu.memory_space<vmem>> -> memref<1x1x128xi32, #tpu.memory_space<vmem>>
      %dma_wait3A_156 = tpu.memref_squeeze %dma_wait3A_155 : memref<1x1x128xi32, #tpu.memory_space<vmem>> -> memref<128xi32, #tpu.memory_space<vmem>>
      %dma_wait3A_157 = arith.constant 0 : i32
      %dma_wait3A_158 = arith.constant 0 : i32
      %dma_wait3A_159 = tpu.memref_slice %arg2[%dma_wait3A_157, %dma_wait3A_158] : memref<10240x128xf32, #tpu.memory_space<hbm>> -> memref<10240x128xf32, #tpu.memory_space<hbm>>
      tpu.wait_indirect_dma semaphore(%arg19 : memref<!tpu.dma_semaphore, #tpu.memory_space<semaphore_mem>>) src(%dma_wait3A_159 : memref<10240x128xf32, #tpu.memory_space<hbm>>) dst(%arg14 : memref<128x128xf32, #tpu.memory_space<vmem>>)
      %dma_start3A_160 = arith.constant 3 : i32
      %dma_start3A_161 = arith.constant 0 : i32
      %dma_start3A_162 = tpu.memref_slice %arg12[%rem3A_40, %dma_start3A_160, %dma_start3A_161] : memref<2x8x128xi32, #tpu.memory_space<vmem>> -> memref<1x1x128xi32, #tpu.memory_space<vmem>>
      %dma_start3A_163 = tpu.memref_squeeze %dma_start3A_162 : memref<1x1x128xi32, #tpu.memory_space<vmem>> -> memref<128xi32, #tpu.memory_space<vmem>>
      %dma_start3A_164 = arith.constant 0 : i32
      %dma_start3A_165 = arith.constant 0 : i32
      %dma_start3A_166 = tpu.memref_slice %arg16[%dma_start3A_164, %dma_start3A_165] : memref<10240x128xf32, #tpu.memory_space<vmem_shared>> -> memref<10240x128xf32, #tpu.memory_space<vmem_shared>>
      tpu.enqueue_indirect_dma source(%arg14 : memref<128x128xf32, #tpu.memory_space<vmem>>) target(%dma_start3A_166 : memref<10240x128xf32, #tpu.memory_space<vmem_shared>>) offsets(%dma_start3A_163 : memref<128xi32, #tpu.memory_space<vmem>>) semaphore(%arg19 : memref<!tpu.dma_semaphore, #tpu.memory_space<semaphore_mem>>) {add = true}
      %dma_start3A_167 = arith.constant 3 : i32
      %dma_start3A_168 = arith.constant 0 : i32
      %dma_start3A_169 = tpu.memref_slice %arg12[%rem3A_40, %dma_start3A_167, %dma_start3A_168] : memref<2x8x128xi32, #tpu.memory_space<vmem>> -> memref<1x1x128xi32, #tpu.memory_space<vmem>>
      %dma_start3A_170 = tpu.memref_squeeze %dma_start3A_169 : memref<1x1x128xi32, #tpu.memory_space<vmem>> -> memref<128xi32, #tpu.memory_space<vmem>>
      %dma_start3A_171 = arith.constant 0 : i32
      %dma_start3A_172 = tpu.memref_slice %arg17[%dma_start3A_171] : memref<10240xf32, #tpu.memory_space<vmem_shared>> -> memref<10240xf32, #tpu.memory_space<vmem_shared>>
      tpu.enqueue_indirect_dma source(%arg15 : memref<128xf32, #tpu.memory_space<vmem>>) target(%dma_start3A_172 : memref<10240xf32, #tpu.memory_space<vmem_shared>>) offsets(%dma_start3A_170 : memref<128xi32, #tpu.memory_space<vmem>>) semaphore(%arg21 : memref<!tpu.dma_semaphore, #tpu.memory_space<semaphore_mem>>) {add = true}
      %dma_wait3A_173 = arith.constant 0 : i32
      %dma_wait3A_174 = arith.constant 0 : i32
      %dma_wait3A_175 = arith.constant 0 : i32
      %dma_wait3A_176 = tpu.memref_slice %arg12[%dma_wait3A_173, %dma_wait3A_174, %dma_wait3A_175] : memref<2x8x128xi32, #tpu.memory_space<vmem>> -> memref<1x1x128xi32, #tpu.memory_space<vmem>>
      %dma_wait3A_177 = tpu.memref_squeeze %dma_wait3A_176 : memref<1x1x128xi32, #tpu.memory_space<vmem>> -> memref<128xi32, #tpu.memory_space<vmem>>
      %dma_wait3A_178 = arith.constant 0 : i32
      %dma_wait3A_179 = arith.constant 0 : i32
      %dma_wait3A_180 = tpu.memref_slice %arg16[%dma_wait3A_178, %dma_wait3A_179] : memref<10240x128xf32, #tpu.memory_space<vmem_shared>> -> memref<10240x128xf32, #tpu.memory_space<vmem_shared>>
      tpu.wait_indirect_dma semaphore(%arg19 : memref<!tpu.dma_semaphore, #tpu.memory_space<semaphore_mem>>) src(%arg14 : memref<128x128xf32, #tpu.memory_space<vmem>>) dst(%dma_wait3A_180 : memref<10240x128xf32, #tpu.memory_space<vmem_shared>>)
      %dma_start3A_181 = arith.constant 5 : i32
      %dma_start3A_182 = arith.constant 0 : i32
      %dma_start3A_183 = tpu.memref_slice %arg11[%rem3A_40, %dma_start3A_181, %dma_start3A_182] : memref<2x8x128xi32, #tpu.memory_space<vmem>> -> memref<1x1x128xi32, #tpu.memory_space<vmem>>
      %dma_start3A_184 = tpu.memref_squeeze %dma_start3A_183 : memref<1x1x128xi32, #tpu.memory_space<vmem>> -> memref<128xi32, #tpu.memory_space<vmem>>
      %dma_start3A_185 = arith.constant 0 : i32
      %dma_start3A_186 = arith.constant 0 : i32
      %dma_start3A_187 = tpu.memref_slice %arg2[%dma_start3A_185, %dma_start3A_186] : memref<10240x128xf32, #tpu.memory_space<hbm>> -> memref<10240x128xf32, #tpu.memory_space<hbm>>
      tpu.enqueue_indirect_dma source(%dma_start3A_187 : memref<10240x128xf32, #tpu.memory_space<hbm>>) target(%arg14 : memref<128x128xf32, #tpu.memory_space<vmem>>) offsets(%dma_start3A_184 : memref<128xi32, #tpu.memory_space<vmem>>) semaphore(%arg19 : memref<!tpu.dma_semaphore, #tpu.memory_space<semaphore_mem>>)
      %dma_wait3A_188 = arith.constant 4 : i32
      %dma_wait3A_189 = arith.constant 0 : i32
      %dma_wait3A_190 = tpu.memref_slice %arg11[%rem3A_40, %dma_wait3A_188, %dma_wait3A_189] : memref<2x8x128xi32, #tpu.memory_space<vmem>> -> memref<1x1x128xi32, #tpu.memory_space<vmem>>
      %dma_wait3A_191 = tpu.memref_squeeze %dma_wait3A_190 : memref<1x1x128xi32, #tpu.memory_space<vmem>> -> memref<128xi32, #tpu.memory_space<vmem>>
      %dma_wait3A_192 = arith.constant 0 : i32
      %dma_wait3A_193 = arith.constant 0 : i32
      %dma_wait3A_194 = tpu.memref_slice %arg2[%dma_wait3A_192, %dma_wait3A_193] : memref<10240x128xf32, #tpu.memory_space<hbm>> -> memref<10240x128xf32, #tpu.memory_space<hbm>>
      tpu.wait_indirect_dma semaphore(%arg18 : memref<!tpu.dma_semaphore, #tpu.memory_space<semaphore_mem>>) src(%dma_wait3A_194 : memref<10240x128xf32, #tpu.memory_space<hbm>>) dst(%arg13 : memref<128x128xf32, #tpu.memory_space<vmem>>)
      %dma_start3A_195 = arith.constant 4 : i32
      %dma_start3A_196 = arith.constant 0 : i32
      %dma_start3A_197 = tpu.memref_slice %arg12[%rem3A_40, %dma_start3A_195, %dma_start3A_196] : memref<2x8x128xi32, #tpu.memory_space<vmem>> -> memref<1x1x128xi32, #tpu.memory_space<vmem>>
      %dma_start3A_198 = tpu.memref_squeeze %dma_start3A_197 : memref<1x1x128xi32, #tpu.memory_space<vmem>> -> memref<128xi32, #tpu.memory_space<vmem>>
      %dma_start3A_199 = arith.constant 0 : i32
      %dma_start3A_200 = arith.constant 0 : i32
      %dma_start3A_201 = tpu.memref_slice %arg16[%dma_start3A_199, %dma_start3A_200] : memref<10240x128xf32, #tpu.memory_space<vmem_shared>> -> memref<10240x128xf32, #tpu.memory_space<vmem_shared>>
      tpu.enqueue_indirect_dma source(%arg13 : memref<128x128xf32, #tpu.memory_space<vmem>>) target(%dma_start3A_201 : memref<10240x128xf32, #tpu.memory_space<vmem_shared>>) offsets(%dma_start3A_198 : memref<128xi32, #tpu.memory_space<vmem>>) semaphore(%arg18 : memref<!tpu.dma_semaphore, #tpu.memory_space<semaphore_mem>>) {add = true}
      %dma_start3A_202 = arith.constant 4 : i32
      %dma_start3A_203 = arith.constant 0 : i32
      %dma_start3A_204 = tpu.memref_slice %arg12[%rem3A_40, %dma_start3A_202, %dma_start3A_203] : memref<2x8x128xi32, #tpu.memory_space<vmem>> -> memref<1x1x128xi32, #tpu.memory_space<vmem>>
      %dma_start3A_205 = tpu.memref_squeeze %dma_start3A_204 : memref<1x1x128xi32, #tpu.memory_space<vmem>> -> memref<128xi32, #tpu.memory_space<vmem>>
      %dma_start3A_206 = arith.constant 0 : i32
      %dma_start3A_207 = tpu.memref_slice %arg17[%dma_start3A_206] : memref<10240xf32, #tpu.memory_space<vmem_shared>> -> memref<10240xf32, #tpu.memory_space<vmem_shared>>
      tpu.enqueue_indirect_dma source(%arg15 : memref<128xf32, #tpu.memory_space<vmem>>) target(%dma_start3A_207 : memref<10240xf32, #tpu.memory_space<vmem_shared>>) offsets(%dma_start3A_205 : memref<128xi32, #tpu.memory_space<vmem>>) semaphore(%arg21 : memref<!tpu.dma_semaphore, #tpu.memory_space<semaphore_mem>>) {add = true}
      %dma_wait3A_208 = arith.constant 0 : i32
      %dma_wait3A_209 = arith.constant 0 : i32
      %dma_wait3A_210 = arith.constant 0 : i32
      %dma_wait3A_211 = tpu.memref_slice %arg12[%dma_wait3A_208, %dma_wait3A_209, %dma_wait3A_210] : memref<2x8x128xi32, #tpu.memory_space<vmem>> -> memref<1x1x128xi32, #tpu.memory_space<vmem>>
      %dma_wait3A_212 = tpu.memref_squeeze %dma_wait3A_211 : memref<1x1x128xi32, #tpu.memory_space<vmem>> -> memref<128xi32, #tpu.memory_space<vmem>>
      %dma_wait3A_213 = arith.constant 0 : i32
      %dma_wait3A_214 = arith.constant 0 : i32
      %dma_wait3A_215 = tpu.memref_slice %arg16[%dma_wait3A_213, %dma_wait3A_214] : memref<10240x128xf32, #tpu.memory_space<vmem_shared>> -> memref<10240x128xf32, #tpu.memory_space<vmem_shared>>
      tpu.wait_indirect_dma semaphore(%arg18 : memref<!tpu.dma_semaphore, #tpu.memory_space<semaphore_mem>>) src(%arg13 : memref<128x128xf32, #tpu.memory_space<vmem>>) dst(%dma_wait3A_215 : memref<10240x128xf32, #tpu.memory_space<vmem_shared>>)
      %dma_start3A_216 = arith.constant 6 : i32
      %dma_start3A_217 = arith.constant 0 : i32
      %dma_start3A_218 = tpu.memref_slice %arg11[%rem3A_40, %dma_start3A_216, %dma_start3A_217] : memref<2x8x128xi32, #tpu.memory_space<vmem>> -> memref<1x1x128xi32, #tpu.memory_space<vmem>>
      %dma_start3A_219 = tpu.memref_squeeze %dma_start3A_218 : memref<1x1x128xi32, #tpu.memory_space<vmem>> -> memref<128xi32, #tpu.memory_space<vmem>>
      %dma_start3A_220 = arith.constant 0 : i32
      %dma_start3A_221 = arith.constant 0 : i32
      %dma_start3A_222 = tpu.memref_slice %arg2[%dma_start3A_220, %dma_start3A_221] : memref<10240x128xf32, #tpu.memory_space<hbm>> -> memref<10240x128xf32, #tpu.memory_space<hbm>>
      tpu.enqueue_indirect_dma source(%dma_start3A_222 : memref<10240x128xf32, #tpu.memory_space<hbm>>) target(%arg13 : memref<128x128xf32, #tpu.memory_space<vmem>>) offsets(%dma_start3A_219 : memref<128xi32, #tpu.memory_space<vmem>>) semaphore(%arg18 : memref<!tpu.dma_semaphore, #tpu.memory_space<semaphore_mem>>)
      %dma_wait3A_223 = arith.constant 5 : i32
      %dma_wait3A_224 = arith.constant 0 : i32
      %dma_wait3A_225 = tpu.memref_slice %arg11[%rem3A_40, %dma_wait3A_223, %dma_wait3A_224] : memref<2x8x128xi32, #tpu.memory_space<vmem>> -> memref<1x1x128xi32, #tpu.memory_space<vmem>>
      %dma_wait3A_226 = tpu.memref_squeeze %dma_wait3A_225 : memref<1x1x128xi32, #tpu.memory_space<vmem>> -> memref<128xi32, #tpu.memory_space<vmem>>
      %dma_wait3A_227 = arith.constant 0 : i32
      %dma_wait3A_228 = arith.constant 0 : i32
      %dma_wait3A_229 = tpu.memref_slice %arg2[%dma_wait3A_227, %dma_wait3A_228] : memref<10240x128xf32, #tpu.memory_space<hbm>> -> memref<10240x128xf32, #tpu.memory_space<hbm>>
      tpu.wait_indirect_dma semaphore(%arg19 : memref<!tpu.dma_semaphore, #tpu.memory_space<semaphore_mem>>) src(%dma_wait3A_229 : memref<10240x128xf32, #tpu.memory_space<hbm>>) dst(%arg14 : memref<128x128xf32, #tpu.memory_space<vmem>>)
      %dma_start3A_230 = arith.constant 5 : i32
      %dma_start3A_231 = arith.constant 0 : i32
      %dma_start3A_232 = tpu.memref_slice %arg12[%rem3A_40, %dma_start3A_230, %dma_start3A_231] : memref<2x8x128xi32, #tpu.memory_space<vmem>> -> memref<1x1x128xi32, #tpu.memory_space<vmem>>
      %dma_start3A_233 = tpu.memref_squeeze %dma_start3A_232 : memref<1x1x128xi32, #tpu.memory_space<vmem>> -> memref<128xi32, #tpu.memory_space<vmem>>
      %dma_start3A_234 = arith.constant 0 : i32
      %dma_start3A_235 = arith.constant 0 : i32
      %dma_start3A_236 = tpu.memref_slice %arg16[%dma_start3A_234, %dma_start3A_235] : memref<10240x128xf32, #tpu.memory_space<vmem_shared>> -> memref<10240x128xf32, #tpu.memory_space<vmem_shared>>
      tpu.enqueue_indirect_dma source(%arg14 : memref<128x128xf32, #tpu.memory_space<vmem>>) target(%dma_start3A_236 : memref<10240x128xf32, #tpu.memory_space<vmem_shared>>) offsets(%dma_start3A_233 : memref<128xi32, #tpu.memory_space<vmem>>) semaphore(%arg19 : memref<!tpu.dma_semaphore, #tpu.memory_space<semaphore_mem>>) {add = true}
      %dma_start3A_237 = arith.constant 5 : i32
      %dma_start3A_238 = arith.constant 0 : i32
      %dma_start3A_239 = tpu.memref_slice %arg12[%rem3A_40, %dma_start3A_237, %dma_start3A_238] : memref<2x8x128xi32, #tpu.memory_space<vmem>> -> memref<1x1x128xi32, #tpu.memory_space<vmem>>
      %dma_start3A_240 = tpu.memref_squeeze %dma_start3A_239 : memref<1x1x128xi32, #tpu.memory_space<vmem>> -> memref<128xi32, #tpu.memory_space<vmem>>
      %dma_start3A_241 = arith.constant 0 : i32
      %dma_start3A_242 = tpu.memref_slice %arg17[%dma_start3A_241] : memref<10240xf32, #tpu.memory_space<vmem_shared>> -> memref<10240xf32, #tpu.memory_space<vmem_shared>>
      tpu.enqueue_indirect_dma source(%arg15 : memref<128xf32, #tpu.memory_space<vmem>>) target(%dma_start3A_242 : memref<10240xf32, #tpu.memory_space<vmem_shared>>) offsets(%dma_start3A_240 : memref<128xi32, #tpu.memory_space<vmem>>) semaphore(%arg21 : memref<!tpu.dma_semaphore, #tpu.memory_space<semaphore_mem>>) {add = true}
      %dma_wait3A_243 = arith.constant 0 : i32
      %dma_wait3A_244 = arith.constant 0 : i32
      %dma_wait3A_245 = arith.constant 0 : i32
      %dma_wait3A_246 = tpu.memref_slice %arg12[%dma_wait3A_243, %dma_wait3A_244, %dma_wait3A_245] : memref<2x8x128xi32, #tpu.memory_space<vmem>> -> memref<1x1x128xi32, #tpu.memory_space<vmem>>
      %dma_wait3A_247 = tpu.memref_squeeze %dma_wait3A_246 : memref<1x1x128xi32, #tpu.memory_space<vmem>> -> memref<128xi32, #tpu.memory_space<vmem>>
      %dma_wait3A_248 = arith.constant 0 : i32
      %dma_wait3A_249 = arith.constant 0 : i32
      %dma_wait3A_250 = tpu.memref_slice %arg16[%dma_wait3A_248, %dma_wait3A_249] : memref<10240x128xf32, #tpu.memory_space<vmem_shared>> -> memref<10240x128xf32, #tpu.memory_space<vmem_shared>>
      tpu.wait_indirect_dma semaphore(%arg19 : memref<!tpu.dma_semaphore, #tpu.memory_space<semaphore_mem>>) src(%arg14 : memref<128x128xf32, #tpu.memory_space<vmem>>) dst(%dma_wait3A_250 : memref<10240x128xf32, #tpu.memory_space<vmem_shared>>)
      %dma_start3A_251 = arith.constant 7 : i32
      %dma_start3A_252 = arith.constant 0 : i32
      %dma_start3A_253 = tpu.memref_slice %arg11[%rem3A_40, %dma_start3A_251, %dma_start3A_252] : memref<2x8x128xi32, #tpu.memory_space<vmem>> -> memref<1x1x128xi32, #tpu.memory_space<vmem>>
      %dma_start3A_254 = tpu.memref_squeeze %dma_start3A_253 : memref<1x1x128xi32, #tpu.memory_space<vmem>> -> memref<128xi32, #tpu.memory_space<vmem>>
      %dma_start3A_255 = arith.constant 0 : i32
      %dma_start3A_256 = arith.constant 0 : i32
      %dma_start3A_257 = tpu.memref_slice %arg2[%dma_start3A_255, %dma_start3A_256] : memref<10240x128xf32, #tpu.memory_space<hbm>> -> memref<10240x128xf32, #tpu.memory_space<hbm>>
      tpu.enqueue_indirect_dma source(%dma_start3A_257 : memref<10240x128xf32, #tpu.memory_space<hbm>>) target(%arg14 : memref<128x128xf32, #tpu.memory_space<vmem>>) offsets(%dma_start3A_254 : memref<128xi32, #tpu.memory_space<vmem>>) semaphore(%arg19 : memref<!tpu.dma_semaphore, #tpu.memory_space<semaphore_mem>>)
      %dma_wait3A_258 = arith.constant 6 : i32
      %dma_wait3A_259 = arith.constant 0 : i32
      %dma_wait3A_260 = tpu.memref_slice %arg11[%rem3A_40, %dma_wait3A_258, %dma_wait3A_259] : memref<2x8x128xi32, #tpu.memory_space<vmem>> -> memref<1x1x128xi32, #tpu.memory_space<vmem>>
      %dma_wait3A_261 = tpu.memref_squeeze %dma_wait3A_260 : memref<1x1x128xi32, #tpu.memory_space<vmem>> -> memref<128xi32, #tpu.memory_space<vmem>>
      %dma_wait3A_262 = arith.constant 0 : i32
      %dma_wait3A_263 = arith.constant 0 : i32
      %dma_wait3A_264 = tpu.memref_slice %arg2[%dma_wait3A_262, %dma_wait3A_263] : memref<10240x128xf32, #tpu.memory_space<hbm>> -> memref<10240x128xf32, #tpu.memory_space<hbm>>
      tpu.wait_indirect_dma semaphore(%arg18 : memref<!tpu.dma_semaphore, #tpu.memory_space<semaphore_mem>>) src(%dma_wait3A_264 : memref<10240x128xf32, #tpu.memory_space<hbm>>) dst(%arg13 : memref<128x128xf32, #tpu.memory_space<vmem>>)
      %dma_start3A_265 = arith.constant 6 : i32
      %dma_start3A_266 = arith.constant 0 : i32
      %dma_start3A_267 = tpu.memref_slice %arg12[%rem3A_40, %dma_start3A_265, %dma_start3A_266] : memref<2x8x128xi32, #tpu.memory_space<vmem>> -> memref<1x1x128xi32, #tpu.memory_space<vmem>>
      %dma_start3A_268 = tpu.memref_squeeze %dma_start3A_267 : memref<1x1x128xi32, #tpu.memory_space<vmem>> -> memref<128xi32, #tpu.memory_space<vmem>>
      %dma_start3A_269 = arith.constant 0 : i32
      %dma_start3A_270 = arith.constant 0 : i32
      %dma_start3A_271 = tpu.memref_slice %arg16[%dma_start3A_269, %dma_start3A_270] : memref<10240x128xf32, #tpu.memory_space<vmem_shared>> -> memref<10240x128xf32, #tpu.memory_space<vmem_shared>>
      tpu.enqueue_indirect_dma source(%arg13 : memref<128x128xf32, #tpu.memory_space<vmem>>) target(%dma_start3A_271 : memref<10240x128xf32, #tpu.memory_space<vmem_shared>>) offsets(%dma_start3A_268 : memref<128xi32, #tpu.memory_space<vmem>>) semaphore(%arg18 : memref<!tpu.dma_semaphore, #tpu.memory_space<semaphore_mem>>) {add = true}
      %dma_start3A_272 = arith.constant 6 : i32
      %dma_start3A_273 = arith.constant 0 : i32
      %dma_start3A_274 = tpu.memref_slice %arg12[%rem3A_40, %dma_start3A_272, %dma_start3A_273] : memref<2x8x128xi32, #tpu.memory_space<vmem>> -> memref<1x1x128xi32, #tpu.memory_space<vmem>>
      %dma_start3A_275 = tpu.memref_squeeze %dma_start3A_274 : memref<1x1x128xi32, #tpu.memory_space<vmem>> -> memref<128xi32, #tpu.memory_space<vmem>>
      %dma_start3A_276 = arith.constant 0 : i32
      %dma_start3A_277 = tpu.memref_slice %arg17[%dma_start3A_276] : memref<10240xf32, #tpu.memory_space<vmem_shared>> -> memref<10240xf32, #tpu.memory_space<vmem_shared>>
      tpu.enqueue_indirect_dma source(%arg15 : memref<128xf32, #tpu.memory_space<vmem>>) target(%dma_start3A_277 : memref<10240xf32, #tpu.memory_space<vmem_shared>>) offsets(%dma_start3A_275 : memref<128xi32, #tpu.memory_space<vmem>>) semaphore(%arg21 : memref<!tpu.dma_semaphore, #tpu.memory_space<semaphore_mem>>) {add = true}
      %dma_wait3A_278 = arith.constant 0 : i32
      %dma_wait3A_279 = arith.constant 0 : i32
      %dma_wait3A_280 = arith.constant 0 : i32
      %dma_wait3A_281 = tpu.memref_slice %arg12[%dma_wait3A_278, %dma_wait3A_279, %dma_wait3A_280] : memref<2x8x128xi32, #tpu.memory_space<vmem>> -> memref<1x1x128xi32, #tpu.memory_space<vmem>>
      %dma_wait3A_282 = tpu.memref_squeeze %dma_wait3A_281 : memref<1x1x128xi32, #tpu.memory_space<vmem>> -> memref<128xi32, #tpu.memory_space<vmem>>
      %dma_wait3A_283 = arith.constant 0 : i32
      %dma_wait3A_284 = arith.constant 0 : i32
      %dma_wait3A_285 = tpu.memref_slice %arg16[%dma_wait3A_283, %dma_wait3A_284] : memref<10240x128xf32, #tpu.memory_space<vmem_shared>> -> memref<10240x128xf32, #tpu.memory_space<vmem_shared>>
      tpu.wait_indirect_dma semaphore(%arg18 : memref<!tpu.dma_semaphore, #tpu.memory_space<semaphore_mem>>) src(%arg13 : memref<128x128xf32, #tpu.memory_space<vmem>>) dst(%dma_wait3A_285 : memref<10240x128xf32, #tpu.memory_space<vmem_shared>>)
      %lt3A_286 = arith.constant 9 : i32
      %lt3A_287 = arith.cmpi slt, %scan3A_39, %lt3A_286 : i32
      %convert_element_type3A_288 = arith.extui %lt3A_287 : i1 to i32
      %cond3A_289 = arith.constant 0 : i32
      %cond3A_290 = arith.cmpi ne, %convert_element_type3A_288, %cond3A_289 : i32
      scf.if %cond3A_290 {
        %dma_wait3A_330 = arith.constant 0 : i32
        %dma_wait3A_331 = arith.constant 0 : i32
        %dma_wait3A_332 = tpu.memref_slice %arg11[%rem3A_44, %dma_wait3A_330, %dma_wait3A_331] : memref<2x8x128xi32, #tpu.memory_space<vmem>> -> memref<1x8x128xi32, #tpu.memory_space<vmem>>
        %dma_wait3A_333 = tpu.memref_squeeze %dma_wait3A_332 : memref<1x8x128xi32, #tpu.memory_space<vmem>> -> memref<8x128xi32, #tpu.memory_space<vmem>>
        %dma_wait3A_334 = arith.constant 0 : i32
        %dma_wait3A_335 = arith.constant 0 : i32
        %dma_wait3A_336 = tpu.memref_slice %arg3[%add3A, %dma_wait3A_334, %dma_wait3A_335] : memref<64x80x128xi32, #tpu.memory_space<hbm>> -> memref<1x8x128xi32, #tpu.memory_space<hbm>>
        %dma_wait3A_337 = tpu.memref_squeeze %dma_wait3A_336 : memref<1x8x128xi32, #tpu.memory_space<hbm>> -> memref<8x128xi32, #tpu.memory_space<hbm>>
        %dma_wait3A_338 = arith.constant 0 : i32
        %dma_wait3A_339 = arith.constant 0 : i32
        %dma_wait3A_340 = tpu.memref_slice %arg11[%rem3A_44, %dma_wait3A_338, %dma_wait3A_339] : memref<2x8x128xi32, #tpu.memory_space<vmem>> -> memref<1x8x128xi32, #tpu.memory_space<vmem>>
        %dma_wait3A_341 = tpu.memref_squeeze %dma_wait3A_340 : memref<1x8x128xi32, #tpu.memory_space<vmem>> -> memref<8x128xi32, #tpu.memory_space<vmem>>
        %dma_wait3A_342 = arith.constant 0 : i32
        %dma_wait3A_343 = arith.constant 0 : i32
        %dma_wait3A_344 = tpu.memref_slice %arg3[%add3A, %dma_wait3A_342, %dma_wait3A_343] : memref<64x80x128xi32, #tpu.memory_space<hbm>> -> memref<1x8x128xi32, #tpu.memory_space<hbm>>
        %dma_wait3A_345 = tpu.memref_squeeze %dma_wait3A_344 : memref<1x8x128xi32, #tpu.memory_space<hbm>> -> memref<8x128xi32, #tpu.memory_space<hbm>>
        tpu.wait_dma2 semaphore(%arg20 : memref<!tpu.dma_semaphore, #tpu.memory_space<semaphore_mem>>) src(%dma_wait3A_345 : memref<8x128xi32, #tpu.memory_space<hbm>>) dst(%dma_wait3A_341 : memref<8x128xi32, #tpu.memory_space<vmem>>)
        %add3A_346 = arith.constant 32 : i32
        %add3A_347 = arith.addi %add3A_346, %add3A : i32
        %dma_wait3A_348 = arith.constant 0 : i32
        %dma_wait3A_349 = arith.constant 0 : i32
        %dma_wait3A_350 = tpu.memref_slice %arg12[%rem3A_44, %dma_wait3A_348, %dma_wait3A_349] : memref<2x8x128xi32, #tpu.memory_space<vmem>> -> memref<1x8x128xi32, #tpu.memory_space<vmem>>
        %dma_wait3A_351 = tpu.memref_squeeze %dma_wait3A_350 : memref<1x8x128xi32, #tpu.memory_space<vmem>> -> memref<8x128xi32, #tpu.memory_space<vmem>>
        %dma_wait3A_352 = arith.constant 0 : i32
        %dma_wait3A_353 = arith.constant 0 : i32
        %dma_wait3A_354 = tpu.memref_slice %arg3[%add3A_347, %dma_wait3A_352, %dma_wait3A_353] : memref<64x80x128xi32, #tpu.memory_space<hbm>> -> memref<1x8x128xi32, #tpu.memory_space<hbm>>
        %dma_wait3A_355 = tpu.memref_squeeze %dma_wait3A_354 : memref<1x8x128xi32, #tpu.memory_space<hbm>> -> memref<8x128xi32, #tpu.memory_space<hbm>>
        %dma_wait3A_356 = arith.constant 0 : i32
        %dma_wait3A_357 = arith.constant 0 : i32
        %dma_wait3A_358 = tpu.memref_slice %arg12[%rem3A_44, %dma_wait3A_356, %dma_wait3A_357] : memref<2x8x128xi32, #tpu.memory_space<vmem>> -> memref<1x8x128xi32, #tpu.memory_space<vmem>>
        %dma_wait3A_359 = tpu.memref_squeeze %dma_wait3A_358 : memref<1x8x128xi32, #tpu.memory_space<vmem>> -> memref<8x128xi32, #tpu.memory_space<vmem>>
        %dma_wait3A_360 = arith.constant 0 : i32
        %dma_wait3A_361 = arith.constant 0 : i32
        %dma_wait3A_362 = tpu.memref_slice %arg3[%add3A_347, %dma_wait3A_360, %dma_wait3A_361] : memref<64x80x128xi32, #tpu.memory_space<hbm>> -> memref<1x8x128xi32, #tpu.memory_space<hbm>>
        %dma_wait3A_363 = tpu.memref_squeeze %dma_wait3A_362 : memref<1x8x128xi32, #tpu.memory_space<hbm>> -> memref<8x128xi32, #tpu.memory_space<hbm>>
        tpu.wait_dma2 semaphore(%arg20 : memref<!tpu.dma_semaphore, #tpu.memory_space<semaphore_mem>>) src(%dma_wait3A_363 : memref<8x128xi32, #tpu.memory_space<hbm>>) dst(%dma_wait3A_359 : memref<8x128xi32, #tpu.memory_space<vmem>>)
        %dma_start3A_364 = arith.constant 0 : i32
        %dma_start3A_365 = arith.constant 0 : i32
        %dma_start3A_366 = tpu.memref_slice %arg11[%rem3A_44, %dma_start3A_364, %dma_start3A_365] : memref<2x8x128xi32, #tpu.memory_space<vmem>> -> memref<1x1x128xi32, #tpu.memory_space<vmem>>
        %dma_start3A_367 = tpu.memref_squeeze %dma_start3A_366 : memref<1x1x128xi32, #tpu.memory_space<vmem>> -> memref<128xi32, #tpu.memory_space<vmem>>
        %dma_start3A_368 = arith.constant 0 : i32
        %dma_start3A_369 = arith.constant 0 : i32
        %dma_start3A_370 = tpu.memref_slice %arg2[%dma_start3A_368, %dma_start3A_369] : memref<10240x128xf32, #tpu.memory_space<hbm>> -> memref<10240x128xf32, #tpu.memory_space<hbm>>
        tpu.enqueue_indirect_dma source(%dma_start3A_370 : memref<10240x128xf32, #tpu.memory_space<hbm>>) target(%arg13 : memref<128x128xf32, #tpu.memory_space<vmem>>) offsets(%dma_start3A_367 : memref<128xi32, #tpu.memory_space<vmem>>) semaphore(%arg18 : memref<!tpu.dma_semaphore, #tpu.memory_space<semaphore_mem>>)
      } else {
      }
      %dma_wait3A_291 = arith.constant 7 : i32
      %dma_wait3A_292 = arith.constant 0 : i32
      %dma_wait3A_293 = tpu.memref_slice %arg11[%rem3A_40, %dma_wait3A_291, %dma_wait3A_292] : memref<2x8x128xi32, #tpu.memory_space<vmem>> -> memref<1x1x128xi32, #tpu.memory_space<vmem>>
      %dma_wait3A_294 = tpu.memref_squeeze %dma_wait3A_293 : memref<1x1x128xi32, #tpu.memory_space<vmem>> -> memref<128xi32, #tpu.memory_space<vmem>>
      %dma_wait3A_295 = arith.constant 0 : i32
      %dma_wait3A_296 = arith.constant 0 : i32
      %dma_wait3A_297 = tpu.memref_slice %arg2[%dma_wait3A_295, %dma_wait3A_296] : memref<10240x128xf32, #tpu.memory_space<hbm>> -> memref<10240x128xf32, #tpu.memory_space<hbm>>
      tpu.wait_indirect_dma semaphore(%arg19 : memref<!tpu.dma_semaphore, #tpu.memory_space<semaphore_mem>>) src(%dma_wait3A_297 : memref<10240x128xf32, #tpu.memory_space<hbm>>) dst(%arg14 : memref<128x128xf32, #tpu.memory_space<vmem>>)
      %dma_start3A_298 = arith.constant 7 : i32
      %dma_start3A_299 = arith.constant 0 : i32
      %dma_start3A_300 = tpu.memref_slice %arg12[%rem3A_40, %dma_start3A_298, %dma_start3A_299] : memref<2x8x128xi32, #tpu.memory_space<vmem>> -> memref<1x1x128xi32, #tpu.memory_space<vmem>>
      %dma_start3A_301 = tpu.memref_squeeze %dma_start3A_300 : memref<1x1x128xi32, #tpu.memory_space<vmem>> -> memref<128xi32, #tpu.memory_space<vmem>>
      %dma_start3A_302 = arith.constant 0 : i32
      %dma_start3A_303 = arith.constant 0 : i32
      %dma_start3A_304 = tpu.memref_slice %arg16[%dma_start3A_302, %dma_start3A_303] : memref<10240x128xf32, #tpu.memory_space<vmem_shared>> -> memref<10240x128xf32, #tpu.memory_space<vmem_shared>>
      tpu.enqueue_indirect_dma source(%arg14 : memref<128x128xf32, #tpu.memory_space<vmem>>) target(%dma_start3A_304 : memref<10240x128xf32, #tpu.memory_space<vmem_shared>>) offsets(%dma_start3A_301 : memref<128xi32, #tpu.memory_space<vmem>>) semaphore(%arg19 : memref<!tpu.dma_semaphore, #tpu.memory_space<semaphore_mem>>) {add = true}
      %dma_start3A_305 = arith.constant 7 : i32
      %dma_start3A_306 = arith.constant 0 : i32
      %dma_start3A_307 = tpu.memref_slice %arg12[%rem3A_40, %dma_start3A_305, %dma_start3A_306] : memref<2x8x128xi32, #tpu.memory_space<vmem>> -> memref<1x1x128xi32, #tpu.memory_space<vmem>>
      %dma_start3A_308 = tpu.memref_squeeze %dma_start3A_307 : memref<1x1x128xi32, #tpu.memory_space<vmem>> -> memref<128xi32, #tpu.memory_space<vmem>>
      %dma_start3A_309 = arith.constant 0 : i32
      %dma_start3A_310 = tpu.memref_slice %arg17[%dma_start3A_309] : memref<10240xf32, #tpu.memory_space<vmem_shared>> -> memref<10240xf32, #tpu.memory_space<vmem_shared>>
      tpu.enqueue_indirect_dma source(%arg15 : memref<128xf32, #tpu.memory_space<vmem>>) target(%dma_start3A_310 : memref<10240xf32, #tpu.memory_space<vmem_shared>>) offsets(%dma_start3A_308 : memref<128xi32, #tpu.memory_space<vmem>>) semaphore(%arg21 : memref<!tpu.dma_semaphore, #tpu.memory_space<semaphore_mem>>) {add = true}
      %dma_wait3A_311 = arith.constant 0 : i32
      %dma_wait3A_312 = arith.constant 0 : i32
      %dma_wait3A_313 = arith.constant 0 : i32
      %dma_wait3A_314 = tpu.memref_slice %arg12[%dma_wait3A_311, %dma_wait3A_312, %dma_wait3A_313] : memref<2x8x128xi32, #tpu.memory_space<vmem>> -> memref<1x1x128xi32, #tpu.memory_space<vmem>>
      %dma_wait3A_315 = tpu.memref_squeeze %dma_wait3A_314 : memref<1x1x128xi32, #tpu.memory_space<vmem>> -> memref<128xi32, #tpu.memory_space<vmem>>
      %dma_wait3A_316 = arith.constant 0 : i32
      %dma_wait3A_317 = arith.constant 0 : i32
      %dma_wait3A_318 = tpu.memref_slice %arg16[%dma_wait3A_316, %dma_wait3A_317] : memref<10240x128xf32, #tpu.memory_space<vmem_shared>> -> memref<10240x128xf32, #tpu.memory_space<vmem_shared>>
      tpu.wait_indirect_dma semaphore(%arg19 : memref<!tpu.dma_semaphore, #tpu.memory_space<semaphore_mem>>) src(%arg14 : memref<128x128xf32, #tpu.memory_space<vmem>>) dst(%dma_wait3A_318 : memref<10240x128xf32, #tpu.memory_space<vmem_shared>>)
      %lt3A_319 = arith.constant 9 : i32
      %lt3A_320 = arith.cmpi slt, %scan3A_39, %lt3A_319 : i32
      %convert_element_type3A_321 = arith.extui %lt3A_320 : i1 to i32
      %cond3A_322 = arith.constant 0 : i32
      %cond3A_323 = arith.cmpi ne, %convert_element_type3A_321, %cond3A_322 : i32
      scf.if %cond3A_323 {
        %dma_start3A_330 = arith.constant 1 : i32
        %dma_start3A_331 = arith.constant 0 : i32
        %dma_start3A_332 = tpu.memref_slice %arg11[%rem3A_44, %dma_start3A_330, %dma_start3A_331] : memref<2x8x128xi32, #tpu.memory_space<vmem>> -> memref<1x1x128xi32, #tpu.memory_space<vmem>>
        %dma_start3A_333 = tpu.memref_squeeze %dma_start3A_332 : memref<1x1x128xi32, #tpu.memory_space<vmem>> -> memref<128xi32, #tpu.memory_space<vmem>>
        %dma_start3A_334 = arith.constant 0 : i32
        %dma_start3A_335 = arith.constant 0 : i32
        %dma_start3A_336 = tpu.memref_slice %arg2[%dma_start3A_334, %dma_start3A_335] : memref<10240x128xf32, #tpu.memory_space<hbm>> -> memref<10240x128xf32, #tpu.memory_space<hbm>>
        tpu.enqueue_indirect_dma source(%dma_start3A_336 : memref<10240x128xf32, #tpu.memory_space<hbm>>) target(%arg14 : memref<128x128xf32, #tpu.memory_space<vmem>>) offsets(%dma_start3A_333 : memref<128xi32, #tpu.memory_space<vmem>>) semaphore(%arg19 : memref<!tpu.dma_semaphore, #tpu.memory_space<semaphore_mem>>)
      } else {
      }
      %scan3A_324 = arith.constant 0 : i32
      %scan3A_325 = arith.constant 0 : i32
      %scan3A_326 = arith.constant 8 : i32
      %scan3A_327 = arith.addi %scan3A_325, %scan3A_326 : i32
      %scan3A_328 = arith.constant 1 : i32
      scf.for %scan3A_330 = %scan3A_325 to %scan3A_327 step %scan3A_328  : i32 {
        %dma_wait3A_331 = arith.constant 0 : i32
        %dma_wait3A_332 = arith.constant 0 : i32
        %dma_wait3A_333 = arith.constant 0 : i32
        %dma_wait3A_334 = tpu.memref_slice %arg12[%dma_wait3A_331, %dma_wait3A_332, %dma_wait3A_333] : memref<2x8x128xi32, #tpu.memory_space<vmem>> -> memref<1x1x128xi32, #tpu.memory_space<vmem>>
        %dma_wait3A_335 = tpu.memref_squeeze %dma_wait3A_334 : memref<1x1x128xi32, #tpu.memory_space<vmem>> -> memref<128xi32, #tpu.memory_space<vmem>>
        %dma_wait3A_336 = arith.constant 0 : i32
        %dma_wait3A_337 = tpu.memref_slice %arg17[%dma_wait3A_336] : memref<10240xf32, #tpu.memory_space<vmem_shared>> -> memref<10240xf32, #tpu.memory_space<vmem_shared>>
        tpu.wait_indirect_dma semaphore(%arg21 : memref<!tpu.dma_semaphore, #tpu.memory_space<semaphore_mem>>) src(%arg15 : memref<128xf32, #tpu.memory_space<vmem>>) dst(%dma_wait3A_337 : memref<10240xf32, #tpu.memory_space<vmem_shared>>)
      }
      %scan3A_329 = arith.constant 8 : i32
    }
    %scan3A_27 = arith.constant 10 : i32
    %barrier3A_28 = arith.constant 0 : index
    tpu.barrier barrier_id(%barrier3A_28)
    %eq3A_29 = arith.constant 0 : i32
    %eq3A_30 = arith.cmpi eq, %arg0, %eq3A_29 : i32
    %convert_element_type3A_31 = arith.extui %eq3A_30 : i1 to i32
    %cond3A_32 = arith.constant 0 : i32
    %cond3A_33 = arith.cmpi ne, %convert_element_type3A_31, %cond3A_32 : i32
    scf.if %cond3A_33 {
      "tpu.region"() ({
        %run_scoped3A_44 = tpu.sem_alloc : memref<!tpu.dma_semaphore, #tpu.memory_space<semaphore_mem>>
        %dma_start3A_45 = arith.constant 0 : i32
        %dma_start3A_46 = tpu.memref_slice %arg7[%mul3A_2, %dma_start3A_45] : memref<10240x128xf32, #tpu.memory_space<hbm>> -> memref<640x128xf32, #tpu.memory_space<hbm>>
        %dma_start3A_47 = arith.constant 0 : i32
        %dma_start3A_48 = tpu.memref_slice %arg16[%mul3A_2, %dma_start3A_47] : memref<10240x128xf32, #tpu.memory_space<vmem_shared>> -> memref<640x128xf32, #tpu.memory_space<vmem_shared>>
        tpu.enqueue_dma source(%dma_start3A_48 : memref<640x128xf32, #tpu.memory_space<vmem_shared>>) target(%dma_start3A_46 : memref<640x128xf32, #tpu.memory_space<hbm>>) target_semaphore(%run_scoped3A_44 : memref<!tpu.dma_semaphore, #tpu.memory_space<semaphore_mem>>)
        %dma_wait3A = arith.constant 0 : i32
        %dma_wait3A_49 = tpu.memref_slice %arg7[%mul3A_2, %dma_wait3A] : memref<10240x128xf32, #tpu.memory_space<hbm>> -> memref<640x128xf32, #tpu.memory_space<hbm>>
        %dma_wait3A_50 = arith.constant 0 : i32
        %dma_wait3A_51 = tpu.memref_slice %arg16[%mul3A_2, %dma_wait3A_50] : memref<10240x128xf32, #tpu.memory_space<vmem_shared>> -> memref<640x128xf32, #tpu.memory_space<vmem_shared>>
        tpu.wait_dma2 semaphore(%run_scoped3A_44 : memref<!tpu.dma_semaphore, #tpu.memory_space<semaphore_mem>>) src(%dma_wait3A_51 : memref<640x128xf32, #tpu.memory_space<vmem_shared>>) dst(%dma_wait3A_49 : memref<640x128xf32, #tpu.memory_space<hbm>>)
        tpu.yield
      }) : () -> ()
      %eq3A_39 = arith.constant 0 : i32
      %eq3A_40 = arith.cmpi eq, %arg1, %eq3A_39 : i32
      %convert_element_type3A_41 = arith.extui %eq3A_40 : i1 to i32
      %cond3A_42 = arith.constant 0 : i32
      %cond3A_43 = arith.cmpi ne, %convert_element_type3A_41, %cond3A_42 : i32
      scf.if %cond3A_43 {
        "tpu.region"() ({
          %run_scoped3A_44 = tpu.sem_alloc : memref<!tpu.dma_semaphore, #tpu.memory_space<semaphore_mem>>
          tpu.enqueue_dma source(%arg17 : memref<10240xf32, #tpu.memory_space<vmem_shared>>) target(%arg9 : memref<10240xf32, #tpu.memory_space<hbm>>) target_semaphore(%run_scoped3A_44 : memref<!tpu.dma_semaphore, #tpu.memory_space<semaphore_mem>>)
          tpu.wait_dma2 semaphore(%run_scoped3A_44 : memref<!tpu.dma_semaphore, #tpu.memory_space<semaphore_mem>>) src(%arg17 : memref<10240xf32, #tpu.memory_space<vmem_shared>>) dst(%arg9 : memref<10240xf32, #tpu.memory_space<hbm>>)
          tpu.yield
        }) : () -> ()
      } else {
      }
    } else {
    }
    %eq3A_34 = arith.constant 1 : i32
    %eq3A_35 = arith.cmpi eq, %arg0, %eq3A_34 : i32
    %convert_element_type3A_36 = arith.extui %eq3A_35 : i1 to i32
    %cond3A_37 = arith.constant 0 : i32
    %cond3A_38 = arith.cmpi ne, %convert_element_type3A_36, %cond3A_37 : i32
    scf.if %cond3A_38 {
      "tpu.region"() ({
        %run_scoped3A_44 = tpu.sem_alloc : memref<!tpu.dma_semaphore, #tpu.memory_space<semaphore_mem>>
        %dma_start3A_45 = arith.constant 0 : i32
        %dma_start3A_46 = tpu.memref_slice %arg8[%mul3A_2, %dma_start3A_45] : memref<10240x128xf32, #tpu.memory_space<hbm>> -> memref<640x128xf32, #tpu.memory_space<hbm>>
        %dma_start3A_47 = arith.constant 0 : i32
        %dma_start3A_48 = tpu.memref_slice %arg16[%mul3A_2, %dma_start3A_47] : memref<10240x128xf32, #tpu.memory_space<vmem_shared>> -> memref<640x128xf32, #tpu.memory_space<vmem_shared>>
        tpu.enqueue_dma source(%dma_start3A_48 : memref<640x128xf32, #tpu.memory_space<vmem_shared>>) target(%dma_start3A_46 : memref<640x128xf32, #tpu.memory_space<hbm>>) target_semaphore(%run_scoped3A_44 : memref<!tpu.dma_semaphore, #tpu.memory_space<semaphore_mem>>)
        %dma_wait3A = arith.constant 0 : i32
        %dma_wait3A_49 = tpu.memref_slice %arg8[%mul3A_2, %dma_wait3A] : memref<10240x128xf32, #tpu.memory_space<hbm>> -> memref<640x128xf32, #tpu.memory_space<hbm>>
        %dma_wait3A_50 = arith.constant 0 : i32
        %dma_wait3A_51 = tpu.memref_slice %arg16[%mul3A_2, %dma_wait3A_50] : memref<10240x128xf32, #tpu.memory_space<vmem_shared>> -> memref<640x128xf32, #tpu.memory_space<vmem_shared>>
        tpu.wait_dma2 semaphore(%run_scoped3A_44 : memref<!tpu.dma_semaphore, #tpu.memory_space<semaphore_mem>>) src(%dma_wait3A_51 : memref<640x128xf32, #tpu.memory_space<vmem_shared>>) dst(%dma_wait3A_49 : memref<640x128xf32, #tpu.memory_space<hbm>>)
        tpu.yield
      }) : () -> ()
      %eq3A_39 = arith.constant 0 : i32
      %eq3A_40 = arith.cmpi eq, %arg1, %eq3A_39 : i32
      %convert_element_type3A_41 = arith.extui %eq3A_40 : i1 to i32
      %cond3A_42 = arith.constant 0 : i32
      %cond3A_43 = arith.cmpi ne, %convert_element_type3A_41, %cond3A_42 : i32
      scf.if %cond3A_43 {
        "tpu.region"() ({
          %run_scoped3A_44 = tpu.sem_alloc : memref<!tpu.dma_semaphore, #tpu.memory_space<semaphore_mem>>
          tpu.enqueue_dma source(%arg17 : memref<10240xf32, #tpu.memory_space<vmem_shared>>) target(%arg10 : memref<10240xf32, #tpu.memory_space<hbm>>) target_semaphore(%run_scoped3A_44 : memref<!tpu.dma_semaphore, #tpu.memory_space<semaphore_mem>>)
          tpu.wait_dma2 semaphore(%run_scoped3A_44 : memref<!tpu.dma_semaphore, #tpu.memory_space<semaphore_mem>>) src(%arg17 : memref<10240xf32, #tpu.memory_space<vmem_shared>>) dst(%arg10 : memref<10240xf32, #tpu.memory_space<hbm>>)
          tpu.yield
        }) : () -> ()
      } else {
      }
    } else {
    }
    return
  }
}

#map = affine_map<(d0, d1) -> (0, 0)>
#map1 = affine_map<(d0, d1) -> (0, 0, 0)>
#map2 = affine_map<(d0, d1) -> (0)>
module attributes {stable_mosaic.version = 14 : i64} {
  func.func @_sc_aggregate_body(%arg0: i32, %arg1: i32, %arg2: memref<10240x128xf32, #tpu.memory_space<hbm>>, %arg3: memref<64x80x128xi32, #tpu.memory_space<hbm>>, %arg4: memref<10240x128xf32, #tpu.memory_space<hbm>>, %arg5: memref<10240xf32, #tpu.memory_space<hbm>>, %arg6: memref<128xf32, #tpu.memory_space<hbm>>, %arg7: memref<10240x128xf32, #tpu.memory_space<hbm>>, %arg8: memref<10240x128xf32, #tpu.memory_space<hbm>>, %arg9: memref<10240xf32, #tpu.memory_space<hbm>>, %arg10: memref<10240xf32, #tpu.memory_space<hbm>>, %arg11: memref<2x8x128xi32, #tpu.memory_space<vmem>>, %arg12: memref<2x8x128xi32, #tpu.memory_space<vmem>>, %arg13: memref<128x128xf32, #tpu.memory_space<vmem>>, %arg14: memref<128x128xf32, #tpu.memory_space<vmem>>, %arg15: memref<128xf32, #tpu.memory_space<vmem>>, %arg16: memref<10240x128xf32, #tpu.memory_space<vmem_shared>>, %arg17: memref<10240xf32, #tpu.memory_space<vmem_shared>>, %arg18: memref<!tpu.dma_semaphore, #tpu.memory_space<semaphore_mem>>, %arg19: memref<!tpu.dma_semaphore, #tpu.memory_space<semaphore_mem>>, %arg20: memref<!tpu.dma_semaphore, #tpu.memory_space<semaphore_mem>>, %arg21: memref<!tpu.dma_semaphore, #tpu.memory_space<semaphore_mem>>) attributes {dimension_semantics = [#tpu.dimension_semantics<core_parallel>, #tpu.dimension_semantics<subcore_parallel>], iteration_bounds = array<i64: 2, 16>, scalar_prefetch = 0 : i64, scratch_operands = 11 : i64, tpu.core_type = #tpu.core_type<sc_vector_subcore>, window_params = [{transform_indices = #map}, {transform_indices = #map1}, {transform_indices = #map}, {transform_indices = #map2}, {transform_indices = #map2}, {transform_indices = #map}, {transform_indices = #map}, {transform_indices = #map2}, {transform_indices = #map2}]} {
    %mul3A = arith.constant 2 : i32
    %mul3A_0 = arith.muli %arg1, %mul3A : i32
    %add3A = arith.addi %mul3A_0, %arg0 : i32
    %mul3A_1 = arith.constant 640 : i32
    %mul3A_2 = arith.muli %arg1, %mul3A_1 : i32
    "tpu.region"() ({
      %run_scoped3A_39 = tpu.sem_alloc : memref<!tpu.dma_semaphore, #tpu.memory_space<semaphore_mem>>
      %dma_start3A_40 = arith.constant 0 : i32
      %dma_start3A_41 = tpu.memref_slice %arg16[%mul3A_2, %dma_start3A_40] : memref<10240x128xf32, #tpu.memory_space<vmem_shared>> -> memref<640x128xf32, #tpu.memory_space<vmem_shared>>
      %dma_start3A_42 = arith.constant 0 : i32
      %dma_start3A_43 = tpu.memref_slice %arg4[%mul3A_2, %dma_start3A_42] : memref<10240x128xf32, #tpu.memory_space<hbm>> -> memref<640x128xf32, #tpu.memory_space<hbm>>
      tpu.enqueue_dma source(%dma_start3A_43 : memref<640x128xf32, #tpu.memory_space<hbm>>) target(%dma_start3A_41 : memref<640x128xf32, #tpu.memory_space<vmem_shared>>) target_semaphore(%run_scoped3A_39 : memref<!tpu.dma_semaphore, #tpu.memory_space<semaphore_mem>>)
      %dma_wait3A = arith.constant 0 : i32
      %dma_wait3A_44 = tpu.memref_slice %arg16[%mul3A_2, %dma_wait3A] : memref<10240x128xf32, #tpu.memory_space<vmem_shared>> -> memref<640x128xf32, #tpu.memory_space<vmem_shared>>
      %dma_wait3A_45 = arith.constant 0 : i32
      %dma_wait3A_46 = tpu.memref_slice %arg4[%mul3A_2, %dma_wait3A_45] : memref<10240x128xf32, #tpu.memory_space<hbm>> -> memref<640x128xf32, #tpu.memory_space<hbm>>
      tpu.wait_dma2 semaphore(%run_scoped3A_39 : memref<!tpu.dma_semaphore, #tpu.memory_space<semaphore_mem>>) src(%dma_wait3A_46 : memref<640x128xf32, #tpu.memory_space<hbm>>) dst(%dma_wait3A_44 : memref<640x128xf32, #tpu.memory_space<vmem_shared>>)
      tpu.yield
    }) : () -> ()
    %eq3A = arith.constant 0 : i32
    %eq3A_3 = arith.cmpi eq, %arg1, %eq3A : i32
    %convert_element_type3A = arith.extui %eq3A_3 : i1 to i32
    %cond3A = arith.constant 0 : i32
    %cond3A_4 = arith.cmpi ne, %convert_element_type3A, %cond3A : i32
    scf.if %cond3A_4 {
      "tpu.region"() ({
        %run_scoped3A_39 = tpu.sem_alloc : memref<!tpu.dma_semaphore, #tpu.memory_space<semaphore_mem>>
        tpu.enqueue_dma source(%arg5 : memref<10240xf32, #tpu.memory_space<hbm>>) target(%arg17 : memref<10240xf32, #tpu.memory_space<vmem_shared>>) target_semaphore(%run_scoped3A_39 : memref<!tpu.dma_semaphore, #tpu.memory_space<semaphore_mem>>)
        tpu.wait_dma2 semaphore(%run_scoped3A_39 : memref<!tpu.dma_semaphore, #tpu.memory_space<semaphore_mem>>) src(%arg5 : memref<10240xf32, #tpu.memory_space<hbm>>) dst(%arg17 : memref<10240xf32, #tpu.memory_space<vmem_shared>>)
        tpu.yield
      }) : () -> ()
    } else {
    }
    "tpu.region"() ({
      %run_scoped3A_39 = tpu.sem_alloc : memref<!tpu.dma_semaphore, #tpu.memory_space<semaphore_mem>>
      tpu.enqueue_dma source(%arg6 : memref<128xf32, #tpu.memory_space<hbm>>) target(%arg15 : memref<128xf32, #tpu.memory_space<vmem>>) target_semaphore(%run_scoped3A_39 : memref<!tpu.dma_semaphore, #tpu.memory_space<semaphore_mem>>)
      tpu.wait_dma2 semaphore(%run_scoped3A_39 : memref<!tpu.dma_semaphore, #tpu.memory_space<semaphore_mem>>) src(%arg6 : memref<128xf32, #tpu.memory_space<hbm>>) dst(%arg15 : memref<128xf32, #tpu.memory_space<vmem>>)
      tpu.yield
    }) : () -> ()
    %barrier3A = arith.constant 0 : index
    tpu.barrier barrier_id(%barrier3A)
    %run_scoped3A = arith.constant 0 : i32
    "tpu.region"() ({
      %run_scoped3A_39 = tpu.sem_alloc : memref<!tpu.dma_semaphore, #tpu.memory_space<semaphore_mem>>
      %dma_start3A_40 = arith.constant 0 : i32
      %dma_start3A_41 = arith.constant 0 : i32
      %dma_start3A_42 = tpu.memref_slice %arg11[%run_scoped3A, %dma_start3A_40, %dma_start3A_41] : memref<2x8x128xi32, #tpu.memory_space<vmem>> -> memref<1x8x128xi32, #tpu.memory_space<vmem>>
      %dma_start3A_43 = tpu.memref_squeeze %dma_start3A_42 : memref<1x8x128xi32, #tpu.memory_space<vmem>> -> memref<8x128xi32, #tpu.memory_space<vmem>>
      %dma_start3A_44 = arith.constant 0 : i32
      %dma_start3A_45 = arith.constant 0 : i32
      %dma_start3A_46 = tpu.memref_slice %arg3[%add3A, %dma_start3A_44, %dma_start3A_45] : memref<64x80x128xi32, #tpu.memory_space<hbm>> -> memref<1x8x128xi32, #tpu.memory_space<hbm>>
      %dma_start3A_47 = tpu.memref_squeeze %dma_start3A_46 : memref<1x8x128xi32, #tpu.memory_space<hbm>> -> memref<8x128xi32, #tpu.memory_space<hbm>>
      %dma_start3A_48 = arith.constant 0 : i32
      %dma_start3A_49 = arith.constant 0 : i32
      %dma_start3A_50 = tpu.memref_slice %arg11[%run_scoped3A, %dma_start3A_48, %dma_start3A_49] : memref<2x8x128xi32, #tpu.memory_space<vmem>> -> memref<1x8x128xi32, #tpu.memory_space<vmem>>
      %dma_start3A_51 = tpu.memref_squeeze %dma_start3A_50 : memref<1x8x128xi32, #tpu.memory_space<vmem>> -> memref<8x128xi32, #tpu.memory_space<vmem>>
      %dma_start3A_52 = arith.constant 0 : i32
      %dma_start3A_53 = arith.constant 0 : i32
      %dma_start3A_54 = tpu.memref_slice %arg3[%add3A, %dma_start3A_52, %dma_start3A_53] : memref<64x80x128xi32, #tpu.memory_space<hbm>> -> memref<1x8x128xi32, #tpu.memory_space<hbm>>
      %dma_start3A_55 = tpu.memref_squeeze %dma_start3A_54 : memref<1x8x128xi32, #tpu.memory_space<hbm>> -> memref<8x128xi32, #tpu.memory_space<hbm>>
      tpu.enqueue_dma source(%dma_start3A_55 : memref<8x128xi32, #tpu.memory_space<hbm>>) target(%dma_start3A_51 : memref<8x128xi32, #tpu.memory_space<vmem>>) target_semaphore(%run_scoped3A_39 : memref<!tpu.dma_semaphore, #tpu.memory_space<semaphore_mem>>)
      %dma_wait3A = arith.constant 0 : i32
      %dma_wait3A_56 = arith.constant 0 : i32
      %dma_wait3A_57 = tpu.memref_slice %arg11[%run_scoped3A, %dma_wait3A, %dma_wait3A_56] : memref<2x8x128xi32, #tpu.memory_space<vmem>> -> memref<1x8x128xi32, #tpu.memory_space<vmem>>
      %dma_wait3A_58 = tpu.memref_squeeze %dma_wait3A_57 : memref<1x8x128xi32, #tpu.memory_space<vmem>> -> memref<8x128xi32, #tpu.memory_space<vmem>>
      %dma_wait3A_59 = arith.constant 0 : i32
      %dma_wait3A_60 = arith.constant 0 : i32
      %dma_wait3A_61 = tpu.memref_slice %arg3[%add3A, %dma_wait3A_59, %dma_wait3A_60] : memref<64x80x128xi32, #tpu.memory_space<hbm>> -> memref<1x8x128xi32, #tpu.memory_space<hbm>>
      %dma_wait3A_62 = tpu.memref_squeeze %dma_wait3A_61 : memref<1x8x128xi32, #tpu.memory_space<hbm>> -> memref<8x128xi32, #tpu.memory_space<hbm>>
      %dma_wait3A_63 = arith.constant 0 : i32
      %dma_wait3A_64 = arith.constant 0 : i32
      %dma_wait3A_65 = tpu.memref_slice %arg11[%run_scoped3A, %dma_wait3A_63, %dma_wait3A_64] : memref<2x8x128xi32, #tpu.memory_space<vmem>> -> memref<1x8x128xi32, #tpu.memory_space<vmem>>
      %dma_wait3A_66 = tpu.memref_squeeze %dma_wait3A_65 : memref<1x8x128xi32, #tpu.memory_space<vmem>> -> memref<8x128xi32, #tpu.memory_space<vmem>>
      %dma_wait3A_67 = arith.constant 0 : i32
      %dma_wait3A_68 = arith.constant 0 : i32
      %dma_wait3A_69 = tpu.memref_slice %arg3[%add3A, %dma_wait3A_67, %dma_wait3A_68] : memref<64x80x128xi32, #tpu.memory_space<hbm>> -> memref<1x8x128xi32, #tpu.memory_space<hbm>>
      %dma_wait3A_70 = tpu.memref_squeeze %dma_wait3A_69 : memref<1x8x128xi32, #tpu.memory_space<hbm>> -> memref<8x128xi32, #tpu.memory_space<hbm>>
      tpu.wait_dma2 semaphore(%run_scoped3A_39 : memref<!tpu.dma_semaphore, #tpu.memory_space<semaphore_mem>>) src(%dma_wait3A_70 : memref<8x128xi32, #tpu.memory_space<hbm>>) dst(%dma_wait3A_66 : memref<8x128xi32, #tpu.memory_space<vmem>>)
      tpu.yield
    }) : () -> ()
    %add3A_5 = arith.constant 32 : i32
    %add3A_6 = arith.addi %add3A_5, %add3A : i32
    %run_scoped3A_7 = arith.constant 0 : i32
    "tpu.region"() ({
      %run_scoped3A_39 = tpu.sem_alloc : memref<!tpu.dma_semaphore, #tpu.memory_space<semaphore_mem>>
      %dma_start3A_40 = arith.constant 0 : i32
      %dma_start3A_41 = arith.constant 0 : i32
      %dma_start3A_42 = tpu.memref_slice %arg12[%run_scoped3A_7, %dma_start3A_40, %dma_start3A_41] : memref<2x8x128xi32, #tpu.memory_space<vmem>> -> memref<1x8x128xi32, #tpu.memory_space<vmem>>
      %dma_start3A_43 = tpu.memref_squeeze %dma_start3A_42 : memref<1x8x128xi32, #tpu.memory_space<vmem>> -> memref<8x128xi32, #tpu.memory_space<vmem>>
      %dma_start3A_44 = arith.constant 0 : i32
      %dma_start3A_45 = arith.constant 0 : i32
      %dma_start3A_46 = tpu.memref_slice %arg3[%add3A_6, %dma_start3A_44, %dma_start3A_45] : memref<64x80x128xi32, #tpu.memory_space<hbm>> -> memref<1x8x128xi32, #tpu.memory_space<hbm>>
      %dma_start3A_47 = tpu.memref_squeeze %dma_start3A_46 : memref<1x8x128xi32, #tpu.memory_space<hbm>> -> memref<8x128xi32, #tpu.memory_space<hbm>>
      %dma_start3A_48 = arith.constant 0 : i32
      %dma_start3A_49 = arith.constant 0 : i32
      %dma_start3A_50 = tpu.memref_slice %arg12[%run_scoped3A_7, %dma_start3A_48, %dma_start3A_49] : memref<2x8x128xi32, #tpu.memory_space<vmem>> -> memref<1x8x128xi32, #tpu.memory_space<vmem>>
      %dma_start3A_51 = tpu.memref_squeeze %dma_start3A_50 : memref<1x8x128xi32, #tpu.memory_space<vmem>> -> memref<8x128xi32, #tpu.memory_space<vmem>>
      %dma_start3A_52 = arith.constant 0 : i32
      %dma_start3A_53 = arith.constant 0 : i32
      %dma_start3A_54 = tpu.memref_slice %arg3[%add3A_6, %dma_start3A_52, %dma_start3A_53] : memref<64x80x128xi32, #tpu.memory_space<hbm>> -> memref<1x8x128xi32, #tpu.memory_space<hbm>>
      %dma_start3A_55 = tpu.memref_squeeze %dma_start3A_54 : memref<1x8x128xi32, #tpu.memory_space<hbm>> -> memref<8x128xi32, #tpu.memory_space<hbm>>
      tpu.enqueue_dma source(%dma_start3A_55 : memref<8x128xi32, #tpu.memory_space<hbm>>) target(%dma_start3A_51 : memref<8x128xi32, #tpu.memory_space<vmem>>) target_semaphore(%run_scoped3A_39 : memref<!tpu.dma_semaphore, #tpu.memory_space<semaphore_mem>>)
      %dma_wait3A = arith.constant 0 : i32
      %dma_wait3A_56 = arith.constant 0 : i32
      %dma_wait3A_57 = tpu.memref_slice %arg12[%run_scoped3A_7, %dma_wait3A, %dma_wait3A_56] : memref<2x8x128xi32, #tpu.memory_space<vmem>> -> memref<1x8x128xi32, #tpu.memory_space<vmem>>
      %dma_wait3A_58 = tpu.memref_squeeze %dma_wait3A_57 : memref<1x8x128xi32, #tpu.memory_space<vmem>> -> memref<8x128xi32, #tpu.memory_space<vmem>>
      %dma_wait3A_59 = arith.constant 0 : i32
      %dma_wait3A_60 = arith.constant 0 : i32
      %dma_wait3A_61 = tpu.memref_slice %arg3[%add3A_6, %dma_wait3A_59, %dma_wait3A_60] : memref<64x80x128xi32, #tpu.memory_space<hbm>> -> memref<1x8x128xi32, #tpu.memory_space<hbm>>
      %dma_wait3A_62 = tpu.memref_squeeze %dma_wait3A_61 : memref<1x8x128xi32, #tpu.memory_space<hbm>> -> memref<8x128xi32, #tpu.memory_space<hbm>>
      %dma_wait3A_63 = arith.constant 0 : i32
      %dma_wait3A_64 = arith.constant 0 : i32
      %dma_wait3A_65 = tpu.memref_slice %arg12[%run_scoped3A_7, %dma_wait3A_63, %dma_wait3A_64] : memref<2x8x128xi32, #tpu.memory_space<vmem>> -> memref<1x8x128xi32, #tpu.memory_space<vmem>>
      %dma_wait3A_66 = tpu.memref_squeeze %dma_wait3A_65 : memref<1x8x128xi32, #tpu.memory_space<vmem>> -> memref<8x128xi32, #tpu.memory_space<vmem>>
      %dma_wait3A_67 = arith.constant 0 : i32
      %dma_wait3A_68 = arith.constant 0 : i32
      %dma_wait3A_69 = tpu.memref_slice %arg3[%add3A_6, %dma_wait3A_67, %dma_wait3A_68] : memref<64x80x128xi32, #tpu.memory_space<hbm>> -> memref<1x8x128xi32, #tpu.memory_space<hbm>>
      %dma_wait3A_70 = tpu.memref_squeeze %dma_wait3A_69 : memref<1x8x128xi32, #tpu.memory_space<hbm>> -> memref<8x128xi32, #tpu.memory_space<hbm>>
      tpu.wait_dma2 semaphore(%run_scoped3A_39 : memref<!tpu.dma_semaphore, #tpu.memory_space<semaphore_mem>>) src(%dma_wait3A_70 : memref<8x128xi32, #tpu.memory_space<hbm>>) dst(%dma_wait3A_66 : memref<8x128xi32, #tpu.memory_space<vmem>>)
      tpu.yield
    }) : () -> ()
    %dma_start3A = arith.constant 0 : i32
    %dma_start3A_8 = arith.constant 0 : i32
    %dma_start3A_9 = arith.constant 0 : i32
    %dma_start3A_10 = tpu.memref_slice %arg11[%dma_start3A, %dma_start3A_8, %dma_start3A_9] : memref<2x8x128xi32, #tpu.memory_space<vmem>> -> memref<1x1x128xi32, #tpu.memory_space<vmem>>
    %dma_start3A_11 = tpu.memref_squeeze %dma_start3A_10 : memref<1x1x128xi32, #tpu.memory_space<vmem>> -> memref<128xi32, #tpu.memory_space<vmem>>
    %dma_start3A_12 = arith.constant 0 : i32
    %dma_start3A_13 = arith.constant 0 : i32
    %dma_start3A_14 = tpu.memref_slice %arg2[%dma_start3A_12, %dma_start3A_13] : memref<10240x128xf32, #tpu.memory_space<hbm>> -> memref<10240x128xf32, #tpu.memory_space<hbm>>
    tpu.enqueue_indirect_dma source(%dma_start3A_14 : memref<10240x128xf32, #tpu.memory_space<hbm>>) target(%arg13 : memref<128x128xf32, #tpu.memory_space<vmem>>) offsets(%dma_start3A_11 : memref<128xi32, #tpu.memory_space<vmem>>) semaphore(%arg18 : memref<!tpu.dma_semaphore, #tpu.memory_space<semaphore_mem>>)
    %dma_start3A_15 = arith.constant 0 : i32
    %dma_start3A_16 = arith.constant 1 : i32
    %dma_start3A_17 = arith.constant 0 : i32
    %dma_start3A_18 = tpu.memref_slice %arg11[%dma_start3A_15, %dma_start3A_16, %dma_start3A_17] : memref<2x8x128xi32, #tpu.memory_space<vmem>> -> memref<1x1x128xi32, #tpu.memory_space<vmem>>
    %dma_start3A_19 = tpu.memref_squeeze %dma_start3A_18 : memref<1x1x128xi32, #tpu.memory_space<vmem>> -> memref<128xi32, #tpu.memory_space<vmem>>
    %dma_start3A_20 = arith.constant 0 : i32
    %dma_start3A_21 = arith.constant 0 : i32
    %dma_start3A_22 = tpu.memref_slice %arg2[%dma_start3A_20, %dma_start3A_21] : memref<10240x128xf32, #tpu.memory_space<hbm>> -> memref<10240x128xf32, #tpu.memory_space<hbm>>
    tpu.enqueue_indirect_dma source(%dma_start3A_22 : memref<10240x128xf32, #tpu.memory_space<hbm>>) target(%arg14 : memref<128x128xf32, #tpu.memory_space<vmem>>) offsets(%dma_start3A_19 : memref<128xi32, #tpu.memory_space<vmem>>) semaphore(%arg19 : memref<!tpu.dma_semaphore, #tpu.memory_space<semaphore_mem>>)
    %scan3A = arith.constant 0 : i32
    %scan3A_23 = arith.constant 0 : i32
    %scan3A_24 = arith.constant 10 : i32
    %scan3A_25 = arith.addi %scan3A_23, %scan3A_24 : i32
    %scan3A_26 = arith.constant 1 : i32
    scf.for %scan3A_39 = %scan3A_23 to %scan3A_25 step %scan3A_26  : i32 {
      %rem3A = arith.constant 2 : i32
      %rem3A_40 = arith.remsi %scan3A_39, %rem3A : i32
      %add3A_41 = arith.constant 1 : i32
      %add3A_42 = arith.addi %scan3A_39, %add3A_41 : i32
      %rem3A_43 = arith.constant 2 : i32
      %rem3A_44 = arith.remsi %add3A_42, %rem3A_43 : i32
      %dma_wait3A = arith.constant 0 : i32
      %dma_wait3A_45 = arith.constant 0 : i32
      %dma_wait3A_46 = tpu.memref_slice %arg11[%rem3A_40, %dma_wait3A, %dma_wait3A_45] : memref<2x8x128xi32, #tpu.memory_space<vmem>> -> memref<1x1x128xi32, #tpu.memory_space<vmem>>
      %dma_wait3A_47 = tpu.memref_squeeze %dma_wait3A_46 : memref<1x1x128xi32, #tpu.memory_space<vmem>> -> memref<128xi32, #tpu.memory_space<vmem>>
      %dma_wait3A_48 = arith.constant 0 : i32
      %dma_wait3A_49 = arith.constant 0 : i32
      %dma_wait3A_50 = tpu.memref_slice %arg2[%dma_wait3A_48, %dma_wait3A_49] : memref<10240x128xf32, #tpu.memory_space<hbm>> -> memref<10240x128xf32, #tpu.memory_space<hbm>>
      tpu.wait_indirect_dma semaphore(%arg18 : memref<!tpu.dma_semaphore, #tpu.memory_space<semaphore_mem>>) src(%dma_wait3A_50 : memref<10240x128xf32, #tpu.memory_space<hbm>>) dst(%arg13 : memref<128x128xf32, #tpu.memory_space<vmem>>)
      %dma_start3A_51 = arith.constant 0 : i32
      %dma_start3A_52 = arith.constant 0 : i32
      %dma_start3A_53 = tpu.memref_slice %arg12[%rem3A_40, %dma_start3A_51, %dma_start3A_52] : memref<2x8x128xi32, #tpu.memory_space<vmem>> -> memref<1x1x128xi32, #tpu.memory_space<vmem>>
      %dma_start3A_54 = tpu.memref_squeeze %dma_start3A_53 : memref<1x1x128xi32, #tpu.memory_space<vmem>> -> memref<128xi32, #tpu.memory_space<vmem>>
      %dma_start3A_55 = arith.constant 0 : i32
      %dma_start3A_56 = arith.constant 0 : i32
      %dma_start3A_57 = tpu.memref_slice %arg16[%dma_start3A_55, %dma_start3A_56] : memref<10240x128xf32, #tpu.memory_space<vmem_shared>> -> memref<10240x128xf32, #tpu.memory_space<vmem_shared>>
      tpu.enqueue_indirect_dma source(%arg13 : memref<128x128xf32, #tpu.memory_space<vmem>>) target(%dma_start3A_57 : memref<10240x128xf32, #tpu.memory_space<vmem_shared>>) offsets(%dma_start3A_54 : memref<128xi32, #tpu.memory_space<vmem>>) semaphore(%arg18 : memref<!tpu.dma_semaphore, #tpu.memory_space<semaphore_mem>>) {add = true}
      %dma_start3A_58 = arith.constant 0 : i32
      %dma_start3A_59 = arith.constant 0 : i32
      %dma_start3A_60 = tpu.memref_slice %arg12[%rem3A_40, %dma_start3A_58, %dma_start3A_59] : memref<2x8x128xi32, #tpu.memory_space<vmem>> -> memref<1x1x128xi32, #tpu.memory_space<vmem>>
      %dma_start3A_61 = tpu.memref_squeeze %dma_start3A_60 : memref<1x1x128xi32, #tpu.memory_space<vmem>> -> memref<128xi32, #tpu.memory_space<vmem>>
      %dma_start3A_62 = arith.constant 0 : i32
      %dma_start3A_63 = tpu.memref_slice %arg17[%dma_start3A_62] : memref<10240xf32, #tpu.memory_space<vmem_shared>> -> memref<10240xf32, #tpu.memory_space<vmem_shared>>
      tpu.enqueue_indirect_dma source(%arg15 : memref<128xf32, #tpu.memory_space<vmem>>) target(%dma_start3A_63 : memref<10240xf32, #tpu.memory_space<vmem_shared>>) offsets(%dma_start3A_61 : memref<128xi32, #tpu.memory_space<vmem>>) semaphore(%arg21 : memref<!tpu.dma_semaphore, #tpu.memory_space<semaphore_mem>>) {add = true}
      %dma_wait3A_64 = arith.constant 0 : i32
      %dma_wait3A_65 = arith.constant 0 : i32
      %dma_wait3A_66 = arith.constant 0 : i32
      %dma_wait3A_67 = tpu.memref_slice %arg12[%dma_wait3A_64, %dma_wait3A_65, %dma_wait3A_66] : memref<2x8x128xi32, #tpu.memory_space<vmem>> -> memref<1x1x128xi32, #tpu.memory_space<vmem>>
      %dma_wait3A_68 = tpu.memref_squeeze %dma_wait3A_67 : memref<1x1x128xi32, #tpu.memory_space<vmem>> -> memref<128xi32, #tpu.memory_space<vmem>>
      %dma_wait3A_69 = arith.constant 0 : i32
      %dma_wait3A_70 = arith.constant 0 : i32
      %dma_wait3A_71 = tpu.memref_slice %arg16[%dma_wait3A_69, %dma_wait3A_70] : memref<10240x128xf32, #tpu.memory_space<vmem_shared>> -> memref<10240x128xf32, #tpu.memory_space<vmem_shared>>
      tpu.wait_indirect_dma semaphore(%arg18 : memref<!tpu.dma_semaphore, #tpu.memory_space<semaphore_mem>>) src(%arg13 : memref<128x128xf32, #tpu.memory_space<vmem>>) dst(%dma_wait3A_71 : memref<10240x128xf32, #tpu.memory_space<vmem_shared>>)
      %dma_start3A_72 = arith.constant 2 : i32
      %dma_start3A_73 = arith.constant 0 : i32
      %dma_start3A_74 = tpu.memref_slice %arg11[%rem3A_40, %dma_start3A_72, %dma_start3A_73] : memref<2x8x128xi32, #tpu.memory_space<vmem>> -> memref<1x1x128xi32, #tpu.memory_space<vmem>>
      %dma_start3A_75 = tpu.memref_squeeze %dma_start3A_74 : memref<1x1x128xi32, #tpu.memory_space<vmem>> -> memref<128xi32, #tpu.memory_space<vmem>>
      %dma_start3A_76 = arith.constant 0 : i32
      %dma_start3A_77 = arith.constant 0 : i32
      %dma_start3A_78 = tpu.memref_slice %arg2[%dma_start3A_76, %dma_start3A_77] : memref<10240x128xf32, #tpu.memory_space<hbm>> -> memref<10240x128xf32, #tpu.memory_space<hbm>>
      tpu.enqueue_indirect_dma source(%dma_start3A_78 : memref<10240x128xf32, #tpu.memory_space<hbm>>) target(%arg13 : memref<128x128xf32, #tpu.memory_space<vmem>>) offsets(%dma_start3A_75 : memref<128xi32, #tpu.memory_space<vmem>>) semaphore(%arg18 : memref<!tpu.dma_semaphore, #tpu.memory_space<semaphore_mem>>)
      %dma_wait3A_79 = arith.constant 1 : i32
      %dma_wait3A_80 = arith.constant 0 : i32
      %dma_wait3A_81 = tpu.memref_slice %arg11[%rem3A_40, %dma_wait3A_79, %dma_wait3A_80] : memref<2x8x128xi32, #tpu.memory_space<vmem>> -> memref<1x1x128xi32, #tpu.memory_space<vmem>>
      %dma_wait3A_82 = tpu.memref_squeeze %dma_wait3A_81 : memref<1x1x128xi32, #tpu.memory_space<vmem>> -> memref<128xi32, #tpu.memory_space<vmem>>
      %dma_wait3A_83 = arith.constant 0 : i32
      %dma_wait3A_84 = arith.constant 0 : i32
      %dma_wait3A_85 = tpu.memref_slice %arg2[%dma_wait3A_83, %dma_wait3A_84] : memref<10240x128xf32, #tpu.memory_space<hbm>> -> memref<10240x128xf32, #tpu.memory_space<hbm>>
      tpu.wait_indirect_dma semaphore(%arg19 : memref<!tpu.dma_semaphore, #tpu.memory_space<semaphore_mem>>) src(%dma_wait3A_85 : memref<10240x128xf32, #tpu.memory_space<hbm>>) dst(%arg14 : memref<128x128xf32, #tpu.memory_space<vmem>>)
      %dma_start3A_86 = arith.constant 1 : i32
      %dma_start3A_87 = arith.constant 0 : i32
      %dma_start3A_88 = tpu.memref_slice %arg12[%rem3A_40, %dma_start3A_86, %dma_start3A_87] : memref<2x8x128xi32, #tpu.memory_space<vmem>> -> memref<1x1x128xi32, #tpu.memory_space<vmem>>
      %dma_start3A_89 = tpu.memref_squeeze %dma_start3A_88 : memref<1x1x128xi32, #tpu.memory_space<vmem>> -> memref<128xi32, #tpu.memory_space<vmem>>
      %dma_start3A_90 = arith.constant 0 : i32
      %dma_start3A_91 = arith.constant 0 : i32
      %dma_start3A_92 = tpu.memref_slice %arg16[%dma_start3A_90, %dma_start3A_91] : memref<10240x128xf32, #tpu.memory_space<vmem_shared>> -> memref<10240x128xf32, #tpu.memory_space<vmem_shared>>
      tpu.enqueue_indirect_dma source(%arg14 : memref<128x128xf32, #tpu.memory_space<vmem>>) target(%dma_start3A_92 : memref<10240x128xf32, #tpu.memory_space<vmem_shared>>) offsets(%dma_start3A_89 : memref<128xi32, #tpu.memory_space<vmem>>) semaphore(%arg19 : memref<!tpu.dma_semaphore, #tpu.memory_space<semaphore_mem>>) {add = true}
      %dma_start3A_93 = arith.constant 1 : i32
      %dma_start3A_94 = arith.constant 0 : i32
      %dma_start3A_95 = tpu.memref_slice %arg12[%rem3A_40, %dma_start3A_93, %dma_start3A_94] : memref<2x8x128xi32, #tpu.memory_space<vmem>> -> memref<1x1x128xi32, #tpu.memory_space<vmem>>
      %dma_start3A_96 = tpu.memref_squeeze %dma_start3A_95 : memref<1x1x128xi32, #tpu.memory_space<vmem>> -> memref<128xi32, #tpu.memory_space<vmem>>
      %dma_start3A_97 = arith.constant 0 : i32
      %dma_start3A_98 = tpu.memref_slice %arg17[%dma_start3A_97] : memref<10240xf32, #tpu.memory_space<vmem_shared>> -> memref<10240xf32, #tpu.memory_space<vmem_shared>>
      tpu.enqueue_indirect_dma source(%arg15 : memref<128xf32, #tpu.memory_space<vmem>>) target(%dma_start3A_98 : memref<10240xf32, #tpu.memory_space<vmem_shared>>) offsets(%dma_start3A_96 : memref<128xi32, #tpu.memory_space<vmem>>) semaphore(%arg21 : memref<!tpu.dma_semaphore, #tpu.memory_space<semaphore_mem>>) {add = true}
      %dma_wait3A_99 = arith.constant 0 : i32
      %dma_wait3A_100 = arith.constant 0 : i32
      %dma_wait3A_101 = arith.constant 0 : i32
      %dma_wait3A_102 = tpu.memref_slice %arg12[%dma_wait3A_99, %dma_wait3A_100, %dma_wait3A_101] : memref<2x8x128xi32, #tpu.memory_space<vmem>> -> memref<1x1x128xi32, #tpu.memory_space<vmem>>
      %dma_wait3A_103 = tpu.memref_squeeze %dma_wait3A_102 : memref<1x1x128xi32, #tpu.memory_space<vmem>> -> memref<128xi32, #tpu.memory_space<vmem>>
      %dma_wait3A_104 = arith.constant 0 : i32
      %dma_wait3A_105 = arith.constant 0 : i32
      %dma_wait3A_106 = tpu.memref_slice %arg16[%dma_wait3A_104, %dma_wait3A_105] : memref<10240x128xf32, #tpu.memory_space<vmem_shared>> -> memref<10240x128xf32, #tpu.memory_space<vmem_shared>>
      tpu.wait_indirect_dma semaphore(%arg19 : memref<!tpu.dma_semaphore, #tpu.memory_space<semaphore_mem>>) src(%arg14 : memref<128x128xf32, #tpu.memory_space<vmem>>) dst(%dma_wait3A_106 : memref<10240x128xf32, #tpu.memory_space<vmem_shared>>)
      %dma_start3A_107 = arith.constant 3 : i32
      %dma_start3A_108 = arith.constant 0 : i32
      %dma_start3A_109 = tpu.memref_slice %arg11[%rem3A_40, %dma_start3A_107, %dma_start3A_108] : memref<2x8x128xi32, #tpu.memory_space<vmem>> -> memref<1x1x128xi32, #tpu.memory_space<vmem>>
      %dma_start3A_110 = tpu.memref_squeeze %dma_start3A_109 : memref<1x1x128xi32, #tpu.memory_space<vmem>> -> memref<128xi32, #tpu.memory_space<vmem>>
      %dma_start3A_111 = arith.constant 0 : i32
      %dma_start3A_112 = arith.constant 0 : i32
      %dma_start3A_113 = tpu.memref_slice %arg2[%dma_start3A_111, %dma_start3A_112] : memref<10240x128xf32, #tpu.memory_space<hbm>> -> memref<10240x128xf32, #tpu.memory_space<hbm>>
      tpu.enqueue_indirect_dma source(%dma_start3A_113 : memref<10240x128xf32, #tpu.memory_space<hbm>>) target(%arg14 : memref<128x128xf32, #tpu.memory_space<vmem>>) offsets(%dma_start3A_110 : memref<128xi32, #tpu.memory_space<vmem>>) semaphore(%arg19 : memref<!tpu.dma_semaphore, #tpu.memory_space<semaphore_mem>>)
      %dma_wait3A_114 = arith.constant 2 : i32
      %dma_wait3A_115 = arith.constant 0 : i32
      %dma_wait3A_116 = tpu.memref_slice %arg11[%rem3A_40, %dma_wait3A_114, %dma_wait3A_115] : memref<2x8x128xi32, #tpu.memory_space<vmem>> -> memref<1x1x128xi32, #tpu.memory_space<vmem>>
      %dma_wait3A_117 = tpu.memref_squeeze %dma_wait3A_116 : memref<1x1x128xi32, #tpu.memory_space<vmem>> -> memref<128xi32, #tpu.memory_space<vmem>>
      %dma_wait3A_118 = arith.constant 0 : i32
      %dma_wait3A_119 = arith.constant 0 : i32
      %dma_wait3A_120 = tpu.memref_slice %arg2[%dma_wait3A_118, %dma_wait3A_119] : memref<10240x128xf32, #tpu.memory_space<hbm>> -> memref<10240x128xf32, #tpu.memory_space<hbm>>
      tpu.wait_indirect_dma semaphore(%arg18 : memref<!tpu.dma_semaphore, #tpu.memory_space<semaphore_mem>>) src(%dma_wait3A_120 : memref<10240x128xf32, #tpu.memory_space<hbm>>) dst(%arg13 : memref<128x128xf32, #tpu.memory_space<vmem>>)
      %dma_start3A_121 = arith.constant 2 : i32
      %dma_start3A_122 = arith.constant 0 : i32
      %dma_start3A_123 = tpu.memref_slice %arg12[%rem3A_40, %dma_start3A_121, %dma_start3A_122] : memref<2x8x128xi32, #tpu.memory_space<vmem>> -> memref<1x1x128xi32, #tpu.memory_space<vmem>>
      %dma_start3A_124 = tpu.memref_squeeze %dma_start3A_123 : memref<1x1x128xi32, #tpu.memory_space<vmem>> -> memref<128xi32, #tpu.memory_space<vmem>>
      %dma_start3A_125 = arith.constant 0 : i32
      %dma_start3A_126 = arith.constant 0 : i32
      %dma_start3A_127 = tpu.memref_slice %arg16[%dma_start3A_125, %dma_start3A_126] : memref<10240x128xf32, #tpu.memory_space<vmem_shared>> -> memref<10240x128xf32, #tpu.memory_space<vmem_shared>>
      tpu.enqueue_indirect_dma source(%arg13 : memref<128x128xf32, #tpu.memory_space<vmem>>) target(%dma_start3A_127 : memref<10240x128xf32, #tpu.memory_space<vmem_shared>>) offsets(%dma_start3A_124 : memref<128xi32, #tpu.memory_space<vmem>>) semaphore(%arg18 : memref<!tpu.dma_semaphore, #tpu.memory_space<semaphore_mem>>) {add = true}
      %dma_start3A_128 = arith.constant 2 : i32
      %dma_start3A_129 = arith.constant 0 : i32
      %dma_start3A_130 = tpu.memref_slice %arg12[%rem3A_40, %dma_start3A_128, %dma_start3A_129] : memref<2x8x128xi32, #tpu.memory_space<vmem>> -> memref<1x1x128xi32, #tpu.memory_space<vmem>>
      %dma_start3A_131 = tpu.memref_squeeze %dma_start3A_130 : memref<1x1x128xi32, #tpu.memory_space<vmem>> -> memref<128xi32, #tpu.memory_space<vmem>>
      %dma_start3A_132 = arith.constant 0 : i32
      %dma_start3A_133 = tpu.memref_slice %arg17[%dma_start3A_132] : memref<10240xf32, #tpu.memory_space<vmem_shared>> -> memref<10240xf32, #tpu.memory_space<vmem_shared>>
      tpu.enqueue_indirect_dma source(%arg15 : memref<128xf32, #tpu.memory_space<vmem>>) target(%dma_start3A_133 : memref<10240xf32, #tpu.memory_space<vmem_shared>>) offsets(%dma_start3A_131 : memref<128xi32, #tpu.memory_space<vmem>>) semaphore(%arg21 : memref<!tpu.dma_semaphore, #tpu.memory_space<semaphore_mem>>) {add = true}
      %lt3A = arith.constant 9 : i32
      %lt3A_134 = arith.cmpi slt, %scan3A_39, %lt3A : i32
      %convert_element_type3A_135 = arith.extui %lt3A_134 : i1 to i32
      %cond3A_136 = arith.constant 0 : i32
      %cond3A_137 = arith.cmpi ne, %convert_element_type3A_135, %cond3A_136 : i32
      scf.if %cond3A_137 {
        %add3A_330 = arith.constant 1 : i32
        %add3A_331 = arith.addi %scan3A_39, %add3A_330 : i32
        %mul3A_332 = arith.constant 8 : i32
        %mul3A_333 = arith.muli %add3A_331, %mul3A_332 : i32
        %dma_start3A_334 = arith.constant 0 : i32
        %dma_start3A_335 = arith.constant 0 : i32
        %dma_start3A_336 = tpu.memref_slice %arg11[%rem3A_44, %dma_start3A_334, %dma_start3A_335] : memref<2x8x128xi32, #tpu.memory_space<vmem>> -> memref<1x8x128xi32, #tpu.memory_space<vmem>>
        %dma_start3A_337 = tpu.memref_squeeze %dma_start3A_336 : memref<1x8x128xi32, #tpu.memory_space<vmem>> -> memref<8x128xi32, #tpu.memory_space<vmem>>
        %dma_start3A_338 = arith.constant 0 : i32
        %dma_start3A_339 = tpu.memref_slice %arg3[%add3A, %mul3A_333, %dma_start3A_338] : memref<64x80x128xi32, #tpu.memory_space<hbm>> -> memref<1x8x128xi32, #tpu.memory_space<hbm>>
        %dma_start3A_340 = tpu.memref_squeeze %dma_start3A_339 : memref<1x8x128xi32, #tpu.memory_space<hbm>> -> memref<8x128xi32, #tpu.memory_space<hbm>>
        %dma_start3A_341 = arith.constant 0 : i32
        %dma_start3A_342 = arith.constant 0 : i32
        %dma_start3A_343 = tpu.memref_slice %arg11[%rem3A_44, %dma_start3A_341, %dma_start3A_342] : memref<2x8x128xi32, #tpu.memory_space<vmem>> -> memref<1x8x128xi32, #tpu.memory_space<vmem>>
        %dma_start3A_344 = tpu.memref_squeeze %dma_start3A_343 : memref<1x8x128xi32, #tpu.memory_space<vmem>> -> memref<8x128xi32, #tpu.memory_space<vmem>>
        %dma_start3A_345 = arith.constant 0 : i32
        %dma_start3A_346 = tpu.memref_slice %arg3[%add3A, %mul3A_333, %dma_start3A_345] : memref<64x80x128xi32, #tpu.memory_space<hbm>> -> memref<1x8x128xi32, #tpu.memory_space<hbm>>
        %dma_start3A_347 = tpu.memref_squeeze %dma_start3A_346 : memref<1x8x128xi32, #tpu.memory_space<hbm>> -> memref<8x128xi32, #tpu.memory_space<hbm>>
        tpu.enqueue_dma source(%dma_start3A_347 : memref<8x128xi32, #tpu.memory_space<hbm>>) target(%dma_start3A_344 : memref<8x128xi32, #tpu.memory_space<vmem>>) target_semaphore(%arg20 : memref<!tpu.dma_semaphore, #tpu.memory_space<semaphore_mem>>)
        %add3A_348 = arith.constant 32 : i32
        %add3A_349 = arith.addi %add3A_348, %add3A : i32
        %dma_start3A_350 = arith.constant 0 : i32
        %dma_start3A_351 = arith.constant 0 : i32
        %dma_start3A_352 = tpu.memref_slice %arg12[%rem3A_44, %dma_start3A_350, %dma_start3A_351] : memref<2x8x128xi32, #tpu.memory_space<vmem>> -> memref<1x8x128xi32, #tpu.memory_space<vmem>>
        %dma_start3A_353 = tpu.memref_squeeze %dma_start3A_352 : memref<1x8x128xi32, #tpu.memory_space<vmem>> -> memref<8x128xi32, #tpu.memory_space<vmem>>
        %dma_start3A_354 = arith.constant 0 : i32
        %dma_start3A_355 = tpu.memref_slice %arg3[%add3A_349, %mul3A_333, %dma_start3A_354] : memref<64x80x128xi32, #tpu.memory_space<hbm>> -> memref<1x8x128xi32, #tpu.memory_space<hbm>>
        %dma_start3A_356 = tpu.memref_squeeze %dma_start3A_355 : memref<1x8x128xi32, #tpu.memory_space<hbm>> -> memref<8x128xi32, #tpu.memory_space<hbm>>
        %dma_start3A_357 = arith.constant 0 : i32
        %dma_start3A_358 = arith.constant 0 : i32
        %dma_start3A_359 = tpu.memref_slice %arg12[%rem3A_44, %dma_start3A_357, %dma_start3A_358] : memref<2x8x128xi32, #tpu.memory_space<vmem>> -> memref<1x8x128xi32, #tpu.memory_space<vmem>>
        %dma_start3A_360 = tpu.memref_squeeze %dma_start3A_359 : memref<1x8x128xi32, #tpu.memory_space<vmem>> -> memref<8x128xi32, #tpu.memory_space<vmem>>
        %dma_start3A_361 = arith.constant 0 : i32
        %dma_start3A_362 = tpu.memref_slice %arg3[%add3A_349, %mul3A_333, %dma_start3A_361] : memref<64x80x128xi32, #tpu.memory_space<hbm>> -> memref<1x8x128xi32, #tpu.memory_space<hbm>>
        %dma_start3A_363 = tpu.memref_squeeze %dma_start3A_362 : memref<1x8x128xi32, #tpu.memory_space<hbm>> -> memref<8x128xi32, #tpu.memory_space<hbm>>
        tpu.enqueue_dma source(%dma_start3A_363 : memref<8x128xi32, #tpu.memory_space<hbm>>) target(%dma_start3A_360 : memref<8x128xi32, #tpu.memory_space<vmem>>) target_semaphore(%arg20 : memref<!tpu.dma_semaphore, #tpu.memory_space<semaphore_mem>>)
      } else {
      }
      %dma_wait3A_138 = arith.constant 0 : i32
      %dma_wait3A_139 = arith.constant 0 : i32
      %dma_wait3A_140 = arith.constant 0 : i32
      %dma_wait3A_141 = tpu.memref_slice %arg12[%dma_wait3A_138, %dma_wait3A_139, %dma_wait3A_140] : memref<2x8x128xi32, #tpu.memory_space<vmem>> -> memref<1x1x128xi32, #tpu.memory_space<vmem>>
      %dma_wait3A_142 = tpu.memref_squeeze %dma_wait3A_141 : memref<1x1x128xi32, #tpu.memory_space<vmem>> -> memref<128xi32, #tpu.memory_space<vmem>>
      %dma_wait3A_143 = arith.constant 0 : i32
      %dma_wait3A_144 = arith.constant 0 : i32
      %dma_wait3A_145 = tpu.memref_slice %arg16[%dma_wait3A_143, %dma_wait3A_144] : memref<10240x128xf32, #tpu.memory_space<vmem_shared>> -> memref<10240x128xf32, #tpu.memory_space<vmem_shared>>
      tpu.wait_indirect_dma semaphore(%arg18 : memref<!tpu.dma_semaphore, #tpu.memory_space<semaphore_mem>>) src(%arg13 : memref<128x128xf32, #tpu.memory_space<vmem>>) dst(%dma_wait3A_145 : memref<10240x128xf32, #tpu.memory_space<vmem_shared>>)
      %dma_start3A_146 = arith.constant 4 : i32
      %dma_start3A_147 = arith.constant 0 : i32
      %dma_start3A_148 = tpu.memref_slice %arg11[%rem3A_40, %dma_start3A_146, %dma_start3A_147] : memref<2x8x128xi32, #tpu.memory_space<vmem>> -> memref<1x1x128xi32, #tpu.memory_space<vmem>>
      %dma_start3A_149 = tpu.memref_squeeze %dma_start3A_148 : memref<1x1x128xi32, #tpu.memory_space<vmem>> -> memref<128xi32, #tpu.memory_space<vmem>>
      %dma_start3A_150 = arith.constant 0 : i32
      %dma_start3A_151 = arith.constant 0 : i32
      %dma_start3A_152 = tpu.memref_slice %arg2[%dma_start3A_150, %dma_start3A_151] : memref<10240x128xf32, #tpu.memory_space<hbm>> -> memref<10240x128xf32, #tpu.memory_space<hbm>>
      tpu.enqueue_indirect_dma source(%dma_start3A_152 : memref<10240x128xf32, #tpu.memory_space<hbm>>) target(%arg13 : memref<128x128xf32, #tpu.memory_space<vmem>>) offsets(%dma_start3A_149 : memref<128xi32, #tpu.memory_space<vmem>>) semaphore(%arg18 : memref<!tpu.dma_semaphore, #tpu.memory_space<semaphore_mem>>)
      %dma_wait3A_153 = arith.constant 3 : i32
      %dma_wait3A_154 = arith.constant 0 : i32
      %dma_wait3A_155 = tpu.memref_slice %arg11[%rem3A_40, %dma_wait3A_153, %dma_wait3A_154] : memref<2x8x128xi32, #tpu.memory_space<vmem>> -> memref<1x1x128xi32, #tpu.memory_space<vmem>>
      %dma_wait3A_156 = tpu.memref_squeeze %dma_wait3A_155 : memref<1x1x128xi32, #tpu.memory_space<vmem>> -> memref<128xi32, #tpu.memory_space<vmem>>
      %dma_wait3A_157 = arith.constant 0 : i32
      %dma_wait3A_158 = arith.constant 0 : i32
      %dma_wait3A_159 = tpu.memref_slice %arg2[%dma_wait3A_157, %dma_wait3A_158] : memref<10240x128xf32, #tpu.memory_space<hbm>> -> memref<10240x128xf32, #tpu.memory_space<hbm>>
      tpu.wait_indirect_dma semaphore(%arg19 : memref<!tpu.dma_semaphore, #tpu.memory_space<semaphore_mem>>) src(%dma_wait3A_159 : memref<10240x128xf32, #tpu.memory_space<hbm>>) dst(%arg14 : memref<128x128xf32, #tpu.memory_space<vmem>>)
      %dma_start3A_160 = arith.constant 3 : i32
      %dma_start3A_161 = arith.constant 0 : i32
      %dma_start3A_162 = tpu.memref_slice %arg12[%rem3A_40, %dma_start3A_160, %dma_start3A_161] : memref<2x8x128xi32, #tpu.memory_space<vmem>> -> memref<1x1x128xi32, #tpu.memory_space<vmem>>
      %dma_start3A_163 = tpu.memref_squeeze %dma_start3A_162 : memref<1x1x128xi32, #tpu.memory_space<vmem>> -> memref<128xi32, #tpu.memory_space<vmem>>
      %dma_start3A_164 = arith.constant 0 : i32
      %dma_start3A_165 = arith.constant 0 : i32
      %dma_start3A_166 = tpu.memref_slice %arg16[%dma_start3A_164, %dma_start3A_165] : memref<10240x128xf32, #tpu.memory_space<vmem_shared>> -> memref<10240x128xf32, #tpu.memory_space<vmem_shared>>
      tpu.enqueue_indirect_dma source(%arg14 : memref<128x128xf32, #tpu.memory_space<vmem>>) target(%dma_start3A_166 : memref<10240x128xf32, #tpu.memory_space<vmem_shared>>) offsets(%dma_start3A_163 : memref<128xi32, #tpu.memory_space<vmem>>) semaphore(%arg19 : memref<!tpu.dma_semaphore, #tpu.memory_space<semaphore_mem>>) {add = true}
      %dma_start3A_167 = arith.constant 3 : i32
      %dma_start3A_168 = arith.constant 0 : i32
      %dma_start3A_169 = tpu.memref_slice %arg12[%rem3A_40, %dma_start3A_167, %dma_start3A_168] : memref<2x8x128xi32, #tpu.memory_space<vmem>> -> memref<1x1x128xi32, #tpu.memory_space<vmem>>
      %dma_start3A_170 = tpu.memref_squeeze %dma_start3A_169 : memref<1x1x128xi32, #tpu.memory_space<vmem>> -> memref<128xi32, #tpu.memory_space<vmem>>
      %dma_start3A_171 = arith.constant 0 : i32
      %dma_start3A_172 = tpu.memref_slice %arg17[%dma_start3A_171] : memref<10240xf32, #tpu.memory_space<vmem_shared>> -> memref<10240xf32, #tpu.memory_space<vmem_shared>>
      tpu.enqueue_indirect_dma source(%arg15 : memref<128xf32, #tpu.memory_space<vmem>>) target(%dma_start3A_172 : memref<10240xf32, #tpu.memory_space<vmem_shared>>) offsets(%dma_start3A_170 : memref<128xi32, #tpu.memory_space<vmem>>) semaphore(%arg21 : memref<!tpu.dma_semaphore, #tpu.memory_space<semaphore_mem>>) {add = true}
      %dma_wait3A_173 = arith.constant 0 : i32
      %dma_wait3A_174 = arith.constant 0 : i32
      %dma_wait3A_175 = arith.constant 0 : i32
      %dma_wait3A_176 = tpu.memref_slice %arg12[%dma_wait3A_173, %dma_wait3A_174, %dma_wait3A_175] : memref<2x8x128xi32, #tpu.memory_space<vmem>> -> memref<1x1x128xi32, #tpu.memory_space<vmem>>
      %dma_wait3A_177 = tpu.memref_squeeze %dma_wait3A_176 : memref<1x1x128xi32, #tpu.memory_space<vmem>> -> memref<128xi32, #tpu.memory_space<vmem>>
      %dma_wait3A_178 = arith.constant 0 : i32
      %dma_wait3A_179 = arith.constant 0 : i32
      %dma_wait3A_180 = tpu.memref_slice %arg16[%dma_wait3A_178, %dma_wait3A_179] : memref<10240x128xf32, #tpu.memory_space<vmem_shared>> -> memref<10240x128xf32, #tpu.memory_space<vmem_shared>>
      tpu.wait_indirect_dma semaphore(%arg19 : memref<!tpu.dma_semaphore, #tpu.memory_space<semaphore_mem>>) src(%arg14 : memref<128x128xf32, #tpu.memory_space<vmem>>) dst(%dma_wait3A_180 : memref<10240x128xf32, #tpu.memory_space<vmem_shared>>)
      %dma_start3A_181 = arith.constant 5 : i32
      %dma_start3A_182 = arith.constant 0 : i32
      %dma_start3A_183 = tpu.memref_slice %arg11[%rem3A_40, %dma_start3A_181, %dma_start3A_182] : memref<2x8x128xi32, #tpu.memory_space<vmem>> -> memref<1x1x128xi32, #tpu.memory_space<vmem>>
      %dma_start3A_184 = tpu.memref_squeeze %dma_start3A_183 : memref<1x1x128xi32, #tpu.memory_space<vmem>> -> memref<128xi32, #tpu.memory_space<vmem>>
      %dma_start3A_185 = arith.constant 0 : i32
      %dma_start3A_186 = arith.constant 0 : i32
      %dma_start3A_187 = tpu.memref_slice %arg2[%dma_start3A_185, %dma_start3A_186] : memref<10240x128xf32, #tpu.memory_space<hbm>> -> memref<10240x128xf32, #tpu.memory_space<hbm>>
      tpu.enqueue_indirect_dma source(%dma_start3A_187 : memref<10240x128xf32, #tpu.memory_space<hbm>>) target(%arg14 : memref<128x128xf32, #tpu.memory_space<vmem>>) offsets(%dma_start3A_184 : memref<128xi32, #tpu.memory_space<vmem>>) semaphore(%arg19 : memref<!tpu.dma_semaphore, #tpu.memory_space<semaphore_mem>>)
      %dma_wait3A_188 = arith.constant 4 : i32
      %dma_wait3A_189 = arith.constant 0 : i32
      %dma_wait3A_190 = tpu.memref_slice %arg11[%rem3A_40, %dma_wait3A_188, %dma_wait3A_189] : memref<2x8x128xi32, #tpu.memory_space<vmem>> -> memref<1x1x128xi32, #tpu.memory_space<vmem>>
      %dma_wait3A_191 = tpu.memref_squeeze %dma_wait3A_190 : memref<1x1x128xi32, #tpu.memory_space<vmem>> -> memref<128xi32, #tpu.memory_space<vmem>>
      %dma_wait3A_192 = arith.constant 0 : i32
      %dma_wait3A_193 = arith.constant 0 : i32
      %dma_wait3A_194 = tpu.memref_slice %arg2[%dma_wait3A_192, %dma_wait3A_193] : memref<10240x128xf32, #tpu.memory_space<hbm>> -> memref<10240x128xf32, #tpu.memory_space<hbm>>
      tpu.wait_indirect_dma semaphore(%arg18 : memref<!tpu.dma_semaphore, #tpu.memory_space<semaphore_mem>>) src(%dma_wait3A_194 : memref<10240x128xf32, #tpu.memory_space<hbm>>) dst(%arg13 : memref<128x128xf32, #tpu.memory_space<vmem>>)
      %dma_start3A_195 = arith.constant 4 : i32
      %dma_start3A_196 = arith.constant 0 : i32
      %dma_start3A_197 = tpu.memref_slice %arg12[%rem3A_40, %dma_start3A_195, %dma_start3A_196] : memref<2x8x128xi32, #tpu.memory_space<vmem>> -> memref<1x1x128xi32, #tpu.memory_space<vmem>>
      %dma_start3A_198 = tpu.memref_squeeze %dma_start3A_197 : memref<1x1x128xi32, #tpu.memory_space<vmem>> -> memref<128xi32, #tpu.memory_space<vmem>>
      %dma_start3A_199 = arith.constant 0 : i32
      %dma_start3A_200 = arith.constant 0 : i32
      %dma_start3A_201 = tpu.memref_slice %arg16[%dma_start3A_199, %dma_start3A_200] : memref<10240x128xf32, #tpu.memory_space<vmem_shared>> -> memref<10240x128xf32, #tpu.memory_space<vmem_shared>>
      tpu.enqueue_indirect_dma source(%arg13 : memref<128x128xf32, #tpu.memory_space<vmem>>) target(%dma_start3A_201 : memref<10240x128xf32, #tpu.memory_space<vmem_shared>>) offsets(%dma_start3A_198 : memref<128xi32, #tpu.memory_space<vmem>>) semaphore(%arg18 : memref<!tpu.dma_semaphore, #tpu.memory_space<semaphore_mem>>) {add = true}
      %dma_start3A_202 = arith.constant 4 : i32
      %dma_start3A_203 = arith.constant 0 : i32
      %dma_start3A_204 = tpu.memref_slice %arg12[%rem3A_40, %dma_start3A_202, %dma_start3A_203] : memref<2x8x128xi32, #tpu.memory_space<vmem>> -> memref<1x1x128xi32, #tpu.memory_space<vmem>>
      %dma_start3A_205 = tpu.memref_squeeze %dma_start3A_204 : memref<1x1x128xi32, #tpu.memory_space<vmem>> -> memref<128xi32, #tpu.memory_space<vmem>>
      %dma_start3A_206 = arith.constant 0 : i32
      %dma_start3A_207 = tpu.memref_slice %arg17[%dma_start3A_206] : memref<10240xf32, #tpu.memory_space<vmem_shared>> -> memref<10240xf32, #tpu.memory_space<vmem_shared>>
      tpu.enqueue_indirect_dma source(%arg15 : memref<128xf32, #tpu.memory_space<vmem>>) target(%dma_start3A_207 : memref<10240xf32, #tpu.memory_space<vmem_shared>>) offsets(%dma_start3A_205 : memref<128xi32, #tpu.memory_space<vmem>>) semaphore(%arg21 : memref<!tpu.dma_semaphore, #tpu.memory_space<semaphore_mem>>) {add = true}
      %dma_wait3A_208 = arith.constant 0 : i32
      %dma_wait3A_209 = arith.constant 0 : i32
      %dma_wait3A_210 = arith.constant 0 : i32
      %dma_wait3A_211 = tpu.memref_slice %arg12[%dma_wait3A_208, %dma_wait3A_209, %dma_wait3A_210] : memref<2x8x128xi32, #tpu.memory_space<vmem>> -> memref<1x1x128xi32, #tpu.memory_space<vmem>>
      %dma_wait3A_212 = tpu.memref_squeeze %dma_wait3A_211 : memref<1x1x128xi32, #tpu.memory_space<vmem>> -> memref<128xi32, #tpu.memory_space<vmem>>
      %dma_wait3A_213 = arith.constant 0 : i32
      %dma_wait3A_214 = arith.constant 0 : i32
      %dma_wait3A_215 = tpu.memref_slice %arg16[%dma_wait3A_213, %dma_wait3A_214] : memref<10240x128xf32, #tpu.memory_space<vmem_shared>> -> memref<10240x128xf32, #tpu.memory_space<vmem_shared>>
      tpu.wait_indirect_dma semaphore(%arg18 : memref<!tpu.dma_semaphore, #tpu.memory_space<semaphore_mem>>) src(%arg13 : memref<128x128xf32, #tpu.memory_space<vmem>>) dst(%dma_wait3A_215 : memref<10240x128xf32, #tpu.memory_space<vmem_shared>>)
      %dma_start3A_216 = arith.constant 6 : i32
      %dma_start3A_217 = arith.constant 0 : i32
      %dma_start3A_218 = tpu.memref_slice %arg11[%rem3A_40, %dma_start3A_216, %dma_start3A_217] : memref<2x8x128xi32, #tpu.memory_space<vmem>> -> memref<1x1x128xi32, #tpu.memory_space<vmem>>
      %dma_start3A_219 = tpu.memref_squeeze %dma_start3A_218 : memref<1x1x128xi32, #tpu.memory_space<vmem>> -> memref<128xi32, #tpu.memory_space<vmem>>
      %dma_start3A_220 = arith.constant 0 : i32
      %dma_start3A_221 = arith.constant 0 : i32
      %dma_start3A_222 = tpu.memref_slice %arg2[%dma_start3A_220, %dma_start3A_221] : memref<10240x128xf32, #tpu.memory_space<hbm>> -> memref<10240x128xf32, #tpu.memory_space<hbm>>
      tpu.enqueue_indirect_dma source(%dma_start3A_222 : memref<10240x128xf32, #tpu.memory_space<hbm>>) target(%arg13 : memref<128x128xf32, #tpu.memory_space<vmem>>) offsets(%dma_start3A_219 : memref<128xi32, #tpu.memory_space<vmem>>) semaphore(%arg18 : memref<!tpu.dma_semaphore, #tpu.memory_space<semaphore_mem>>)
      %dma_wait3A_223 = arith.constant 5 : i32
      %dma_wait3A_224 = arith.constant 0 : i32
      %dma_wait3A_225 = tpu.memref_slice %arg11[%rem3A_40, %dma_wait3A_223, %dma_wait3A_224] : memref<2x8x128xi32, #tpu.memory_space<vmem>> -> memref<1x1x128xi32, #tpu.memory_space<vmem>>
      %dma_wait3A_226 = tpu.memref_squeeze %dma_wait3A_225 : memref<1x1x128xi32, #tpu.memory_space<vmem>> -> memref<128xi32, #tpu.memory_space<vmem>>
      %dma_wait3A_227 = arith.constant 0 : i32
      %dma_wait3A_228 = arith.constant 0 : i32
      %dma_wait3A_229 = tpu.memref_slice %arg2[%dma_wait3A_227, %dma_wait3A_228] : memref<10240x128xf32, #tpu.memory_space<hbm>> -> memref<10240x128xf32, #tpu.memory_space<hbm>>
      tpu.wait_indirect_dma semaphore(%arg19 : memref<!tpu.dma_semaphore, #tpu.memory_space<semaphore_mem>>) src(%dma_wait3A_229 : memref<10240x128xf32, #tpu.memory_space<hbm>>) dst(%arg14 : memref<128x128xf32, #tpu.memory_space<vmem>>)
      %dma_start3A_230 = arith.constant 5 : i32
      %dma_start3A_231 = arith.constant 0 : i32
      %dma_start3A_232 = tpu.memref_slice %arg12[%rem3A_40, %dma_start3A_230, %dma_start3A_231] : memref<2x8x128xi32, #tpu.memory_space<vmem>> -> memref<1x1x128xi32, #tpu.memory_space<vmem>>
      %dma_start3A_233 = tpu.memref_squeeze %dma_start3A_232 : memref<1x1x128xi32, #tpu.memory_space<vmem>> -> memref<128xi32, #tpu.memory_space<vmem>>
      %dma_start3A_234 = arith.constant 0 : i32
      %dma_start3A_235 = arith.constant 0 : i32
      %dma_start3A_236 = tpu.memref_slice %arg16[%dma_start3A_234, %dma_start3A_235] : memref<10240x128xf32, #tpu.memory_space<vmem_shared>> -> memref<10240x128xf32, #tpu.memory_space<vmem_shared>>
      tpu.enqueue_indirect_dma source(%arg14 : memref<128x128xf32, #tpu.memory_space<vmem>>) target(%dma_start3A_236 : memref<10240x128xf32, #tpu.memory_space<vmem_shared>>) offsets(%dma_start3A_233 : memref<128xi32, #tpu.memory_space<vmem>>) semaphore(%arg19 : memref<!tpu.dma_semaphore, #tpu.memory_space<semaphore_mem>>) {add = true}
      %dma_start3A_237 = arith.constant 5 : i32
      %dma_start3A_238 = arith.constant 0 : i32
      %dma_start3A_239 = tpu.memref_slice %arg12[%rem3A_40, %dma_start3A_237, %dma_start3A_238] : memref<2x8x128xi32, #tpu.memory_space<vmem>> -> memref<1x1x128xi32, #tpu.memory_space<vmem>>
      %dma_start3A_240 = tpu.memref_squeeze %dma_start3A_239 : memref<1x1x128xi32, #tpu.memory_space<vmem>> -> memref<128xi32, #tpu.memory_space<vmem>>
      %dma_start3A_241 = arith.constant 0 : i32
      %dma_start3A_242 = tpu.memref_slice %arg17[%dma_start3A_241] : memref<10240xf32, #tpu.memory_space<vmem_shared>> -> memref<10240xf32, #tpu.memory_space<vmem_shared>>
      tpu.enqueue_indirect_dma source(%arg15 : memref<128xf32, #tpu.memory_space<vmem>>) target(%dma_start3A_242 : memref<10240xf32, #tpu.memory_space<vmem_shared>>) offsets(%dma_start3A_240 : memref<128xi32, #tpu.memory_space<vmem>>) semaphore(%arg21 : memref<!tpu.dma_semaphore, #tpu.memory_space<semaphore_mem>>) {add = true}
      %dma_wait3A_243 = arith.constant 0 : i32
      %dma_wait3A_244 = arith.constant 0 : i32
      %dma_wait3A_245 = arith.constant 0 : i32
      %dma_wait3A_246 = tpu.memref_slice %arg12[%dma_wait3A_243, %dma_wait3A_244, %dma_wait3A_245] : memref<2x8x128xi32, #tpu.memory_space<vmem>> -> memref<1x1x128xi32, #tpu.memory_space<vmem>>
      %dma_wait3A_247 = tpu.memref_squeeze %dma_wait3A_246 : memref<1x1x128xi32, #tpu.memory_space<vmem>> -> memref<128xi32, #tpu.memory_space<vmem>>
      %dma_wait3A_248 = arith.constant 0 : i32
      %dma_wait3A_249 = arith.constant 0 : i32
      %dma_wait3A_250 = tpu.memref_slice %arg16[%dma_wait3A_248, %dma_wait3A_249] : memref<10240x128xf32, #tpu.memory_space<vmem_shared>> -> memref<10240x128xf32, #tpu.memory_space<vmem_shared>>
      tpu.wait_indirect_dma semaphore(%arg19 : memref<!tpu.dma_semaphore, #tpu.memory_space<semaphore_mem>>) src(%arg14 : memref<128x128xf32, #tpu.memory_space<vmem>>) dst(%dma_wait3A_250 : memref<10240x128xf32, #tpu.memory_space<vmem_shared>>)
      %dma_start3A_251 = arith.constant 7 : i32
      %dma_start3A_252 = arith.constant 0 : i32
      %dma_start3A_253 = tpu.memref_slice %arg11[%rem3A_40, %dma_start3A_251, %dma_start3A_252] : memref<2x8x128xi32, #tpu.memory_space<vmem>> -> memref<1x1x128xi32, #tpu.memory_space<vmem>>
      %dma_start3A_254 = tpu.memref_squeeze %dma_start3A_253 : memref<1x1x128xi32, #tpu.memory_space<vmem>> -> memref<128xi32, #tpu.memory_space<vmem>>
      %dma_start3A_255 = arith.constant 0 : i32
      %dma_start3A_256 = arith.constant 0 : i32
      %dma_start3A_257 = tpu.memref_slice %arg2[%dma_start3A_255, %dma_start3A_256] : memref<10240x128xf32, #tpu.memory_space<hbm>> -> memref<10240x128xf32, #tpu.memory_space<hbm>>
      tpu.enqueue_indirect_dma source(%dma_start3A_257 : memref<10240x128xf32, #tpu.memory_space<hbm>>) target(%arg14 : memref<128x128xf32, #tpu.memory_space<vmem>>) offsets(%dma_start3A_254 : memref<128xi32, #tpu.memory_space<vmem>>) semaphore(%arg19 : memref<!tpu.dma_semaphore, #tpu.memory_space<semaphore_mem>>)
      %dma_wait3A_258 = arith.constant 6 : i32
      %dma_wait3A_259 = arith.constant 0 : i32
      %dma_wait3A_260 = tpu.memref_slice %arg11[%rem3A_40, %dma_wait3A_258, %dma_wait3A_259] : memref<2x8x128xi32, #tpu.memory_space<vmem>> -> memref<1x1x128xi32, #tpu.memory_space<vmem>>
      %dma_wait3A_261 = tpu.memref_squeeze %dma_wait3A_260 : memref<1x1x128xi32, #tpu.memory_space<vmem>> -> memref<128xi32, #tpu.memory_space<vmem>>
      %dma_wait3A_262 = arith.constant 0 : i32
      %dma_wait3A_263 = arith.constant 0 : i32
      %dma_wait3A_264 = tpu.memref_slice %arg2[%dma_wait3A_262, %dma_wait3A_263] : memref<10240x128xf32, #tpu.memory_space<hbm>> -> memref<10240x128xf32, #tpu.memory_space<hbm>>
      tpu.wait_indirect_dma semaphore(%arg18 : memref<!tpu.dma_semaphore, #tpu.memory_space<semaphore_mem>>) src(%dma_wait3A_264 : memref<10240x128xf32, #tpu.memory_space<hbm>>) dst(%arg13 : memref<128x128xf32, #tpu.memory_space<vmem>>)
      %dma_start3A_265 = arith.constant 6 : i32
      %dma_start3A_266 = arith.constant 0 : i32
      %dma_start3A_267 = tpu.memref_slice %arg12[%rem3A_40, %dma_start3A_265, %dma_start3A_266] : memref<2x8x128xi32, #tpu.memory_space<vmem>> -> memref<1x1x128xi32, #tpu.memory_space<vmem>>
      %dma_start3A_268 = tpu.memref_squeeze %dma_start3A_267 : memref<1x1x128xi32, #tpu.memory_space<vmem>> -> memref<128xi32, #tpu.memory_space<vmem>>
      %dma_start3A_269 = arith.constant 0 : i32
      %dma_start3A_270 = arith.constant 0 : i32
      %dma_start3A_271 = tpu.memref_slice %arg16[%dma_start3A_269, %dma_start3A_270] : memref<10240x128xf32, #tpu.memory_space<vmem_shared>> -> memref<10240x128xf32, #tpu.memory_space<vmem_shared>>
      tpu.enqueue_indirect_dma source(%arg13 : memref<128x128xf32, #tpu.memory_space<vmem>>) target(%dma_start3A_271 : memref<10240x128xf32, #tpu.memory_space<vmem_shared>>) offsets(%dma_start3A_268 : memref<128xi32, #tpu.memory_space<vmem>>) semaphore(%arg18 : memref<!tpu.dma_semaphore, #tpu.memory_space<semaphore_mem>>) {add = true}
      %dma_start3A_272 = arith.constant 6 : i32
      %dma_start3A_273 = arith.constant 0 : i32
      %dma_start3A_274 = tpu.memref_slice %arg12[%rem3A_40, %dma_start3A_272, %dma_start3A_273] : memref<2x8x128xi32, #tpu.memory_space<vmem>> -> memref<1x1x128xi32, #tpu.memory_space<vmem>>
      %dma_start3A_275 = tpu.memref_squeeze %dma_start3A_274 : memref<1x1x128xi32, #tpu.memory_space<vmem>> -> memref<128xi32, #tpu.memory_space<vmem>>
      %dma_start3A_276 = arith.constant 0 : i32
      %dma_start3A_277 = tpu.memref_slice %arg17[%dma_start3A_276] : memref<10240xf32, #tpu.memory_space<vmem_shared>> -> memref<10240xf32, #tpu.memory_space<vmem_shared>>
      tpu.enqueue_indirect_dma source(%arg15 : memref<128xf32, #tpu.memory_space<vmem>>) target(%dma_start3A_277 : memref<10240xf32, #tpu.memory_space<vmem_shared>>) offsets(%dma_start3A_275 : memref<128xi32, #tpu.memory_space<vmem>>) semaphore(%arg21 : memref<!tpu.dma_semaphore, #tpu.memory_space<semaphore_mem>>) {add = true}
      %dma_wait3A_278 = arith.constant 0 : i32
      %dma_wait3A_279 = arith.constant 0 : i32
      %dma_wait3A_280 = arith.constant 0 : i32
      %dma_wait3A_281 = tpu.memref_slice %arg12[%dma_wait3A_278, %dma_wait3A_279, %dma_wait3A_280] : memref<2x8x128xi32, #tpu.memory_space<vmem>> -> memref<1x1x128xi32, #tpu.memory_space<vmem>>
      %dma_wait3A_282 = tpu.memref_squeeze %dma_wait3A_281 : memref<1x1x128xi32, #tpu.memory_space<vmem>> -> memref<128xi32, #tpu.memory_space<vmem>>
      %dma_wait3A_283 = arith.constant 0 : i32
      %dma_wait3A_284 = arith.constant 0 : i32
      %dma_wait3A_285 = tpu.memref_slice %arg16[%dma_wait3A_283, %dma_wait3A_284] : memref<10240x128xf32, #tpu.memory_space<vmem_shared>> -> memref<10240x128xf32, #tpu.memory_space<vmem_shared>>
      tpu.wait_indirect_dma semaphore(%arg18 : memref<!tpu.dma_semaphore, #tpu.memory_space<semaphore_mem>>) src(%arg13 : memref<128x128xf32, #tpu.memory_space<vmem>>) dst(%dma_wait3A_285 : memref<10240x128xf32, #tpu.memory_space<vmem_shared>>)
      %lt3A_286 = arith.constant 9 : i32
      %lt3A_287 = arith.cmpi slt, %scan3A_39, %lt3A_286 : i32
      %convert_element_type3A_288 = arith.extui %lt3A_287 : i1 to i32
      %cond3A_289 = arith.constant 0 : i32
      %cond3A_290 = arith.cmpi ne, %convert_element_type3A_288, %cond3A_289 : i32
      scf.if %cond3A_290 {
        %dma_wait3A_330 = arith.constant 0 : i32
        %dma_wait3A_331 = arith.constant 0 : i32
        %dma_wait3A_332 = tpu.memref_slice %arg11[%rem3A_44, %dma_wait3A_330, %dma_wait3A_331] : memref<2x8x128xi32, #tpu.memory_space<vmem>> -> memref<1x8x128xi32, #tpu.memory_space<vmem>>
        %dma_wait3A_333 = tpu.memref_squeeze %dma_wait3A_332 : memref<1x8x128xi32, #tpu.memory_space<vmem>> -> memref<8x128xi32, #tpu.memory_space<vmem>>
        %dma_wait3A_334 = arith.constant 0 : i32
        %dma_wait3A_335 = arith.constant 0 : i32
        %dma_wait3A_336 = tpu.memref_slice %arg3[%add3A, %dma_wait3A_334, %dma_wait3A_335] : memref<64x80x128xi32, #tpu.memory_space<hbm>> -> memref<1x8x128xi32, #tpu.memory_space<hbm>>
        %dma_wait3A_337 = tpu.memref_squeeze %dma_wait3A_336 : memref<1x8x128xi32, #tpu.memory_space<hbm>> -> memref<8x128xi32, #tpu.memory_space<hbm>>
        %dma_wait3A_338 = arith.constant 0 : i32
        %dma_wait3A_339 = arith.constant 0 : i32
        %dma_wait3A_340 = tpu.memref_slice %arg11[%rem3A_44, %dma_wait3A_338, %dma_wait3A_339] : memref<2x8x128xi32, #tpu.memory_space<vmem>> -> memref<1x8x128xi32, #tpu.memory_space<vmem>>
        %dma_wait3A_341 = tpu.memref_squeeze %dma_wait3A_340 : memref<1x8x128xi32, #tpu.memory_space<vmem>> -> memref<8x128xi32, #tpu.memory_space<vmem>>
        %dma_wait3A_342 = arith.constant 0 : i32
        %dma_wait3A_343 = arith.constant 0 : i32
        %dma_wait3A_344 = tpu.memref_slice %arg3[%add3A, %dma_wait3A_342, %dma_wait3A_343] : memref<64x80x128xi32, #tpu.memory_space<hbm>> -> memref<1x8x128xi32, #tpu.memory_space<hbm>>
        %dma_wait3A_345 = tpu.memref_squeeze %dma_wait3A_344 : memref<1x8x128xi32, #tpu.memory_space<hbm>> -> memref<8x128xi32, #tpu.memory_space<hbm>>
        tpu.wait_dma2 semaphore(%arg20 : memref<!tpu.dma_semaphore, #tpu.memory_space<semaphore_mem>>) src(%dma_wait3A_345 : memref<8x128xi32, #tpu.memory_space<hbm>>) dst(%dma_wait3A_341 : memref<8x128xi32, #tpu.memory_space<vmem>>)
        %add3A_346 = arith.constant 32 : i32
        %add3A_347 = arith.addi %add3A_346, %add3A : i32
        %dma_wait3A_348 = arith.constant 0 : i32
        %dma_wait3A_349 = arith.constant 0 : i32
        %dma_wait3A_350 = tpu.memref_slice %arg12[%rem3A_44, %dma_wait3A_348, %dma_wait3A_349] : memref<2x8x128xi32, #tpu.memory_space<vmem>> -> memref<1x8x128xi32, #tpu.memory_space<vmem>>
        %dma_wait3A_351 = tpu.memref_squeeze %dma_wait3A_350 : memref<1x8x128xi32, #tpu.memory_space<vmem>> -> memref<8x128xi32, #tpu.memory_space<vmem>>
        %dma_wait3A_352 = arith.constant 0 : i32
        %dma_wait3A_353 = arith.constant 0 : i32
        %dma_wait3A_354 = tpu.memref_slice %arg3[%add3A_347, %dma_wait3A_352, %dma_wait3A_353] : memref<64x80x128xi32, #tpu.memory_space<hbm>> -> memref<1x8x128xi32, #tpu.memory_space<hbm>>
        %dma_wait3A_355 = tpu.memref_squeeze %dma_wait3A_354 : memref<1x8x128xi32, #tpu.memory_space<hbm>> -> memref<8x128xi32, #tpu.memory_space<hbm>>
        %dma_wait3A_356 = arith.constant 0 : i32
        %dma_wait3A_357 = arith.constant 0 : i32
        %dma_wait3A_358 = tpu.memref_slice %arg12[%rem3A_44, %dma_wait3A_356, %dma_wait3A_357] : memref<2x8x128xi32, #tpu.memory_space<vmem>> -> memref<1x8x128xi32, #tpu.memory_space<vmem>>
        %dma_wait3A_359 = tpu.memref_squeeze %dma_wait3A_358 : memref<1x8x128xi32, #tpu.memory_space<vmem>> -> memref<8x128xi32, #tpu.memory_space<vmem>>
        %dma_wait3A_360 = arith.constant 0 : i32
        %dma_wait3A_361 = arith.constant 0 : i32
        %dma_wait3A_362 = tpu.memref_slice %arg3[%add3A_347, %dma_wait3A_360, %dma_wait3A_361] : memref<64x80x128xi32, #tpu.memory_space<hbm>> -> memref<1x8x128xi32, #tpu.memory_space<hbm>>
        %dma_wait3A_363 = tpu.memref_squeeze %dma_wait3A_362 : memref<1x8x128xi32, #tpu.memory_space<hbm>> -> memref<8x128xi32, #tpu.memory_space<hbm>>
        tpu.wait_dma2 semaphore(%arg20 : memref<!tpu.dma_semaphore, #tpu.memory_space<semaphore_mem>>) src(%dma_wait3A_363 : memref<8x128xi32, #tpu.memory_space<hbm>>) dst(%dma_wait3A_359 : memref<8x128xi32, #tpu.memory_space<vmem>>)
        %dma_start3A_364 = arith.constant 0 : i32
        %dma_start3A_365 = arith.constant 0 : i32
        %dma_start3A_366 = tpu.memref_slice %arg11[%rem3A_44, %dma_start3A_364, %dma_start3A_365] : memref<2x8x128xi32, #tpu.memory_space<vmem>> -> memref<1x1x128xi32, #tpu.memory_space<vmem>>
        %dma_start3A_367 = tpu.memref_squeeze %dma_start3A_366 : memref<1x1x128xi32, #tpu.memory_space<vmem>> -> memref<128xi32, #tpu.memory_space<vmem>>
        %dma_start3A_368 = arith.constant 0 : i32
        %dma_start3A_369 = arith.constant 0 : i32
        %dma_start3A_370 = tpu.memref_slice %arg2[%dma_start3A_368, %dma_start3A_369] : memref<10240x128xf32, #tpu.memory_space<hbm>> -> memref<10240x128xf32, #tpu.memory_space<hbm>>
        tpu.enqueue_indirect_dma source(%dma_start3A_370 : memref<10240x128xf32, #tpu.memory_space<hbm>>) target(%arg13 : memref<128x128xf32, #tpu.memory_space<vmem>>) offsets(%dma_start3A_367 : memref<128xi32, #tpu.memory_space<vmem>>) semaphore(%arg18 : memref<!tpu.dma_semaphore, #tpu.memory_space<semaphore_mem>>)
      } else {
      }
      %dma_wait3A_291 = arith.constant 7 : i32
      %dma_wait3A_292 = arith.constant 0 : i32
      %dma_wait3A_293 = tpu.memref_slice %arg11[%rem3A_40, %dma_wait3A_291, %dma_wait3A_292] : memref<2x8x128xi32, #tpu.memory_space<vmem>> -> memref<1x1x128xi32, #tpu.memory_space<vmem>>
      %dma_wait3A_294 = tpu.memref_squeeze %dma_wait3A_293 : memref<1x1x128xi32, #tpu.memory_space<vmem>> -> memref<128xi32, #tpu.memory_space<vmem>>
      %dma_wait3A_295 = arith.constant 0 : i32
      %dma_wait3A_296 = arith.constant 0 : i32
      %dma_wait3A_297 = tpu.memref_slice %arg2[%dma_wait3A_295, %dma_wait3A_296] : memref<10240x128xf32, #tpu.memory_space<hbm>> -> memref<10240x128xf32, #tpu.memory_space<hbm>>
      tpu.wait_indirect_dma semaphore(%arg19 : memref<!tpu.dma_semaphore, #tpu.memory_space<semaphore_mem>>) src(%dma_wait3A_297 : memref<10240x128xf32, #tpu.memory_space<hbm>>) dst(%arg14 : memref<128x128xf32, #tpu.memory_space<vmem>>)
      %dma_start3A_298 = arith.constant 7 : i32
      %dma_start3A_299 = arith.constant 0 : i32
      %dma_start3A_300 = tpu.memref_slice %arg12[%rem3A_40, %dma_start3A_298, %dma_start3A_299] : memref<2x8x128xi32, #tpu.memory_space<vmem>> -> memref<1x1x128xi32, #tpu.memory_space<vmem>>
      %dma_start3A_301 = tpu.memref_squeeze %dma_start3A_300 : memref<1x1x128xi32, #tpu.memory_space<vmem>> -> memref<128xi32, #tpu.memory_space<vmem>>
      %dma_start3A_302 = arith.constant 0 : i32
      %dma_start3A_303 = arith.constant 0 : i32
      %dma_start3A_304 = tpu.memref_slice %arg16[%dma_start3A_302, %dma_start3A_303] : memref<10240x128xf32, #tpu.memory_space<vmem_shared>> -> memref<10240x128xf32, #tpu.memory_space<vmem_shared>>
      tpu.enqueue_indirect_dma source(%arg14 : memref<128x128xf32, #tpu.memory_space<vmem>>) target(%dma_start3A_304 : memref<10240x128xf32, #tpu.memory_space<vmem_shared>>) offsets(%dma_start3A_301 : memref<128xi32, #tpu.memory_space<vmem>>) semaphore(%arg19 : memref<!tpu.dma_semaphore, #tpu.memory_space<semaphore_mem>>) {add = true}
      %dma_start3A_305 = arith.constant 7 : i32
      %dma_start3A_306 = arith.constant 0 : i32
      %dma_start3A_307 = tpu.memref_slice %arg12[%rem3A_40, %dma_start3A_305, %dma_start3A_306] : memref<2x8x128xi32, #tpu.memory_space<vmem>> -> memref<1x1x128xi32, #tpu.memory_space<vmem>>
      %dma_start3A_308 = tpu.memref_squeeze %dma_start3A_307 : memref<1x1x128xi32, #tpu.memory_space<vmem>> -> memref<128xi32, #tpu.memory_space<vmem>>
      %dma_start3A_309 = arith.constant 0 : i32
      %dma_start3A_310 = tpu.memref_slice %arg17[%dma_start3A_309] : memref<10240xf32, #tpu.memory_space<vmem_shared>> -> memref<10240xf32, #tpu.memory_space<vmem_shared>>
      tpu.enqueue_indirect_dma source(%arg15 : memref<128xf32, #tpu.memory_space<vmem>>) target(%dma_start3A_310 : memref<10240xf32, #tpu.memory_space<vmem_shared>>) offsets(%dma_start3A_308 : memref<128xi32, #tpu.memory_space<vmem>>) semaphore(%arg21 : memref<!tpu.dma_semaphore, #tpu.memory_space<semaphore_mem>>) {add = true}
      %dma_wait3A_311 = arith.constant 0 : i32
      %dma_wait3A_312 = arith.constant 0 : i32
      %dma_wait3A_313 = arith.constant 0 : i32
      %dma_wait3A_314 = tpu.memref_slice %arg12[%dma_wait3A_311, %dma_wait3A_312, %dma_wait3A_313] : memref<2x8x128xi32, #tpu.memory_space<vmem>> -> memref<1x1x128xi32, #tpu.memory_space<vmem>>
      %dma_wait3A_315 = tpu.memref_squeeze %dma_wait3A_314 : memref<1x1x128xi32, #tpu.memory_space<vmem>> -> memref<128xi32, #tpu.memory_space<vmem>>
      %dma_wait3A_316 = arith.constant 0 : i32
      %dma_wait3A_317 = arith.constant 0 : i32
      %dma_wait3A_318 = tpu.memref_slice %arg16[%dma_wait3A_316, %dma_wait3A_317] : memref<10240x128xf32, #tpu.memory_space<vmem_shared>> -> memref<10240x128xf32, #tpu.memory_space<vmem_shared>>
      tpu.wait_indirect_dma semaphore(%arg19 : memref<!tpu.dma_semaphore, #tpu.memory_space<semaphore_mem>>) src(%arg14 : memref<128x128xf32, #tpu.memory_space<vmem>>) dst(%dma_wait3A_318 : memref<10240x128xf32, #tpu.memory_space<vmem_shared>>)
      %lt3A_319 = arith.constant 9 : i32
      %lt3A_320 = arith.cmpi slt, %scan3A_39, %lt3A_319 : i32
      %convert_element_type3A_321 = arith.extui %lt3A_320 : i1 to i32
      %cond3A_322 = arith.constant 0 : i32
      %cond3A_323 = arith.cmpi ne, %convert_element_type3A_321, %cond3A_322 : i32
      scf.if %cond3A_323 {
        %dma_start3A_330 = arith.constant 1 : i32
        %dma_start3A_331 = arith.constant 0 : i32
        %dma_start3A_332 = tpu.memref_slice %arg11[%rem3A_44, %dma_start3A_330, %dma_start3A_331] : memref<2x8x128xi32, #tpu.memory_space<vmem>> -> memref<1x1x128xi32, #tpu.memory_space<vmem>>
        %dma_start3A_333 = tpu.memref_squeeze %dma_start3A_332 : memref<1x1x128xi32, #tpu.memory_space<vmem>> -> memref<128xi32, #tpu.memory_space<vmem>>
        %dma_start3A_334 = arith.constant 0 : i32
        %dma_start3A_335 = arith.constant 0 : i32
        %dma_start3A_336 = tpu.memref_slice %arg2[%dma_start3A_334, %dma_start3A_335] : memref<10240x128xf32, #tpu.memory_space<hbm>> -> memref<10240x128xf32, #tpu.memory_space<hbm>>
        tpu.enqueue_indirect_dma source(%dma_start3A_336 : memref<10240x128xf32, #tpu.memory_space<hbm>>) target(%arg14 : memref<128x128xf32, #tpu.memory_space<vmem>>) offsets(%dma_start3A_333 : memref<128xi32, #tpu.memory_space<vmem>>) semaphore(%arg19 : memref<!tpu.dma_semaphore, #tpu.memory_space<semaphore_mem>>)
      } else {
      }
      %scan3A_324 = arith.constant 0 : i32
      %scan3A_325 = arith.constant 0 : i32
      %scan3A_326 = arith.constant 8 : i32
      %scan3A_327 = arith.addi %scan3A_325, %scan3A_326 : i32
      %scan3A_328 = arith.constant 1 : i32
      scf.for %scan3A_330 = %scan3A_325 to %scan3A_327 step %scan3A_328  : i32 {
        %dma_wait3A_331 = arith.constant 0 : i32
        %dma_wait3A_332 = arith.constant 0 : i32
        %dma_wait3A_333 = arith.constant 0 : i32
        %dma_wait3A_334 = tpu.memref_slice %arg12[%dma_wait3A_331, %dma_wait3A_332, %dma_wait3A_333] : memref<2x8x128xi32, #tpu.memory_space<vmem>> -> memref<1x1x128xi32, #tpu.memory_space<vmem>>
        %dma_wait3A_335 = tpu.memref_squeeze %dma_wait3A_334 : memref<1x1x128xi32, #tpu.memory_space<vmem>> -> memref<128xi32, #tpu.memory_space<vmem>>
        %dma_wait3A_336 = arith.constant 0 : i32
        %dma_wait3A_337 = tpu.memref_slice %arg17[%dma_wait3A_336] : memref<10240xf32, #tpu.memory_space<vmem_shared>> -> memref<10240xf32, #tpu.memory_space<vmem_shared>>
        tpu.wait_indirect_dma semaphore(%arg21 : memref<!tpu.dma_semaphore, #tpu.memory_space<semaphore_mem>>) src(%arg15 : memref<128xf32, #tpu.memory_space<vmem>>) dst(%dma_wait3A_337 : memref<10240xf32, #tpu.memory_space<vmem_shared>>)
      }
      %scan3A_329 = arith.constant 8 : i32
    }
    %scan3A_27 = arith.constant 10 : i32
    %barrier3A_28 = arith.constant 0 : index
    tpu.barrier barrier_id(%barrier3A_28)
    %eq3A_29 = arith.constant 0 : i32
    %eq3A_30 = arith.cmpi eq, %arg0, %eq3A_29 : i32
    %convert_element_type3A_31 = arith.extui %eq3A_30 : i1 to i32
    %cond3A_32 = arith.constant 0 : i32
    %cond3A_33 = arith.cmpi ne, %convert_element_type3A_31, %cond3A_32 : i32
    scf.if %cond3A_33 {
      "tpu.region"() ({
        %run_scoped3A_44 = tpu.sem_alloc : memref<!tpu.dma_semaphore, #tpu.memory_space<semaphore_mem>>
        %dma_start3A_45 = arith.constant 0 : i32
        %dma_start3A_46 = tpu.memref_slice %arg7[%mul3A_2, %dma_start3A_45] : memref<10240x128xf32, #tpu.memory_space<hbm>> -> memref<640x128xf32, #tpu.memory_space<hbm>>
        %dma_start3A_47 = arith.constant 0 : i32
        %dma_start3A_48 = tpu.memref_slice %arg16[%mul3A_2, %dma_start3A_47] : memref<10240x128xf32, #tpu.memory_space<vmem_shared>> -> memref<640x128xf32, #tpu.memory_space<vmem_shared>>
        tpu.enqueue_dma source(%dma_start3A_48 : memref<640x128xf32, #tpu.memory_space<vmem_shared>>) target(%dma_start3A_46 : memref<640x128xf32, #tpu.memory_space<hbm>>) target_semaphore(%run_scoped3A_44 : memref<!tpu.dma_semaphore, #tpu.memory_space<semaphore_mem>>)
        %dma_wait3A = arith.constant 0 : i32
        %dma_wait3A_49 = tpu.memref_slice %arg7[%mul3A_2, %dma_wait3A] : memref<10240x128xf32, #tpu.memory_space<hbm>> -> memref<640x128xf32, #tpu.memory_space<hbm>>
        %dma_wait3A_50 = arith.constant 0 : i32
        %dma_wait3A_51 = tpu.memref_slice %arg16[%mul3A_2, %dma_wait3A_50] : memref<10240x128xf32, #tpu.memory_space<vmem_shared>> -> memref<640x128xf32, #tpu.memory_space<vmem_shared>>
        tpu.wait_dma2 semaphore(%run_scoped3A_44 : memref<!tpu.dma_semaphore, #tpu.memory_space<semaphore_mem>>) src(%dma_wait3A_51 : memref<640x128xf32, #tpu.memory_space<vmem_shared>>) dst(%dma_wait3A_49 : memref<640x128xf32, #tpu.memory_space<hbm>>)
        tpu.yield
      }) : () -> ()
      %eq3A_39 = arith.constant 0 : i32
      %eq3A_40 = arith.cmpi eq, %arg1, %eq3A_39 : i32
      %convert_element_type3A_41 = arith.extui %eq3A_40 : i1 to i32
      %cond3A_42 = arith.constant 0 : i32
      %cond3A_43 = arith.cmpi ne, %convert_element_type3A_41, %cond3A_42 : i32
      scf.if %cond3A_43 {
        "tpu.region"() ({
          %run_scoped3A_44 = tpu.sem_alloc : memref<!tpu.dma_semaphore, #tpu.memory_space<semaphore_mem>>
          tpu.enqueue_dma source(%arg17 : memref<10240xf32, #tpu.memory_space<vmem_shared>>) target(%arg9 : memref<10240xf32, #tpu.memory_space<hbm>>) target_semaphore(%run_scoped3A_44 : memref<!tpu.dma_semaphore, #tpu.memory_space<semaphore_mem>>)
          tpu.wait_dma2 semaphore(%run_scoped3A_44 : memref<!tpu.dma_semaphore, #tpu.memory_space<semaphore_mem>>) src(%arg17 : memref<10240xf32, #tpu.memory_space<vmem_shared>>) dst(%arg9 : memref<10240xf32, #tpu.memory_space<hbm>>)
          tpu.yield
        }) : () -> ()
      } else {
      }
    } else {
    }
    %eq3A_34 = arith.constant 1 : i32
    %eq3A_35 = arith.cmpi eq, %arg0, %eq3A_34 : i32
    %convert_element_type3A_36 = arith.extui %eq3A_35 : i1 to i32
    %cond3A_37 = arith.constant 0 : i32
    %cond3A_38 = arith.cmpi ne, %convert_element_type3A_36, %cond3A_37 : i32
    scf.if %cond3A_38 {
      "tpu.region"() ({
        %run_scoped3A_44 = tpu.sem_alloc : memref<!tpu.dma_semaphore, #tpu.memory_space<semaphore_mem>>
        %dma_start3A_45 = arith.constant 0 : i32
        %dma_start3A_46 = tpu.memref_slice %arg8[%mul3A_2, %dma_start3A_45] : memref<10240x128xf32, #tpu.memory_space<hbm>> -> memref<640x128xf32, #tpu.memory_space<hbm>>
        %dma_start3A_47 = arith.constant 0 : i32
        %dma_start3A_48 = tpu.memref_slice %arg16[%mul3A_2, %dma_start3A_47] : memref<10240x128xf32, #tpu.memory_space<vmem_shared>> -> memref<640x128xf32, #tpu.memory_space<vmem_shared>>
        tpu.enqueue_dma source(%dma_start3A_48 : memref<640x128xf32, #tpu.memory_space<vmem_shared>>) target(%dma_start3A_46 : memref<640x128xf32, #tpu.memory_space<hbm>>) target_semaphore(%run_scoped3A_44 : memref<!tpu.dma_semaphore, #tpu.memory_space<semaphore_mem>>)
        %dma_wait3A = arith.constant 0 : i32
        %dma_wait3A_49 = tpu.memref_slice %arg8[%mul3A_2, %dma_wait3A] : memref<10240x128xf32, #tpu.memory_space<hbm>> -> memref<640x128xf32, #tpu.memory_space<hbm>>
        %dma_wait3A_50 = arith.constant 0 : i32
        %dma_wait3A_51 = tpu.memref_slice %arg16[%mul3A_2, %dma_wait3A_50] : memref<10240x128xf32, #tpu.memory_space<vmem_shared>> -> memref<640x128xf32, #tpu.memory_space<vmem_shared>>
        tpu.wait_dma2 semaphore(%run_scoped3A_44 : memref<!tpu.dma_semaphore, #tpu.memory_space<semaphore_mem>>) src(%dma_wait3A_51 : memref<640x128xf32, #tpu.memory_space<vmem_shared>>) dst(%dma_wait3A_49 : memref<640x128xf32, #tpu.memory_space<hbm>>)
        tpu.yield
      }) : () -> ()
      %eq3A_39 = arith.constant 0 : i32
      %eq3A_40 = arith.cmpi eq, %arg1, %eq3A_39 : i32
      %convert_element_type3A_41 = arith.extui %eq3A_40 : i1 to i32
      %cond3A_42 = arith.constant 0 : i32
      %cond3A_43 = arith.cmpi ne, %convert_element_type3A_41, %cond3A_42 : i32
      scf.if %cond3A_43 {
        "tpu.region"() ({
          %run_scoped3A_44 = tpu.sem_alloc : memref<!tpu.dma_semaphore, #tpu.memory_space<semaphore_mem>>
          tpu.enqueue_dma source(%arg17 : memref<10240xf32, #tpu.memory_space<vmem_shared>>) target(%arg10 : memref<10240xf32, #tpu.memory_space<hbm>>) target_semaphore(%run_scoped3A_44 : memref<!tpu.dma_semaphore, #tpu.memory_space<semaphore_mem>>)
          tpu.wait_dma2 semaphore(%run_scoped3A_44 : memref<!tpu.dma_semaphore, #tpu.memory_space<semaphore_mem>>) src(%arg17 : memref<10240xf32, #tpu.memory_space<vmem_shared>>) dst(%arg10 : memref<10240xf32, #tpu.memory_space<hbm>>)
          tpu.yield
        }) : () -> ()
      } else {
      }
    } else {
    }
    return
  }
}

module attributes {stable_mosaic.version = 14 : i64} {
  func.func @_mid_body(%arg0: i32, %arg1: memref<2048x128xf32, #tpu.memory_space<vmem>>, %arg2: memref<2048x128xf32, #tpu.memory_space<vmem>>, %arg3: memref<16x1x128xf32, #tpu.memory_space<vmem>>, %arg4: memref<16x1x128xf32, #tpu.memory_space<vmem>>, %arg5: memref<128x128xf32, #tpu.memory_space<vmem>>, %arg6: memref<1x128xf32, #tpu.memory_space<vmem>>, %arg7: memref<128x128xf32, #tpu.memory_space<vmem>>, %arg8: memref<1x128xf32, #tpu.memory_space<vmem>>, %arg9: memref<128x128xf32, #tpu.memory_space<vmem>>, %arg10: memref<128x128xf32, #tpu.memory_space<vmem>>, %arg11: memref<2048x128xf32, #tpu.memory_space<vmem>>) attributes {dimension_semantics = [#tpu.dimension_semantics<arbitrary>], iteration_bounds = array<i64: 5>, scalar_prefetch = 0 : i64, scratch_operands = 0 : i64, tpu.core_type = #tpu.core_type<tc>, window_params = [{transform_indices = @transform_0, window_bounds = array<i64: 2048, 128>}, {transform_indices = @transform_1, window_bounds = array<i64: 2048, 128>}, {transform_indices = @transform_2, window_bounds = array<i64: 16, 1, 128>}, {transform_indices = @transform_3, window_bounds = array<i64: 16, 1, 128>}, {pipeline_mode = #tpu.pipeline_mode<synchronous>, transform_indices = @transform_4, window_bounds = array<i64: 128, 128>}, {pipeline_mode = #tpu.pipeline_mode<synchronous>, transform_indices = @transform_5, window_bounds = array<i64: 1, 128>}, {pipeline_mode = #tpu.pipeline_mode<synchronous>, transform_indices = @transform_6, window_bounds = array<i64: 128, 128>}, {pipeline_mode = #tpu.pipeline_mode<synchronous>, transform_indices = @transform_7, window_bounds = array<i64: 1, 128>}, {pipeline_mode = #tpu.pipeline_mode<synchronous>, transform_indices = @transform_8, window_bounds = array<i64: 128, 128>}, {pipeline_mode = #tpu.pipeline_mode<synchronous>, transform_indices = @transform_9, window_bounds = array<i64: 128, 128>}, {transform_indices = @transform_10, window_bounds = array<i64: 2048, 128>}]} {
    %get3A = arith.constant 0 : index
    %get3A_0 = arith.constant 0 : index
    %get3A_1 = arith.constant 0 : index
    %get3A_2 = vector.load %arg3[%get3A, %get3A_0, %get3A_1] : memref<16x1x128xf32, #tpu.memory_space<vmem>>, vector<16x1x128xf32>
    %get3A_3 = arith.constant 0 : index
    %get3A_4 = arith.constant 0 : index
    %get3A_5 = arith.constant 0 : index
    %get3A_6 = vector.load %arg4[%get3A_3, %get3A_4, %get3A_5] : memref<16x1x128xf32, #tpu.memory_space<vmem>>, vector<16x1x128xf32>
    %add3A = arith.addf %get3A_2, %get3A_6 : vector<16x1x128xf32>
    %slice3A = vector.extract_strided_slice %add3A {offsets = [0, 0, 0], sizes = [1, 1, 128], strides = [1, 1, 1]} : vector<16x1x128xf32> to vector<1x1x128xf32>
    %squeeze3A = vector.shape_cast %slice3A : vector<1x1x128xf32> to vector<1x128xf32>
    %iota3A = tpu.iota {dimensions = array<i32: 0>} : vector<128x128xi32>
    %iota3A_7 = tpu.iota {dimensions = array<i32: 1>} : vector<128x128xi32>
    %eq3A = arith.cmpi eq, %iota3A, %iota3A_7 : vector<128x128xi32>
    %convert_element_type3A = arith.extui %eq3A : vector<128x128xi1> to vector<128x128xi32>
    %convert_element_type3A_8 = arith.sitofp %convert_element_type3A : vector<128x128xi32> to vector<128x128xf32>
    %dot_general3A = arith.constant dense<0.000000e+00> : vector<128x1xf32>
    %dot_general3A_9 = tpu.matmul %convert_element_type3A_8, %squeeze3A, %dot_general3A {dimension_numbers = #tpu.dot_dimension_numbers<[1], [1], [0], [0], [0, 0, 1, 0], [], []>, transpose_lhs_hint = false} : vector<128x128xf32>, vector<1x128xf32>, vector<128x1xf32> -> vector<128x1xf32>
    %slice3A_10 = vector.extract_strided_slice %add3A {offsets = [1, 0, 0], sizes = [1, 1, 128], strides = [1, 1, 1]} : vector<16x1x128xf32> to vector<1x1x128xf32>
    %squeeze3A_11 = vector.shape_cast %slice3A_10 : vector<1x1x128xf32> to vector<1x128xf32>
    %iota3A_12 = tpu.iota {dimensions = array<i32: 0>} : vector<128x128xi32>
    %iota3A_13 = tpu.iota {dimensions = array<i32: 1>} : vector<128x128xi32>
    %eq3A_14 = arith.cmpi eq, %iota3A_12, %iota3A_13 : vector<128x128xi32>
    %convert_element_type3A_15 = arith.extui %eq3A_14 : vector<128x128xi1> to vector<128x128xi32>
    %convert_element_type3A_16 = arith.sitofp %convert_element_type3A_15 : vector<128x128xi32> to vector<128x128xf32>
    %dot_general3A_17 = arith.constant dense<0.000000e+00> : vector<128x1xf32>
    %dot_general3A_18 = tpu.matmul %convert_element_type3A_16, %squeeze3A_11, %dot_general3A_17 {dimension_numbers = #tpu.dot_dimension_numbers<[1], [1], [0], [0], [0, 0, 1, 0], [], []>, transpose_lhs_hint = false} : vector<128x128xf32>, vector<1x128xf32>, vector<128x1xf32> -> vector<128x1xf32>
    %slice3A_19 = vector.extract_strided_slice %add3A {offsets = [2, 0, 0], sizes = [1, 1, 128], strides = [1, 1, 1]} : vector<16x1x128xf32> to vector<1x1x128xf32>
    %squeeze3A_20 = vector.shape_cast %slice3A_19 : vector<1x1x128xf32> to vector<1x128xf32>
    %iota3A_21 = tpu.iota {dimensions = array<i32: 0>} : vector<128x128xi32>
    %iota3A_22 = tpu.iota {dimensions = array<i32: 1>} : vector<128x128xi32>
    %eq3A_23 = arith.cmpi eq, %iota3A_21, %iota3A_22 : vector<128x128xi32>
    %convert_element_type3A_24 = arith.extui %eq3A_23 : vector<128x128xi1> to vector<128x128xi32>
    %convert_element_type3A_25 = arith.sitofp %convert_element_type3A_24 : vector<128x128xi32> to vector<128x128xf32>
    %dot_general3A_26 = arith.constant dense<0.000000e+00> : vector<128x1xf32>
    %dot_general3A_27 = tpu.matmul %convert_element_type3A_25, %squeeze3A_20, %dot_general3A_26 {dimension_numbers = #tpu.dot_dimension_numbers<[1], [1], [0], [0], [0, 0, 1, 0], [], []>, transpose_lhs_hint = false} : vector<128x128xf32>, vector<1x128xf32>, vector<128x1xf32> -> vector<128x1xf32>
    %slice3A_28 = vector.extract_strided_slice %add3A {offsets = [3, 0, 0], sizes = [1, 1, 128], strides = [1, 1, 1]} : vector<16x1x128xf32> to vector<1x1x128xf32>
    %squeeze3A_29 = vector.shape_cast %slice3A_28 : vector<1x1x128xf32> to vector<1x128xf32>
    %iota3A_30 = tpu.iota {dimensions = array<i32: 0>} : vector<128x128xi32>
    %iota3A_31 = tpu.iota {dimensions = array<i32: 1>} : vector<128x128xi32>
    %eq3A_32 = arith.cmpi eq, %iota3A_30, %iota3A_31 : vector<128x128xi32>
    %convert_element_type3A_33 = arith.extui %eq3A_32 : vector<128x128xi1> to vector<128x128xi32>
    %convert_element_type3A_34 = arith.sitofp %convert_element_type3A_33 : vector<128x128xi32> to vector<128x128xf32>
    %dot_general3A_35 = arith.constant dense<0.000000e+00> : vector<128x1xf32>
    %dot_general3A_36 = tpu.matmul %convert_element_type3A_34, %squeeze3A_29, %dot_general3A_35 {dimension_numbers = #tpu.dot_dimension_numbers<[1], [1], [0], [0], [0, 0, 1, 0], [], []>, transpose_lhs_hint = false} : vector<128x128xf32>, vector<1x128xf32>, vector<128x1xf32> -> vector<128x1xf32>
    %slice3A_37 = vector.extract_strided_slice %add3A {offsets = [4, 0, 0], sizes = [1, 1, 128], strides = [1, 1, 1]} : vector<16x1x128xf32> to vector<1x1x128xf32>
    %squeeze3A_38 = vector.shape_cast %slice3A_37 : vector<1x1x128xf32> to vector<1x128xf32>
    %iota3A_39 = tpu.iota {dimensions = array<i32: 0>} : vector<128x128xi32>
    %iota3A_40 = tpu.iota {dimensions = array<i32: 1>} : vector<128x128xi32>
    %eq3A_41 = arith.cmpi eq, %iota3A_39, %iota3A_40 : vector<128x128xi32>
    %convert_element_type3A_42 = arith.extui %eq3A_41 : vector<128x128xi1> to vector<128x128xi32>
    %convert_element_type3A_43 = arith.sitofp %convert_element_type3A_42 : vector<128x128xi32> to vector<128x128xf32>
    %dot_general3A_44 = arith.constant dense<0.000000e+00> : vector<128x1xf32>
    %dot_general3A_45 = tpu.matmul %convert_element_type3A_43, %squeeze3A_38, %dot_general3A_44 {dimension_numbers = #tpu.dot_dimension_numbers<[1], [1], [0], [0], [0, 0, 1, 0], [], []>, transpose_lhs_hint = false} : vector<128x128xf32>, vector<1x128xf32>, vector<128x1xf32> -> vector<128x1xf32>
    %slice3A_46 = vector.extract_strided_slice %add3A {offsets = [5, 0, 0], sizes = [1, 1, 128], strides = [1, 1, 1]} : vector<16x1x128xf32> to vector<1x1x128xf32>
    %squeeze3A_47 = vector.shape_cast %slice3A_46 : vector<1x1x128xf32> to vector<1x128xf32>
    %iota3A_48 = tpu.iota {dimensions = array<i32: 0>} : vector<128x128xi32>
    %iota3A_49 = tpu.iota {dimensions = array<i32: 1>} : vector<128x128xi32>
    %eq3A_50 = arith.cmpi eq, %iota3A_48, %iota3A_49 : vector<128x128xi32>
    %convert_element_type3A_51 = arith.extui %eq3A_50 : vector<128x128xi1> to vector<128x128xi32>
    %convert_element_type3A_52 = arith.sitofp %convert_element_type3A_51 : vector<128x128xi32> to vector<128x128xf32>
    %dot_general3A_53 = arith.constant dense<0.000000e+00> : vector<128x1xf32>
    %dot_general3A_54 = tpu.matmul %convert_element_type3A_52, %squeeze3A_47, %dot_general3A_53 {dimension_numbers = #tpu.dot_dimension_numbers<[1], [1], [0], [0], [0, 0, 1, 0], [], []>, transpose_lhs_hint = false} : vector<128x128xf32>, vector<1x128xf32>, vector<128x1xf32> -> vector<128x1xf32>
    %slice3A_55 = vector.extract_strided_slice %add3A {offsets = [6, 0, 0], sizes = [1, 1, 128], strides = [1, 1, 1]} : vector<16x1x128xf32> to vector<1x1x128xf32>
    %squeeze3A_56 = vector.shape_cast %slice3A_55 : vector<1x1x128xf32> to vector<1x128xf32>
    %iota3A_57 = tpu.iota {dimensions = array<i32: 0>} : vector<128x128xi32>
    %iota3A_58 = tpu.iota {dimensions = array<i32: 1>} : vector<128x128xi32>
    %eq3A_59 = arith.cmpi eq, %iota3A_57, %iota3A_58 : vector<128x128xi32>
    %convert_element_type3A_60 = arith.extui %eq3A_59 : vector<128x128xi1> to vector<128x128xi32>
    %convert_element_type3A_61 = arith.sitofp %convert_element_type3A_60 : vector<128x128xi32> to vector<128x128xf32>
    %dot_general3A_62 = arith.constant dense<0.000000e+00> : vector<128x1xf32>
    %dot_general3A_63 = tpu.matmul %convert_element_type3A_61, %squeeze3A_56, %dot_general3A_62 {dimension_numbers = #tpu.dot_dimension_numbers<[1], [1], [0], [0], [0, 0, 1, 0], [], []>, transpose_lhs_hint = false} : vector<128x128xf32>, vector<1x128xf32>, vector<128x1xf32> -> vector<128x1xf32>
    %slice3A_64 = vector.extract_strided_slice %add3A {offsets = [7, 0, 0], sizes = [1, 1, 128], strides = [1, 1, 1]} : vector<16x1x128xf32> to vector<1x1x128xf32>
    %squeeze3A_65 = vector.shape_cast %slice3A_64 : vector<1x1x128xf32> to vector<1x128xf32>
    %iota3A_66 = tpu.iota {dimensions = array<i32: 0>} : vector<128x128xi32>
    %iota3A_67 = tpu.iota {dimensions = array<i32: 1>} : vector<128x128xi32>
    %eq3A_68 = arith.cmpi eq, %iota3A_66, %iota3A_67 : vector<128x128xi32>
    %convert_element_type3A_69 = arith.extui %eq3A_68 : vector<128x128xi1> to vector<128x128xi32>
    %convert_element_type3A_70 = arith.sitofp %convert_element_type3A_69 : vector<128x128xi32> to vector<128x128xf32>
    %dot_general3A_71 = arith.constant dense<0.000000e+00> : vector<128x1xf32>
    %dot_general3A_72 = tpu.matmul %convert_element_type3A_70, %squeeze3A_65, %dot_general3A_71 {dimension_numbers = #tpu.dot_dimension_numbers<[1], [1], [0], [0], [0, 0, 1, 0], [], []>, transpose_lhs_hint = false} : vector<128x128xf32>, vector<1x128xf32>, vector<128x1xf32> -> vector<128x1xf32>
    %slice3A_73 = vector.extract_strided_slice %add3A {offsets = [8, 0, 0], sizes = [1, 1, 128], strides = [1, 1, 1]} : vector<16x1x128xf32> to vector<1x1x128xf32>
    %squeeze3A_74 = vector.shape_cast %slice3A_73 : vector<1x1x128xf32> to vector<1x128xf32>
    %iota3A_75 = tpu.iota {dimensions = array<i32: 0>} : vector<128x128xi32>
    %iota3A_76 = tpu.iota {dimensions = array<i32: 1>} : vector<128x128xi32>
    %eq3A_77 = arith.cmpi eq, %iota3A_75, %iota3A_76 : vector<128x128xi32>
    %convert_element_type3A_78 = arith.extui %eq3A_77 : vector<128x128xi1> to vector<128x128xi32>
    %convert_element_type3A_79 = arith.sitofp %convert_element_type3A_78 : vector<128x128xi32> to vector<128x128xf32>
    %dot_general3A_80 = arith.constant dense<0.000000e+00> : vector<128x1xf32>
    %dot_general3A_81 = tpu.matmul %convert_element_type3A_79, %squeeze3A_74, %dot_general3A_80 {dimension_numbers = #tpu.dot_dimension_numbers<[1], [1], [0], [0], [0, 0, 1, 0], [], []>, transpose_lhs_hint = false} : vector<128x128xf32>, vector<1x128xf32>, vector<128x1xf32> -> vector<128x1xf32>
    %slice3A_82 = vector.extract_strided_slice %add3A {offsets = [9, 0, 0], sizes = [1, 1, 128], strides = [1, 1, 1]} : vector<16x1x128xf32> to vector<1x1x128xf32>
    %squeeze3A_83 = vector.shape_cast %slice3A_82 : vector<1x1x128xf32> to vector<1x128xf32>
    %iota3A_84 = tpu.iota {dimensions = array<i32: 0>} : vector<128x128xi32>
    %iota3A_85 = tpu.iota {dimensions = array<i32: 1>} : vector<128x128xi32>
    %eq3A_86 = arith.cmpi eq, %iota3A_84, %iota3A_85 : vector<128x128xi32>
    %convert_element_type3A_87 = arith.extui %eq3A_86 : vector<128x128xi1> to vector<128x128xi32>
    %convert_element_type3A_88 = arith.sitofp %convert_element_type3A_87 : vector<128x128xi32> to vector<128x128xf32>
    %dot_general3A_89 = arith.constant dense<0.000000e+00> : vector<128x1xf32>
    %dot_general3A_90 = tpu.matmul %convert_element_type3A_88, %squeeze3A_83, %dot_general3A_89 {dimension_numbers = #tpu.dot_dimension_numbers<[1], [1], [0], [0], [0, 0, 1, 0], [], []>, transpose_lhs_hint = false} : vector<128x128xf32>, vector<1x128xf32>, vector<128x1xf32> -> vector<128x1xf32>
    %slice3A_91 = vector.extract_strided_slice %add3A {offsets = [10, 0, 0], sizes = [1, 1, 128], strides = [1, 1, 1]} : vector<16x1x128xf32> to vector<1x1x128xf32>
    %squeeze3A_92 = vector.shape_cast %slice3A_91 : vector<1x1x128xf32> to vector<1x128xf32>
    %iota3A_93 = tpu.iota {dimensions = array<i32: 0>} : vector<128x128xi32>
    %iota3A_94 = tpu.iota {dimensions = array<i32: 1>} : vector<128x128xi32>
    %eq3A_95 = arith.cmpi eq, %iota3A_93, %iota3A_94 : vector<128x128xi32>
    %convert_element_type3A_96 = arith.extui %eq3A_95 : vector<128x128xi1> to vector<128x128xi32>
    %convert_element_type3A_97 = arith.sitofp %convert_element_type3A_96 : vector<128x128xi32> to vector<128x128xf32>
    %dot_general3A_98 = arith.constant dense<0.000000e+00> : vector<128x1xf32>
    %dot_general3A_99 = tpu.matmul %convert_element_type3A_97, %squeeze3A_92, %dot_general3A_98 {dimension_numbers = #tpu.dot_dimension_numbers<[1], [1], [0], [0], [0, 0, 1, 0], [], []>, transpose_lhs_hint = false} : vector<128x128xf32>, vector<1x128xf32>, vector<128x1xf32> -> vector<128x1xf32>
    %slice3A_100 = vector.extract_strided_slice %add3A {offsets = [11, 0, 0], sizes = [1, 1, 128], strides = [1, 1, 1]} : vector<16x1x128xf32> to vector<1x1x128xf32>
    %squeeze3A_101 = vector.shape_cast %slice3A_100 : vector<1x1x128xf32> to vector<1x128xf32>
    %iota3A_102 = tpu.iota {dimensions = array<i32: 0>} : vector<128x128xi32>
    %iota3A_103 = tpu.iota {dimensions = array<i32: 1>} : vector<128x128xi32>
    %eq3A_104 = arith.cmpi eq, %iota3A_102, %iota3A_103 : vector<128x128xi32>
    %convert_element_type3A_105 = arith.extui %eq3A_104 : vector<128x128xi1> to vector<128x128xi32>
    %convert_element_type3A_106 = arith.sitofp %convert_element_type3A_105 : vector<128x128xi32> to vector<128x128xf32>
    %dot_general3A_107 = arith.constant dense<0.000000e+00> : vector<128x1xf32>
    %dot_general3A_108 = tpu.matmul %convert_element_type3A_106, %squeeze3A_101, %dot_general3A_107 {dimension_numbers = #tpu.dot_dimension_numbers<[1], [1], [0], [0], [0, 0, 1, 0], [], []>, transpose_lhs_hint = false} : vector<128x128xf32>, vector<1x128xf32>, vector<128x1xf32> -> vector<128x1xf32>
    %slice3A_109 = vector.extract_strided_slice %add3A {offsets = [12, 0, 0], sizes = [1, 1, 128], strides = [1, 1, 1]} : vector<16x1x128xf32> to vector<1x1x128xf32>
    %squeeze3A_110 = vector.shape_cast %slice3A_109 : vector<1x1x128xf32> to vector<1x128xf32>
    %iota3A_111 = tpu.iota {dimensions = array<i32: 0>} : vector<128x128xi32>
    %iota3A_112 = tpu.iota {dimensions = array<i32: 1>} : vector<128x128xi32>
    %eq3A_113 = arith.cmpi eq, %iota3A_111, %iota3A_112 : vector<128x128xi32>
    %convert_element_type3A_114 = arith.extui %eq3A_113 : vector<128x128xi1> to vector<128x128xi32>
    %convert_element_type3A_115 = arith.sitofp %convert_element_type3A_114 : vector<128x128xi32> to vector<128x128xf32>
    %dot_general3A_116 = arith.constant dense<0.000000e+00> : vector<128x1xf32>
    %dot_general3A_117 = tpu.matmul %convert_element_type3A_115, %squeeze3A_110, %dot_general3A_116 {dimension_numbers = #tpu.dot_dimension_numbers<[1], [1], [0], [0], [0, 0, 1, 0], [], []>, transpose_lhs_hint = false} : vector<128x128xf32>, vector<1x128xf32>, vector<128x1xf32> -> vector<128x1xf32>
    %slice3A_118 = vector.extract_strided_slice %add3A {offsets = [13, 0, 0], sizes = [1, 1, 128], strides = [1, 1, 1]} : vector<16x1x128xf32> to vector<1x1x128xf32>
    %squeeze3A_119 = vector.shape_cast %slice3A_118 : vector<1x1x128xf32> to vector<1x128xf32>
    %iota3A_120 = tpu.iota {dimensions = array<i32: 0>} : vector<128x128xi32>
    %iota3A_121 = tpu.iota {dimensions = array<i32: 1>} : vector<128x128xi32>
    %eq3A_122 = arith.cmpi eq, %iota3A_120, %iota3A_121 : vector<128x128xi32>
    %convert_element_type3A_123 = arith.extui %eq3A_122 : vector<128x128xi1> to vector<128x128xi32>
    %convert_element_type3A_124 = arith.sitofp %convert_element_type3A_123 : vector<128x128xi32> to vector<128x128xf32>
    %dot_general3A_125 = arith.constant dense<0.000000e+00> : vector<128x1xf32>
    %dot_general3A_126 = tpu.matmul %convert_element_type3A_124, %squeeze3A_119, %dot_general3A_125 {dimension_numbers = #tpu.dot_dimension_numbers<[1], [1], [0], [0], [0, 0, 1, 0], [], []>, transpose_lhs_hint = false} : vector<128x128xf32>, vector<1x128xf32>, vector<128x1xf32> -> vector<128x1xf32>
    %slice3A_127 = vector.extract_strided_slice %add3A {offsets = [14, 0, 0], sizes = [1, 1, 128], strides = [1, 1, 1]} : vector<16x1x128xf32> to vector<1x1x128xf32>
    %squeeze3A_128 = vector.shape_cast %slice3A_127 : vector<1x1x128xf32> to vector<1x128xf32>
    %iota3A_129 = tpu.iota {dimensions = array<i32: 0>} : vector<128x128xi32>
    %iota3A_130 = tpu.iota {dimensions = array<i32: 1>} : vector<128x128xi32>
    %eq3A_131 = arith.cmpi eq, %iota3A_129, %iota3A_130 : vector<128x128xi32>
    %convert_element_type3A_132 = arith.extui %eq3A_131 : vector<128x128xi1> to vector<128x128xi32>
    %convert_element_type3A_133 = arith.sitofp %convert_element_type3A_132 : vector<128x128xi32> to vector<128x128xf32>
    %dot_general3A_134 = arith.constant dense<0.000000e+00> : vector<128x1xf32>
    %dot_general3A_135 = tpu.matmul %convert_element_type3A_133, %squeeze3A_128, %dot_general3A_134 {dimension_numbers = #tpu.dot_dimension_numbers<[1], [1], [0], [0], [0, 0, 1, 0], [], []>, transpose_lhs_hint = false} : vector<128x128xf32>, vector<1x128xf32>, vector<128x1xf32> -> vector<128x1xf32>
    %slice3A_136 = vector.extract_strided_slice %add3A {offsets = [15, 0, 0], sizes = [1, 1, 128], strides = [1, 1, 1]} : vector<16x1x128xf32> to vector<1x1x128xf32>
    %squeeze3A_137 = vector.shape_cast %slice3A_136 : vector<1x1x128xf32> to vector<1x128xf32>
    %iota3A_138 = tpu.iota {dimensions = array<i32: 0>} : vector<128x128xi32>
    %iota3A_139 = tpu.iota {dimensions = array<i32: 1>} : vector<128x128xi32>
    %eq3A_140 = arith.cmpi eq, %iota3A_138, %iota3A_139 : vector<128x128xi32>
    %convert_element_type3A_141 = arith.extui %eq3A_140 : vector<128x128xi1> to vector<128x128xi32>
    %convert_element_type3A_142 = arith.sitofp %convert_element_type3A_141 : vector<128x128xi32> to vector<128x128xf32>
    %dot_general3A_143 = arith.constant dense<0.000000e+00> : vector<128x1xf32>
    %dot_general3A_144 = tpu.matmul %convert_element_type3A_142, %squeeze3A_137, %dot_general3A_143 {dimension_numbers = #tpu.dot_dimension_numbers<[1], [1], [0], [0], [0, 0, 1, 0], [], []>, transpose_lhs_hint = false} : vector<128x128xf32>, vector<1x128xf32>, vector<128x1xf32> -> vector<128x1xf32>
    %concatenate3A = tpu.concatenate %dot_general3A_9, %dot_general3A_18, %dot_general3A_27, %dot_general3A_36, %dot_general3A_45, %dot_general3A_54, %dot_general3A_63, %dot_general3A_72, %dot_general3A_81, %dot_general3A_90, %dot_general3A_99, %dot_general3A_108, %dot_general3A_117, %dot_general3A_126, %dot_general3A_135, %dot_general3A_144 in 0 : vector<128x1xf32>, vector<128x1xf32>, vector<128x1xf32>, vector<128x1xf32>, vector<128x1xf32>, vector<128x1xf32>, vector<128x1xf32>, vector<128x1xf32>, vector<128x1xf32>, vector<128x1xf32>, vector<128x1xf32>, vector<128x1xf32>, vector<128x1xf32>, vector<128x1xf32>, vector<128x1xf32>, vector<128x1xf32> -> vector<2048x1xf32>
    %max3A = arith.constant 1.000000e+00 : f32
    %max3A_145 = vector.broadcast %max3A : f32 to vector<2048x1xf32>
    %max3A_146 = arith.maximumf %concatenate3A, %max3A_145 : vector<2048x1xf32>
    %div3A = arith.constant 1.000000e+00 : f32
    %div3A_147 = vector.broadcast %div3A : f32 to vector<2048x1xf32>
    %div3A_148 = arith.divf %div3A_147, %max3A_146 : vector<2048x1xf32>
    %mul3A = arith.mulf %concatenate3A, %div3A_148 : vector<2048x1xf32>
    %get3A_149 = arith.constant 0 : index
    %get3A_150 = arith.constant 0 : index
    %get3A_151 = vector.load %arg1[%get3A_149, %get3A_150] : memref<2048x128xf32, #tpu.memory_space<vmem>>, vector<2048x128xf32>
    %get3A_152 = arith.constant 0 : index
    %get3A_153 = arith.constant 0 : index
    %get3A_154 = vector.load %arg2[%get3A_152, %get3A_153] : memref<2048x128xf32, #tpu.memory_space<vmem>>, vector<2048x128xf32>
    %add3A_155 = arith.addf %get3A_151, %get3A_154 : vector<2048x128xf32>
    %mul3A_156 = vector.broadcast %div3A_148 : vector<2048x1xf32> to vector<2048x128xf32>
    %mul3A_157 = arith.mulf %add3A_155, %mul3A_156 : vector<2048x128xf32>
    %get3A_158 = arith.constant 0 : index
    %get3A_159 = arith.constant 0 : index
    %get3A_160 = vector.load %arg5[%get3A_158, %get3A_159] : memref<128x128xf32, #tpu.memory_space<vmem>>, vector<128x128xf32>
    %dot_general3A_161 = arith.constant dense<0.000000e+00> : vector<2048x128xf32>
    %dot_general3A_162 = tpu.matmul %mul3A_157, %get3A_160, %dot_general3A_161 {dimension_numbers = #tpu.dot_dimension_numbers<[1], [0], [0], [1], [0, 0, 1, 1], [], []>, transpose_lhs_hint = false} : vector<2048x128xf32>, vector<128x128xf32>, vector<2048x128xf32> -> vector<2048x128xf32>
    %get3A_163 = arith.constant 0 : index
    %get3A_164 = arith.constant 0 : index
    %get3A_165 = vector.load %arg6[%get3A_163, %get3A_164] : memref<1x128xf32, #tpu.memory_space<vmem>>, vector<1x128xf32>
    %mul3A_166 = vector.broadcast %mul3A : vector<2048x1xf32> to vector<2048x128xf32>
    %mul3A_167 = vector.broadcast %get3A_165 : vector<1x128xf32> to vector<2048x128xf32>
    %mul3A_168 = arith.mulf %mul3A_166, %mul3A_167 : vector<2048x128xf32>
    %add3A_169 = arith.addf %dot_general3A_162, %mul3A_168 : vector<2048x128xf32>
    %get3A_170 = arith.constant 0 : index
    %get3A_171 = arith.constant 0 : index
    %get3A_172 = vector.load %arg7[%get3A_170, %get3A_171] : memref<128x128xf32, #tpu.memory_space<vmem>>, vector<128x128xf32>
    %dot_general3A_173 = arith.constant dense<0.000000e+00> : vector<2048x128xf32>
    %dot_general3A_174 = tpu.matmul %mul3A_157, %get3A_172, %dot_general3A_173 {dimension_numbers = #tpu.dot_dimension_numbers<[1], [0], [0], [1], [0, 0, 1, 1], [], []>, transpose_lhs_hint = false} : vector<2048x128xf32>, vector<128x128xf32>, vector<2048x128xf32> -> vector<2048x128xf32>
    %get3A_175 = arith.constant 0 : index
    %get3A_176 = arith.constant 0 : index
    %get3A_177 = vector.load %arg8[%get3A_175, %get3A_176] : memref<1x128xf32, #tpu.memory_space<vmem>>, vector<1x128xf32>
    %mul3A_178 = vector.broadcast %mul3A : vector<2048x1xf32> to vector<2048x128xf32>
    %mul3A_179 = vector.broadcast %get3A_177 : vector<1x128xf32> to vector<2048x128xf32>
    %mul3A_180 = arith.mulf %mul3A_178, %mul3A_179 : vector<2048x128xf32>
    %add3A_181 = arith.addf %dot_general3A_174, %mul3A_180 : vector<2048x128xf32>
    %max3A_182 = arith.constant 0.000000e+00 : f32
    %max3A_183 = vector.broadcast %max3A_182 : f32 to vector<2048x128xf32>
    %max3A_184 = arith.maximumf %add3A_169, %max3A_183 : vector<2048x128xf32>
    %max3A_185 = arith.constant 0.000000e+00 : f32
    %max3A_186 = vector.broadcast %max3A_185 : f32 to vector<2048x128xf32>
    %max3A_187 = arith.maximumf %add3A_181, %max3A_186 : vector<2048x128xf32>
    %get3A_188 = arith.constant 0 : index
    %get3A_189 = arith.constant 0 : index
    %get3A_190 = vector.load %arg10[%get3A_188, %get3A_189] : memref<128x128xf32, #tpu.memory_space<vmem>>, vector<128x128xf32>
    %dot_general3A_191 = arith.constant dense<0.000000e+00> : vector<2048x128xf32>
    %dot_general3A_192 = tpu.matmul %max3A_187, %get3A_190, %dot_general3A_191 {dimension_numbers = #tpu.dot_dimension_numbers<[1], [0], [0], [1], [0, 0, 1, 1], [], []>, transpose_lhs_hint = false} : vector<2048x128xf32>, vector<128x128xf32>, vector<2048x128xf32> -> vector<2048x128xf32>
    %get3A_193 = arith.constant 0 : index
    %get3A_194 = arith.constant 0 : index
    %get3A_195 = vector.load %arg9[%get3A_193, %get3A_194] : memref<128x128xf32, #tpu.memory_space<vmem>>, vector<128x128xf32>
    %dot_general3A_196 = arith.constant dense<0.000000e+00> : vector<2048x128xf32>
    %dot_general3A_197 = tpu.matmul %max3A_184, %get3A_195, %dot_general3A_196 {dimension_numbers = #tpu.dot_dimension_numbers<[1], [0], [0], [1], [0, 0, 1, 1], [], []>, transpose_lhs_hint = false} : vector<2048x128xf32>, vector<128x128xf32>, vector<2048x128xf32> -> vector<2048x128xf32>
    %sub3A = arith.subf %dot_general3A_192, %dot_general3A_197 : vector<2048x128xf32>
    %swap3A = arith.constant 0 : index
    %swap3A_198 = arith.constant 0 : index
    %swap3A_199 = vector.load %arg11[%swap3A, %swap3A_198] : memref<2048x128xf32, #tpu.memory_space<vmem>>, vector<2048x128xf32>
    tpu.vector_store %arg11[%swap3A, %swap3A_198], %sub3A {strides = array<i32>} : memref<2048x128xf32, #tpu.memory_space<vmem>>, vector<2048x128xf32>,
    return
  }
  func.func @transform_0(%arg0: i32) -> (i32, i32) {
    %c0_i32 = arith.constant 0 : i32
    %c0_i32_0 = arith.constant 0 : i32
    return %arg0, %c0_i32 : i32, i32
  }
  func.func @transform_1(%arg0: i32) -> (i32, i32) {
    %c0_i32 = arith.constant 0 : i32
    %c0_i32_0 = arith.constant 0 : i32
    return %arg0, %c0_i32 : i32, i32
  }
  func.func @transform_2(%arg0: i32) -> (i32, i32, i32) {
    %c0_i32 = arith.constant 0 : i32
    %c0_i32_0 = arith.constant 0 : i32
    %c0_i32_1 = arith.constant 0 : i32
    return %arg0, %c0_i32, %c0_i32_0 : i32, i32, i32
  }
  func.func @transform_3(%arg0: i32) -> (i32, i32, i32) {
    %c0_i32 = arith.constant 0 : i32
    %c0_i32_0 = arith.constant 0 : i32
    %c0_i32_1 = arith.constant 0 : i32
    return %arg0, %c0_i32, %c0_i32_0 : i32, i32, i32
  }
  func.func @transform_4(%arg0: i32) -> (i32, i32) {
    %c0_i32 = arith.constant 0 : i32
    %c0_i32_0 = arith.constant 0 : i32
    %c0_i32_1 = arith.constant 0 : i32
    return %c0_i32, %c0_i32_0 : i32, i32
  }
  func.func @transform_5(%arg0: i32) -> (i32, i32) {
    %c0_i32 = arith.constant 0 : i32
    %c0_i32_0 = arith.constant 0 : i32
    %c0_i32_1 = arith.constant 0 : i32
    return %c0_i32, %c0_i32_0 : i32, i32
  }
  func.func @transform_6(%arg0: i32) -> (i32, i32) {
    %c0_i32 = arith.constant 0 : i32
    %c0_i32_0 = arith.constant 0 : i32
    %c0_i32_1 = arith.constant 0 : i32
    return %c0_i32, %c0_i32_0 : i32, i32
  }
  func.func @transform_7(%arg0: i32) -> (i32, i32) {
    %c0_i32 = arith.constant 0 : i32
    %c0_i32_0 = arith.constant 0 : i32
    %c0_i32_1 = arith.constant 0 : i32
    return %c0_i32, %c0_i32_0 : i32, i32
  }
  func.func @transform_8(%arg0: i32) -> (i32, i32) {
    %c0_i32 = arith.constant 0 : i32
    %c0_i32_0 = arith.constant 0 : i32
    %c0_i32_1 = arith.constant 0 : i32
    return %c0_i32, %c0_i32_0 : i32, i32
  }
  func.func @transform_9(%arg0: i32) -> (i32, i32) {
    %c0_i32 = arith.constant 0 : i32
    %c0_i32_0 = arith.constant 0 : i32
    %c0_i32_1 = arith.constant 0 : i32
    return %c0_i32, %c0_i32_0 : i32, i32
  }
  func.func @transform_10(%arg0: i32) -> (i32, i32) {
    %c0_i32 = arith.constant 0 : i32
    %c0_i32_0 = arith.constant 0 : i32
    return %arg0, %c0_i32 : i32, i32
  }
}

module attributes {stable_mosaic.version = 14 : i64} {
  func.func @_loss_body(%arg0: i32, %arg1: memref<2048x128xf32, #tpu.memory_space<vmem>>, %arg2: memref<2048x128xf32, #tpu.memory_space<vmem>>, %arg3: memref<16x1x128xf32, #tpu.memory_space<vmem>>, %arg4: memref<16x1x128xf32, #tpu.memory_space<vmem>>, %arg5: memref<1x128xf32, #tpu.memory_space<vmem>>, %arg6: memref<1x128xf32, #tpu.memory_space<vmem>>, %arg7: memref<1x1xf32, #tpu.memory_space<vmem>>) attributes {dimension_semantics = [#tpu.dimension_semantics<arbitrary>], iteration_bounds = array<i64: 5>, scalar_prefetch = 0 : i64, scratch_operands = 0 : i64, tpu.core_type = #tpu.core_type<tc>, window_params = [{transform_indices = @transform_0, window_bounds = array<i64: 2048, 128>}, {transform_indices = @transform_1, window_bounds = array<i64: 2048, 128>}, {transform_indices = @transform_2, window_bounds = array<i64: 16, 1, 128>}, {transform_indices = @transform_3, window_bounds = array<i64: 16, 1, 128>}, {pipeline_mode = #tpu.pipeline_mode<synchronous>, transform_indices = @transform_4, window_bounds = array<i64: 1, 128>}, {pipeline_mode = #tpu.pipeline_mode<synchronous>, transform_indices = @transform_5, window_bounds = array<i64: 1, 128>}, {pipeline_mode = #tpu.pipeline_mode<synchronous>, transform_indices = @transform_6, window_bounds = array<i64: 1, 1>}]} {
    %get3A = arith.constant 0 : index
    %get3A_0 = arith.constant 0 : index
    %get3A_1 = arith.constant 0 : index
    %get3A_2 = vector.load %arg3[%get3A, %get3A_0, %get3A_1] : memref<16x1x128xf32, #tpu.memory_space<vmem>>, vector<16x1x128xf32>
    %get3A_3 = arith.constant 0 : index
    %get3A_4 = arith.constant 0 : index
    %get3A_5 = arith.constant 0 : index
    %get3A_6 = vector.load %arg4[%get3A_3, %get3A_4, %get3A_5] : memref<16x1x128xf32, #tpu.memory_space<vmem>>, vector<16x1x128xf32>
    %add3A = arith.addf %get3A_2, %get3A_6 : vector<16x1x128xf32>
    %slice3A = vector.extract_strided_slice %add3A {offsets = [0, 0, 0], sizes = [1, 1, 128], strides = [1, 1, 1]} : vector<16x1x128xf32> to vector<1x1x128xf32>
    %squeeze3A = vector.shape_cast %slice3A : vector<1x1x128xf32> to vector<1x128xf32>
    %iota3A = tpu.iota {dimensions = array<i32: 0>} : vector<128x128xi32>
    %iota3A_7 = tpu.iota {dimensions = array<i32: 1>} : vector<128x128xi32>
    %eq3A = arith.cmpi eq, %iota3A, %iota3A_7 : vector<128x128xi32>
    %convert_element_type3A = arith.extui %eq3A : vector<128x128xi1> to vector<128x128xi32>
    %convert_element_type3A_8 = arith.sitofp %convert_element_type3A : vector<128x128xi32> to vector<128x128xf32>
    %dot_general3A = arith.constant dense<0.000000e+00> : vector<128x1xf32>
    %dot_general3A_9 = tpu.matmul %convert_element_type3A_8, %squeeze3A, %dot_general3A {dimension_numbers = #tpu.dot_dimension_numbers<[1], [1], [0], [0], [0, 0, 1, 0], [], []>, transpose_lhs_hint = false} : vector<128x128xf32>, vector<1x128xf32>, vector<128x1xf32> -> vector<128x1xf32>
    %slice3A_10 = vector.extract_strided_slice %add3A {offsets = [1, 0, 0], sizes = [1, 1, 128], strides = [1, 1, 1]} : vector<16x1x128xf32> to vector<1x1x128xf32>
    %squeeze3A_11 = vector.shape_cast %slice3A_10 : vector<1x1x128xf32> to vector<1x128xf32>
    %iota3A_12 = tpu.iota {dimensions = array<i32: 0>} : vector<128x128xi32>
    %iota3A_13 = tpu.iota {dimensions = array<i32: 1>} : vector<128x128xi32>
    %eq3A_14 = arith.cmpi eq, %iota3A_12, %iota3A_13 : vector<128x128xi32>
    %convert_element_type3A_15 = arith.extui %eq3A_14 : vector<128x128xi1> to vector<128x128xi32>
    %convert_element_type3A_16 = arith.sitofp %convert_element_type3A_15 : vector<128x128xi32> to vector<128x128xf32>
    %dot_general3A_17 = arith.constant dense<0.000000e+00> : vector<128x1xf32>
    %dot_general3A_18 = tpu.matmul %convert_element_type3A_16, %squeeze3A_11, %dot_general3A_17 {dimension_numbers = #tpu.dot_dimension_numbers<[1], [1], [0], [0], [0, 0, 1, 0], [], []>, transpose_lhs_hint = false} : vector<128x128xf32>, vector<1x128xf32>, vector<128x1xf32> -> vector<128x1xf32>
    %slice3A_19 = vector.extract_strided_slice %add3A {offsets = [2, 0, 0], sizes = [1, 1, 128], strides = [1, 1, 1]} : vector<16x1x128xf32> to vector<1x1x128xf32>
    %squeeze3A_20 = vector.shape_cast %slice3A_19 : vector<1x1x128xf32> to vector<1x128xf32>
    %iota3A_21 = tpu.iota {dimensions = array<i32: 0>} : vector<128x128xi32>
    %iota3A_22 = tpu.iota {dimensions = array<i32: 1>} : vector<128x128xi32>
    %eq3A_23 = arith.cmpi eq, %iota3A_21, %iota3A_22 : vector<128x128xi32>
    %convert_element_type3A_24 = arith.extui %eq3A_23 : vector<128x128xi1> to vector<128x128xi32>
    %convert_element_type3A_25 = arith.sitofp %convert_element_type3A_24 : vector<128x128xi32> to vector<128x128xf32>
    %dot_general3A_26 = arith.constant dense<0.000000e+00> : vector<128x1xf32>
    %dot_general3A_27 = tpu.matmul %convert_element_type3A_25, %squeeze3A_20, %dot_general3A_26 {dimension_numbers = #tpu.dot_dimension_numbers<[1], [1], [0], [0], [0, 0, 1, 0], [], []>, transpose_lhs_hint = false} : vector<128x128xf32>, vector<1x128xf32>, vector<128x1xf32> -> vector<128x1xf32>
    %slice3A_28 = vector.extract_strided_slice %add3A {offsets = [3, 0, 0], sizes = [1, 1, 128], strides = [1, 1, 1]} : vector<16x1x128xf32> to vector<1x1x128xf32>
    %squeeze3A_29 = vector.shape_cast %slice3A_28 : vector<1x1x128xf32> to vector<1x128xf32>
    %iota3A_30 = tpu.iota {dimensions = array<i32: 0>} : vector<128x128xi32>
    %iota3A_31 = tpu.iota {dimensions = array<i32: 1>} : vector<128x128xi32>
    %eq3A_32 = arith.cmpi eq, %iota3A_30, %iota3A_31 : vector<128x128xi32>
    %convert_element_type3A_33 = arith.extui %eq3A_32 : vector<128x128xi1> to vector<128x128xi32>
    %convert_element_type3A_34 = arith.sitofp %convert_element_type3A_33 : vector<128x128xi32> to vector<128x128xf32>
    %dot_general3A_35 = arith.constant dense<0.000000e+00> : vector<128x1xf32>
    %dot_general3A_36 = tpu.matmul %convert_element_type3A_34, %squeeze3A_29, %dot_general3A_35 {dimension_numbers = #tpu.dot_dimension_numbers<[1], [1], [0], [0], [0, 0, 1, 0], [], []>, transpose_lhs_hint = false} : vector<128x128xf32>, vector<1x128xf32>, vector<128x1xf32> -> vector<128x1xf32>
    %slice3A_37 = vector.extract_strided_slice %add3A {offsets = [4, 0, 0], sizes = [1, 1, 128], strides = [1, 1, 1]} : vector<16x1x128xf32> to vector<1x1x128xf32>
    %squeeze3A_38 = vector.shape_cast %slice3A_37 : vector<1x1x128xf32> to vector<1x128xf32>
    %iota3A_39 = tpu.iota {dimensions = array<i32: 0>} : vector<128x128xi32>
    %iota3A_40 = tpu.iota {dimensions = array<i32: 1>} : vector<128x128xi32>
    %eq3A_41 = arith.cmpi eq, %iota3A_39, %iota3A_40 : vector<128x128xi32>
    %convert_element_type3A_42 = arith.extui %eq3A_41 : vector<128x128xi1> to vector<128x128xi32>
    %convert_element_type3A_43 = arith.sitofp %convert_element_type3A_42 : vector<128x128xi32> to vector<128x128xf32>
    %dot_general3A_44 = arith.constant dense<0.000000e+00> : vector<128x1xf32>
    %dot_general3A_45 = tpu.matmul %convert_element_type3A_43, %squeeze3A_38, %dot_general3A_44 {dimension_numbers = #tpu.dot_dimension_numbers<[1], [1], [0], [0], [0, 0, 1, 0], [], []>, transpose_lhs_hint = false} : vector<128x128xf32>, vector<1x128xf32>, vector<128x1xf32> -> vector<128x1xf32>
    %slice3A_46 = vector.extract_strided_slice %add3A {offsets = [5, 0, 0], sizes = [1, 1, 128], strides = [1, 1, 1]} : vector<16x1x128xf32> to vector<1x1x128xf32>
    %squeeze3A_47 = vector.shape_cast %slice3A_46 : vector<1x1x128xf32> to vector<1x128xf32>
    %iota3A_48 = tpu.iota {dimensions = array<i32: 0>} : vector<128x128xi32>
    %iota3A_49 = tpu.iota {dimensions = array<i32: 1>} : vector<128x128xi32>
    %eq3A_50 = arith.cmpi eq, %iota3A_48, %iota3A_49 : vector<128x128xi32>
    %convert_element_type3A_51 = arith.extui %eq3A_50 : vector<128x128xi1> to vector<128x128xi32>
    %convert_element_type3A_52 = arith.sitofp %convert_element_type3A_51 : vector<128x128xi32> to vector<128x128xf32>
    %dot_general3A_53 = arith.constant dense<0.000000e+00> : vector<128x1xf32>
    %dot_general3A_54 = tpu.matmul %convert_element_type3A_52, %squeeze3A_47, %dot_general3A_53 {dimension_numbers = #tpu.dot_dimension_numbers<[1], [1], [0], [0], [0, 0, 1, 0], [], []>, transpose_lhs_hint = false} : vector<128x128xf32>, vector<1x128xf32>, vector<128x1xf32> -> vector<128x1xf32>
    %slice3A_55 = vector.extract_strided_slice %add3A {offsets = [6, 0, 0], sizes = [1, 1, 128], strides = [1, 1, 1]} : vector<16x1x128xf32> to vector<1x1x128xf32>
    %squeeze3A_56 = vector.shape_cast %slice3A_55 : vector<1x1x128xf32> to vector<1x128xf32>
    %iota3A_57 = tpu.iota {dimensions = array<i32: 0>} : vector<128x128xi32>
    %iota3A_58 = tpu.iota {dimensions = array<i32: 1>} : vector<128x128xi32>
    %eq3A_59 = arith.cmpi eq, %iota3A_57, %iota3A_58 : vector<128x128xi32>
    %convert_element_type3A_60 = arith.extui %eq3A_59 : vector<128x128xi1> to vector<128x128xi32>
    %convert_element_type3A_61 = arith.sitofp %convert_element_type3A_60 : vector<128x128xi32> to vector<128x128xf32>
    %dot_general3A_62 = arith.constant dense<0.000000e+00> : vector<128x1xf32>
    %dot_general3A_63 = tpu.matmul %convert_element_type3A_61, %squeeze3A_56, %dot_general3A_62 {dimension_numbers = #tpu.dot_dimension_numbers<[1], [1], [0], [0], [0, 0, 1, 0], [], []>, transpose_lhs_hint = false} : vector<128x128xf32>, vector<1x128xf32>, vector<128x1xf32> -> vector<128x1xf32>
    %slice3A_64 = vector.extract_strided_slice %add3A {offsets = [7, 0, 0], sizes = [1, 1, 128], strides = [1, 1, 1]} : vector<16x1x128xf32> to vector<1x1x128xf32>
    %squeeze3A_65 = vector.shape_cast %slice3A_64 : vector<1x1x128xf32> to vector<1x128xf32>
    %iota3A_66 = tpu.iota {dimensions = array<i32: 0>} : vector<128x128xi32>
    %iota3A_67 = tpu.iota {dimensions = array<i32: 1>} : vector<128x128xi32>
    %eq3A_68 = arith.cmpi eq, %iota3A_66, %iota3A_67 : vector<128x128xi32>
    %convert_element_type3A_69 = arith.extui %eq3A_68 : vector<128x128xi1> to vector<128x128xi32>
    %convert_element_type3A_70 = arith.sitofp %convert_element_type3A_69 : vector<128x128xi32> to vector<128x128xf32>
    %dot_general3A_71 = arith.constant dense<0.000000e+00> : vector<128x1xf32>
    %dot_general3A_72 = tpu.matmul %convert_element_type3A_70, %squeeze3A_65, %dot_general3A_71 {dimension_numbers = #tpu.dot_dimension_numbers<[1], [1], [0], [0], [0, 0, 1, 0], [], []>, transpose_lhs_hint = false} : vector<128x128xf32>, vector<1x128xf32>, vector<128x1xf32> -> vector<128x1xf32>
    %slice3A_73 = vector.extract_strided_slice %add3A {offsets = [8, 0, 0], sizes = [1, 1, 128], strides = [1, 1, 1]} : vector<16x1x128xf32> to vector<1x1x128xf32>
    %squeeze3A_74 = vector.shape_cast %slice3A_73 : vector<1x1x128xf32> to vector<1x128xf32>
    %iota3A_75 = tpu.iota {dimensions = array<i32: 0>} : vector<128x128xi32>
    %iota3A_76 = tpu.iota {dimensions = array<i32: 1>} : vector<128x128xi32>
    %eq3A_77 = arith.cmpi eq, %iota3A_75, %iota3A_76 : vector<128x128xi32>
    %convert_element_type3A_78 = arith.extui %eq3A_77 : vector<128x128xi1> to vector<128x128xi32>
    %convert_element_type3A_79 = arith.sitofp %convert_element_type3A_78 : vector<128x128xi32> to vector<128x128xf32>
    %dot_general3A_80 = arith.constant dense<0.000000e+00> : vector<128x1xf32>
    %dot_general3A_81 = tpu.matmul %convert_element_type3A_79, %squeeze3A_74, %dot_general3A_80 {dimension_numbers = #tpu.dot_dimension_numbers<[1], [1], [0], [0], [0, 0, 1, 0], [], []>, transpose_lhs_hint = false} : vector<128x128xf32>, vector<1x128xf32>, vector<128x1xf32> -> vector<128x1xf32>
    %slice3A_82 = vector.extract_strided_slice %add3A {offsets = [9, 0, 0], sizes = [1, 1, 128], strides = [1, 1, 1]} : vector<16x1x128xf32> to vector<1x1x128xf32>
    %squeeze3A_83 = vector.shape_cast %slice3A_82 : vector<1x1x128xf32> to vector<1x128xf32>
    %iota3A_84 = tpu.iota {dimensions = array<i32: 0>} : vector<128x128xi32>
    %iota3A_85 = tpu.iota {dimensions = array<i32: 1>} : vector<128x128xi32>
    %eq3A_86 = arith.cmpi eq, %iota3A_84, %iota3A_85 : vector<128x128xi32>
    %convert_element_type3A_87 = arith.extui %eq3A_86 : vector<128x128xi1> to vector<128x128xi32>
    %convert_element_type3A_88 = arith.sitofp %convert_element_type3A_87 : vector<128x128xi32> to vector<128x128xf32>
    %dot_general3A_89 = arith.constant dense<0.000000e+00> : vector<128x1xf32>
    %dot_general3A_90 = tpu.matmul %convert_element_type3A_88, %squeeze3A_83, %dot_general3A_89 {dimension_numbers = #tpu.dot_dimension_numbers<[1], [1], [0], [0], [0, 0, 1, 0], [], []>, transpose_lhs_hint = false} : vector<128x128xf32>, vector<1x128xf32>, vector<128x1xf32> -> vector<128x1xf32>
    %slice3A_91 = vector.extract_strided_slice %add3A {offsets = [10, 0, 0], sizes = [1, 1, 128], strides = [1, 1, 1]} : vector<16x1x128xf32> to vector<1x1x128xf32>
    %squeeze3A_92 = vector.shape_cast %slice3A_91 : vector<1x1x128xf32> to vector<1x128xf32>
    %iota3A_93 = tpu.iota {dimensions = array<i32: 0>} : vector<128x128xi32>
    %iota3A_94 = tpu.iota {dimensions = array<i32: 1>} : vector<128x128xi32>
    %eq3A_95 = arith.cmpi eq, %iota3A_93, %iota3A_94 : vector<128x128xi32>
    %convert_element_type3A_96 = arith.extui %eq3A_95 : vector<128x128xi1> to vector<128x128xi32>
    %convert_element_type3A_97 = arith.sitofp %convert_element_type3A_96 : vector<128x128xi32> to vector<128x128xf32>
    %dot_general3A_98 = arith.constant dense<0.000000e+00> : vector<128x1xf32>
    %dot_general3A_99 = tpu.matmul %convert_element_type3A_97, %squeeze3A_92, %dot_general3A_98 {dimension_numbers = #tpu.dot_dimension_numbers<[1], [1], [0], [0], [0, 0, 1, 0], [], []>, transpose_lhs_hint = false} : vector<128x128xf32>, vector<1x128xf32>, vector<128x1xf32> -> vector<128x1xf32>
    %slice3A_100 = vector.extract_strided_slice %add3A {offsets = [11, 0, 0], sizes = [1, 1, 128], strides = [1, 1, 1]} : vector<16x1x128xf32> to vector<1x1x128xf32>
    %squeeze3A_101 = vector.shape_cast %slice3A_100 : vector<1x1x128xf32> to vector<1x128xf32>
    %iota3A_102 = tpu.iota {dimensions = array<i32: 0>} : vector<128x128xi32>
    %iota3A_103 = tpu.iota {dimensions = array<i32: 1>} : vector<128x128xi32>
    %eq3A_104 = arith.cmpi eq, %iota3A_102, %iota3A_103 : vector<128x128xi32>
    %convert_element_type3A_105 = arith.extui %eq3A_104 : vector<128x128xi1> to vector<128x128xi32>
    %convert_element_type3A_106 = arith.sitofp %convert_element_type3A_105 : vector<128x128xi32> to vector<128x128xf32>
    %dot_general3A_107 = arith.constant dense<0.000000e+00> : vector<128x1xf32>
    %dot_general3A_108 = tpu.matmul %convert_element_type3A_106, %squeeze3A_101, %dot_general3A_107 {dimension_numbers = #tpu.dot_dimension_numbers<[1], [1], [0], [0], [0, 0, 1, 0], [], []>, transpose_lhs_hint = false} : vector<128x128xf32>, vector<1x128xf32>, vector<128x1xf32> -> vector<128x1xf32>
    %slice3A_109 = vector.extract_strided_slice %add3A {offsets = [12, 0, 0], sizes = [1, 1, 128], strides = [1, 1, 1]} : vector<16x1x128xf32> to vector<1x1x128xf32>
    %squeeze3A_110 = vector.shape_cast %slice3A_109 : vector<1x1x128xf32> to vector<1x128xf32>
    %iota3A_111 = tpu.iota {dimensions = array<i32: 0>} : vector<128x128xi32>
    %iota3A_112 = tpu.iota {dimensions = array<i32: 1>} : vector<128x128xi32>
    %eq3A_113 = arith.cmpi eq, %iota3A_111, %iota3A_112 : vector<128x128xi32>
    %convert_element_type3A_114 = arith.extui %eq3A_113 : vector<128x128xi1> to vector<128x128xi32>
    %convert_element_type3A_115 = arith.sitofp %convert_element_type3A_114 : vector<128x128xi32> to vector<128x128xf32>
    %dot_general3A_116 = arith.constant dense<0.000000e+00> : vector<128x1xf32>
    %dot_general3A_117 = tpu.matmul %convert_element_type3A_115, %squeeze3A_110, %dot_general3A_116 {dimension_numbers = #tpu.dot_dimension_numbers<[1], [1], [0], [0], [0, 0, 1, 0], [], []>, transpose_lhs_hint = false} : vector<128x128xf32>, vector<1x128xf32>, vector<128x1xf32> -> vector<128x1xf32>
    %slice3A_118 = vector.extract_strided_slice %add3A {offsets = [13, 0, 0], sizes = [1, 1, 128], strides = [1, 1, 1]} : vector<16x1x128xf32> to vector<1x1x128xf32>
    %squeeze3A_119 = vector.shape_cast %slice3A_118 : vector<1x1x128xf32> to vector<1x128xf32>
    %iota3A_120 = tpu.iota {dimensions = array<i32: 0>} : vector<128x128xi32>
    %iota3A_121 = tpu.iota {dimensions = array<i32: 1>} : vector<128x128xi32>
    %eq3A_122 = arith.cmpi eq, %iota3A_120, %iota3A_121 : vector<128x128xi32>
    %convert_element_type3A_123 = arith.extui %eq3A_122 : vector<128x128xi1> to vector<128x128xi32>
    %convert_element_type3A_124 = arith.sitofp %convert_element_type3A_123 : vector<128x128xi32> to vector<128x128xf32>
    %dot_general3A_125 = arith.constant dense<0.000000e+00> : vector<128x1xf32>
    %dot_general3A_126 = tpu.matmul %convert_element_type3A_124, %squeeze3A_119, %dot_general3A_125 {dimension_numbers = #tpu.dot_dimension_numbers<[1], [1], [0], [0], [0, 0, 1, 0], [], []>, transpose_lhs_hint = false} : vector<128x128xf32>, vector<1x128xf32>, vector<128x1xf32> -> vector<128x1xf32>
    %slice3A_127 = vector.extract_strided_slice %add3A {offsets = [14, 0, 0], sizes = [1, 1, 128], strides = [1, 1, 1]} : vector<16x1x128xf32> to vector<1x1x128xf32>
    %squeeze3A_128 = vector.shape_cast %slice3A_127 : vector<1x1x128xf32> to vector<1x128xf32>
    %iota3A_129 = tpu.iota {dimensions = array<i32: 0>} : vector<128x128xi32>
    %iota3A_130 = tpu.iota {dimensions = array<i32: 1>} : vector<128x128xi32>
    %eq3A_131 = arith.cmpi eq, %iota3A_129, %iota3A_130 : vector<128x128xi32>
    %convert_element_type3A_132 = arith.extui %eq3A_131 : vector<128x128xi1> to vector<128x128xi32>
    %convert_element_type3A_133 = arith.sitofp %convert_element_type3A_132 : vector<128x128xi32> to vector<128x128xf32>
    %dot_general3A_134 = arith.constant dense<0.000000e+00> : vector<128x1xf32>
    %dot_general3A_135 = tpu.matmul %convert_element_type3A_133, %squeeze3A_128, %dot_general3A_134 {dimension_numbers = #tpu.dot_dimension_numbers<[1], [1], [0], [0], [0, 0, 1, 0], [], []>, transpose_lhs_hint = false} : vector<128x128xf32>, vector<1x128xf32>, vector<128x1xf32> -> vector<128x1xf32>
    %slice3A_136 = vector.extract_strided_slice %add3A {offsets = [15, 0, 0], sizes = [1, 1, 128], strides = [1, 1, 1]} : vector<16x1x128xf32> to vector<1x1x128xf32>
    %squeeze3A_137 = vector.shape_cast %slice3A_136 : vector<1x1x128xf32> to vector<1x128xf32>
    %iota3A_138 = tpu.iota {dimensions = array<i32: 0>} : vector<128x128xi32>
    %iota3A_139 = tpu.iota {dimensions = array<i32: 1>} : vector<128x128xi32>
    %eq3A_140 = arith.cmpi eq, %iota3A_138, %iota3A_139 : vector<128x128xi32>
    %convert_element_type3A_141 = arith.extui %eq3A_140 : vector<128x128xi1> to vector<128x128xi32>
    %convert_element_type3A_142 = arith.sitofp %convert_element_type3A_141 : vector<128x128xi32> to vector<128x128xf32>
    %dot_general3A_143 = arith.constant dense<0.000000e+00> : vector<128x1xf32>
    %dot_general3A_144 = tpu.matmul %convert_element_type3A_142, %squeeze3A_137, %dot_general3A_143 {dimension_numbers = #tpu.dot_dimension_numbers<[1], [1], [0], [0], [0, 0, 1, 0], [], []>, transpose_lhs_hint = false} : vector<128x128xf32>, vector<1x128xf32>, vector<128x1xf32> -> vector<128x1xf32>
    %concatenate3A = tpu.concatenate %dot_general3A_9, %dot_general3A_18, %dot_general3A_27, %dot_general3A_36, %dot_general3A_45, %dot_general3A_54, %dot_general3A_63, %dot_general3A_72, %dot_general3A_81, %dot_general3A_90, %dot_general3A_99, %dot_general3A_108, %dot_general3A_117, %dot_general3A_126, %dot_general3A_135, %dot_general3A_144 in 0 : vector<128x1xf32>, vector<128x1xf32>, vector<128x1xf32>, vector<128x1xf32>, vector<128x1xf32>, vector<128x1xf32>, vector<128x1xf32>, vector<128x1xf32>, vector<128x1xf32>, vector<128x1xf32>, vector<128x1xf32>, vector<128x1xf32>, vector<128x1xf32>, vector<128x1xf32>, vector<128x1xf32>, vector<128x1xf32> -> vector<2048x1xf32>
    %max3A = arith.constant 1.000000e+00 : f32
    %max3A_145 = vector.broadcast %max3A : f32 to vector<2048x1xf32>
    %max3A_146 = arith.maximumf %concatenate3A, %max3A_145 : vector<2048x1xf32>
    %div3A = arith.constant 1.000000e+00 : f32
    %div3A_147 = vector.broadcast %div3A : f32 to vector<2048x1xf32>
    %div3A_148 = arith.divf %div3A_147, %max3A_146 : vector<2048x1xf32>
    %mul3A = arith.mulf %concatenate3A, %div3A_148 : vector<2048x1xf32>
    %get3A_149 = arith.constant 0 : index
    %get3A_150 = arith.constant 0 : index
    %get3A_151 = vector.load %arg1[%get3A_149, %get3A_150] : memref<2048x128xf32, #tpu.memory_space<vmem>>, vector<2048x128xf32>
    %get3A_152 = arith.constant 0 : index
    %get3A_153 = arith.constant 0 : index
    %get3A_154 = vector.load %arg2[%get3A_152, %get3A_153] : memref<2048x128xf32, #tpu.memory_space<vmem>>, vector<2048x128xf32>
    %add3A_155 = arith.addf %get3A_151, %get3A_154 : vector<2048x128xf32>
    %mul3A_156 = vector.broadcast %div3A_148 : vector<2048x1xf32> to vector<2048x128xf32>
    %mul3A_157 = arith.mulf %add3A_155, %mul3A_156 : vector<2048x128xf32>
    %get3A_158 = arith.constant 0 : index
    %get3A_159 = arith.constant 0 : index
    %get3A_160 = vector.load %arg6[%get3A_158, %get3A_159] : memref<1x128xf32, #tpu.memory_space<vmem>>, vector<1x128xf32>
    %get3A_161 = arith.constant 0 : index
    %get3A_162 = arith.constant 0 : index
    %get3A_163 = vector.load %arg5[%get3A_161, %get3A_162] : memref<1x128xf32, #tpu.memory_space<vmem>>, vector<1x128xf32>
    %sub3A = arith.subf %get3A_160, %get3A_163 : vector<1x128xf32>
    %mul3A_164 = vector.broadcast %mul3A : vector<2048x1xf32> to vector<2048x128xf32>
    %mul3A_165 = vector.broadcast %sub3A : vector<1x128xf32> to vector<2048x128xf32>
    %mul3A_166 = arith.mulf %mul3A_164, %mul3A_165 : vector<2048x128xf32>
    %add3A_167 = arith.addf %mul3A_157, %mul3A_166 : vector<2048x128xf32>
    %mul3A_168 = arith.constant 2048 : i32
    %mul3A_169 = arith.muli %arg0, %mul3A_168 : i32
    %iota3A_170 = tpu.iota {dimensions = array<i32: 0>} : vector<2048x1xi32>
    %add3A_171 = vector.broadcast %mul3A_169 : i32 to vector<2048x1xi32>
    %add3A_172 = arith.addi %add3A_171, %iota3A_170 : vector<2048x1xi32>
    %lt3A = arith.constant 10000 : i32
    %lt3A_173 = vector.broadcast %lt3A : i32 to vector<2048x1xi32>
    %lt3A_174 = arith.cmpi slt, %add3A_172, %lt3A_173 : vector<2048x1xi32>
    %mul3A_175 = arith.mulf %add3A_167, %add3A_167 : vector<2048x128xf32>
    %jit3A = arith.constant 0.000000e+00 : f32
    %broadcast_in_dim3A = vector.shape_cast %lt3A_174 : vector<2048x1xi1> to vector<2048x1xi1>
    %broadcast_in_dim3A_176 = vector.broadcast %broadcast_in_dim3A : vector<2048x1xi1> to vector<2048x128xi1>
    %broadcast_in_dim3A_177 = vector.broadcast %jit3A : f32 to vector<2048x128xf32>
    %select_n3A = arith.select %broadcast_in_dim3A_176, %mul3A_175, %broadcast_in_dim3A_177 : vector<2048x128xi1>, vector<2048x128xf32>
    %reduce_sum3A = vector.shape_cast %select_n3A : vector<2048x128xf32> to vector<1x2048x128xf32>
    %reduce_sum3A_178 = arith.constant dense<0.000000e+00> : vector<1xf32>
    %reduce_sum3A_179 = vector.multi_reduction <add>, %reduce_sum3A, %reduce_sum3A_178 [1, 2] : vector<1x2048x128xf32> to vector<1xf32>
    %reduce_sum3A_180 = vector.shape_cast %reduce_sum3A_179 : vector<1xf32> to vector<1x1x1xf32>
    %reduce_sum3A_181 = vector.extract %reduce_sum3A_180[0, 0, 0] : f32 from vector<1x1x1xf32>
    %eq3A_182 = arith.constant 0 : i32
    %eq3A_183 = arith.cmpi eq, %arg0, %eq3A_182 : i32
    %get3A_184 = arith.constant 0 : index
    %get3A_185 = arith.constant 0 : index
    %get3A_186 = vector.load %arg7[%get3A_184, %get3A_185] : memref<1x1xf32, #tpu.memory_space<vmem>>, vector<1x1xf32>
    %add3A_187 = vector.broadcast %reduce_sum3A_181 : f32 to vector<1x1xf32>
    %add3A_188 = arith.addf %get3A_186, %add3A_187 : vector<1x1xf32>
    %broadcast_in_dim3A_189 = vector.broadcast %reduce_sum3A_181 : f32 to vector<1x1xf32>
    %select_n3A_190 = arith.select %eq3A_183, %broadcast_in_dim3A_189, %add3A_188 : vector<1x1xf32>
    %eq3A_191 = arith.constant 4 : i32
    %eq3A_192 = arith.cmpi eq, %arg0, %eq3A_191 : i32
    %jit3A_193 = arith.constant 7.812500e-07 : f32
    %jit3A_194 = arith.constant 1.000000e+00 : f32
    %select_n3A_195 = arith.select %eq3A_192, %jit3A_193, %jit3A_194 : f32
    %mul3A_196 = vector.broadcast %select_n3A_195 : f32 to vector<1x1xf32>
    %mul3A_197 = arith.mulf %select_n3A_190, %mul3A_196 : vector<1x1xf32>
    %swap3A = arith.constant 0 : index
    %swap3A_198 = arith.constant 0 : index
    %swap3A_199 = vector.load %arg7[%swap3A, %swap3A_198] : memref<1x1xf32, #tpu.memory_space<vmem>>, vector<1x1xf32>
    tpu.vector_store %arg7[%swap3A, %swap3A_198], %mul3A_197 {strides = array<i32>} : memref<1x1xf32, #tpu.memory_space<vmem>>, vector<1x1xf32>,
    return
  }
  func.func @transform_0(%arg0: i32) -> (i32, i32) {
    %c0_i32 = arith.constant 0 : i32
    %c0_i32_0 = arith.constant 0 : i32
    return %arg0, %c0_i32 : i32, i32
  }
  func.func @transform_1(%arg0: i32) -> (i32, i32) {
    %c0_i32 = arith.constant 0 : i32
    %c0_i32_0 = arith.constant 0 : i32
    return %arg0, %c0_i32 : i32, i32
  }
  func.func @transform_2(%arg0: i32) -> (i32, i32, i32) {
    %c0_i32 = arith.constant 0 : i32
    %c0_i32_0 = arith.constant 0 : i32
    %c0_i32_1 = arith.constant 0 : i32
    return %arg0, %c0_i32, %c0_i32_0 : i32, i32, i32
  }
  func.func @transform_3(%arg0: i32) -> (i32, i32, i32) {
    %c0_i32 = arith.constant 0 : i32
    %c0_i32_0 = arith.constant 0 : i32
    %c0_i32_1 = arith.constant 0 : i32
    return %arg0, %c0_i32, %c0_i32_0 : i32, i32, i32
  }
  func.func @transform_4(%arg0: i32) -> (i32, i32) {
    %c0_i32 = arith.constant 0 : i32
    %c0_i32_0 = arith.constant 0 : i32
    %c0_i32_1 = arith.constant 0 : i32
    return %c0_i32, %c0_i32_0 : i32, i32
  }
  func.func @transform_5(%arg0: i32) -> (i32, i32) {
    %c0_i32 = arith.constant 0 : i32
    %c0_i32_0 = arith.constant 0 : i32
    %c0_i32_1 = arith.constant 0 : i32
    return %c0_i32, %c0_i32_0 : i32, i32
  }
  func.func @transform_6(%arg0: i32) -> (i32, i32) {
    %c0_i32 = arith.constant 0 : i32
    %c0_i32_0 = arith.constant 0 : i32
    %c0_i32_1 = arith.constant 0 : i32
    return %c0_i32, %c0_i32_0 : i32, i32
  }
}

</mosaic_0001>

<sc_bundles>
// kernel: kernel.6.cloned.1.call-start
scs
__scs_entry_jumppad:
0x0: {  	(pc) =	sbr.rel $0x88, $3  }
0x1: {  	(tag) =	ssettag $0x0;
	lr =	simm.s32 $0x1  }
0x2: {  	[smem:$0x3F97] =	sst lr;
	_ =	strace $0xD0000000  }
0x3: {  	_ = 	snop  }
0x4: {  	_ = 	snop  }
0x5: {  	_ = 	snop  }
0x6: {  	_ = 	snop  }
0x7: {  	_ = 	snop  }
__scs_overlays_trampoline_lowered:
0x8: {  	[smem:$0x3FA6] =	sst s0  }
0x9: {  	[smem:$0x3FA7] =	sst s1  }
0xa: {  	[smem:$0x3FA8] =	sst s2  }
0xb: {  	[smem:$0x3FA9] =	sst s3  }
0xc: {  	[smem:$0x3FAA] =	sst s4  }
0xd: {  	[smem:$0x3FAB] =	sst s5  }
0xe: {  	[smem:$0x3FAC] =	sst s6  }
0xf: {  	[smem:$0x3FAD] =	sst s7  }
0x10: {  	[smem:$0x3FAE] =	sst s8  }
0x11: {  	[smem:$0x3FAF] =	sst s9;
	s0 =	simm.s32 @!p0 $0x0  }
0x12: {  	s1 =	sld [smem:$0x3F95];
	s0 =	simm.s32 @p0 $0x1  }
0x13: {  	[smem:$0x3FB0] =	sst s0;
	s0 =	simm.s32 @!p1 $0x0  }
0x14: {  	s2 =	sld [smem:$0x3F94];
	s0 =	simm.s32 @p1 $0x1  }
0x15: {  	[smem:$0x3FB1] =	sst s0;
	s0 =	simm.s32 @!p2 $0x0  }
0x16: {  	s3 =	sld [smem:$0x3FDB];
	s0 =	simm.s32 @p2 $0x1  }
0x17: {  	s4 =	simm.s32 $0x1BF5;
	[smem:$0x3FB3] =	sst s0  }
0x18: {  	s0 =	sld [smem:$0x3F96];
	_ =	swait.ge [sflag:s4], $0x0  }
0x19: {  	s7 =	sld [smem:$0x3F97]  }
0x1a: {  	s8 =	sadd.s32 $0xFFFFE003, lr  }
0x1b: {  	s9 =	sadd.s32 $0xFFFFFEF7, lr;
	s5 =	simm.s32 $0xFFFFFFFF;
	p2 =	slt.u32 s8, $0xFFFFF086  }
0x1c: {  	p1 =	slt.u32 s9, $0xF7A;
	s5 =	simm.s32 @!p2 $0x0  }
0x1d: {  	s5 =	simm.s32 @p1 $0x1;
	p0 =	seq.s32 s7, s2  }
0x1e: {  	s7 =	smul.u32 @!p0 $0xF7A, s2;
	p2 =	seq.s32 @!p0 s5, $0x0  }
0x1f: {  	s9 =	smul.u32 $0xF7A, s1;
	s8 =	simm.s32 @!p0 $0x1BF5;
	p2 =	por !p2, p0  }
0x20: {  	[sflag:s8] =	ssyncset.s32 @!p0 $0xFFFFF086;
	s6 =	sadd.s32 @!p0 s3, s7;
	s7 =	simm.s32 @!p0 $0x108  }
0x21: {  	s3 =	sadd.s32 s3, s9;
	s6 =	sadd.s32 @!p0 $0x88, s6;
	s7 =	simm.s32 @p2 $0x1082  }
0x22: {  	[simem:s7], [sflag:s8] =	dma.local @!p0 [hbm:s6], $0xF7A  }
0x23: {  	s9 =	sor.u32 $0xD0000000, s2;
	s6 =	simm.s32 $0x108;
	_ =	swait.ge @!p0 [sflag:s8], $0x0  }
0x24: {  	s3 =	sadd.s32 $0x88, s3;
	s6 =	simm.s32 @!p1 $0x1082;
	[sflag:s4] =	ssyncset.s32 $0xFFFFF086  }
0x25: {  	[simem:s6], [sflag:s4] =	dma.local [hbm:s3], $0xF7A  }
0x26: {  	[smem:$0x3F97] =	sst s1;
	(tag) =	ssettag s2;
	_ =	strace s9  }
0x27: {  	s1 =	sld [smem:$0x3FA7]  }
0x28: {  	s2 =	sld [smem:$0x3FA8]  }
0x29: {  	s4 =	sld [smem:$0x3FAA]  }
0x2a: {  	p0 =	seq.s32 s5, $0x0;
	s5 =	sld [smem:$0x3FAB]  }
0x2b: {  	s6 =	sld [smem:$0x3FAC]  }
0x2c: {  	s7 =	sld [smem:$0x3FAD]  }
0x2d: {  	s3 =	simm.s32 $0x108;
	s8 =	sld [smem:$0x3FAE]  }
0x2e: {  	s3 =	simm.s32 @!p0 $0x1082;
	s9 =	sld [smem:$0x3FAF]  }
0x2f: {  	lr =	sadd.s32 s0, s3;
	s0 =	sld [smem:$0x3FA6]  }
0x30: {  	s3 =	sld [smem:$0x3FA9]  }
0x31: {  	[smem:$0x3FB2] =	sst s10  }
0x32: {  	s10 =	sld [smem:$0x3FB0];
	_ =	sdelay $0x3  }
0x33: {  	p0 =	seq.s32 s10, $0x1;
	s10 =	sld [smem:$0x3FB2];
	_ =	sdelay $0x3  }
0x34: {  	[smem:$0x3FB2] =	sst s10  }
0x35: {  	s10 =	sld [smem:$0x3FB1];
	_ =	sdelay $0x3  }
0x36: {  	p1 =	seq.s32 s10, $0x1;
	s10 =	sld [smem:$0x3FB2];
	_ =	sdelay $0x3  }
0x37: {  	[smem:$0x3FB2] =	sst s10  }
0x38: {  	s10 =	sld [smem:$0x3FB3]  }
0x39: {  	_ = 	snop;
	(pc) =	sbr.ind lr, $3  }
0x3a: {  	_ = 	snop  }
0x3b: {  	_ = 	snop  }
0x3c: {  	p2 =	seq.s32 s10, $0x1;
	s10 =	sld [smem:$0x3FB2]  }
0x3d: {  	_ =	shalt  }
0x3e: {  	_ =	shalt  }
0x3f: {  	_ =	shalt  }
0x40: {  	_ =	shalt  }
0x41: {  	_ =	shalt  }
0x42: {  	_ =	shalt  }
0x43: {  	_ =	shalt  }
0x44: {  	_ =	shalt  }
0x45: {  	_ =	shalt  }
0x46: {  	_ =	shalt  }
0x47: {  	_ =	shalt  }
0x48: {  	_ =	shalt  }
0x49: {  	_ =	shalt  }
0x4a: {  	_ =	shalt  }
0x4b: {  	_ =	shalt  }
0x4c: {  	_ =	shalt  }
0x4d: {  	_ =	shalt  }
0x4e: {  	_ =	shalt  }
0x4f: {  	_ =	shalt  }
0x50: {  	_ =	shalt  }
0x51: {  	_ =	shalt  }
0x52: {  	_ =	shalt  }
0x53: {  	_ =	shalt  }
0x54: {  	_ =	shalt  }
0x55: {  	_ =	shalt  }
0x56: {  	_ =	shalt  }
0x57: {  	_ =	shalt  }
0x58: {  	_ =	shalt  }
0x59: {  	_ =	shalt  }
0x5a: {  	_ =	shalt  }
0x5b: {  	_ =	shalt  }
0x5c: {  	_ =	shalt  }
0x5d: {  	_ =	shalt  }
0x5e: {  	_ =	shalt  }
0x5f: {  	_ =	shalt  }
0x60: {  	_ =	shalt  }
0x61: {  	_ =	shalt  }
0x62: {  	_ =	shalt  }
0x63: {  	_ =	shalt  }
0x64: {  	_ =	shalt  }
0x65: {  	_ =	shalt  }
0x66: {  	_ =	shalt  }
0x67: {  	_ =	shalt  }
0x68: {  	_ =	shalt  }
0x69: {  	_ =	shalt  }
0x6a: {  	_ =	shalt  }
0x6b: {  	_ =	shalt  }
0x6c: {  	_ =	shalt  }
0x6d: {  	_ =	shalt  }
0x6e: {  	_ =	shalt  }
0x6f: {  	_ =	shalt  }
0x70: {  	_ =	shalt  }
0x71: {  	_ =	shalt  }
0x72: {  	_ =	shalt  }
0x73: {  	_ =	shalt  }
0x74: {  	_ =	shalt  }
0x75: {  	_ =	shalt  }
0x76: {  	_ =	shalt  }
0x77: {  	_ =	shalt  }
0x78: {  	_ =	shalt  }
0x79: {  	_ =	shalt  }
0x7a: {  	_ =	shalt  }
0x7b: {  	_ =	shalt  }
0x7c: {  	_ =	shalt  }
0x7d: {  	_ =	shalt  }
0x7e: {  	_ =	shalt  }
0x7f: {  	_ =	shalt  }
0x80: {  	_ =	shalt  }
0x81: {  	_ =	shalt  }
0x82: {  	_ =	shalt  }
0x83: {  	_ =	shalt  }
0x84: {  	_ =	shalt  }
0x85: {  	_ =	shalt  }
0x86: {  	_ =	shalt  }
0x87: {  	_ =	shalt  }
.Lfunc_end0:
.L_simem_size_0:
called_computation_lowered:
.L_overlay_start_0:
0x88: {  	s2 =	sld [smem:$0x3FD9]  }
0x89: {  	s3 =	sld [smem:$0x3FFE];
	_ =	sdelay $0x1  }
0x8a: {  	s1 =	srdreg.scid  }
0x8b: {  	s0 =	sand.u32 $0x1, s1  }
0x8c: {  	s17 =	sshll.u32 s0, $0xA;
	s2 =	sadd.s32 s3, s2  }
0x8d: {  	s2 =	sadd.s32 s2, s17  }
0x8e: {  	[smem:$0x3FBE] =	sst s2  }
0x8f: {  	_ = 	snop  }
0x90: {  	s2 =	sld [smem:$0x3FD0];
	(tm) =	ssettm $0x1  }
0x91: {  	s18 =	sld [smem:$0x3FFB];
	_ =	sdelay $0x3  }
0x92: {  	_ =	strace s18  }
0x93: {  	s3 =	sld [smem:$0x3FFC];
	_ =	sdelay $0x3  }
0x94: {  	_ =	strace s3  }
0x95: {  	s3 =	sld [smem:$0x3FFD];
	_ =	sdelay $0x3  }
0x96: {  	_ =	strace s3  }
0x97: {  	_ =	strace $0x8FFFFFFF  }
0x98: {  	s19 =	sld [smem:$0x3FDB];
	_ =	sdelay $0x1  }
0x99: {  	s4 =	simm.s32 $_scs_section_size  }
0x9a: {  	s5 =	simm.s32 $_size__tile_overlayer_lowered;
	s6 =	simm.s32 $_tile_overlayer_lowered  }
0x9b: {  	s22 =	simm.s32 $0x1BFF;
	s21 =	sshll.u32 s6, $0x1;
	s3 =	sadd.s32 s4, s19  }
0x9c: {  	s7 =	simm.s32 $0x0;
	s20 =	sshll.u32 s5, $0x1;
	s5 =	sadd.s32 s21, s3  }
0x9d: {  	[timem:s7], [sflag:s22] =	dma.local [hbm:s5], s20  }
0x9e: {  	_ =	swait.ge [sflag:s22], s20  }
0x9f: {  	s4 =	ssub.s32 $0x0, s20;
	[sflag:s22] =	ssyncset.done $0x0  }
0xa0: {  	[sflag:s22] =	ssyncadd.s32 s4;
	_ =	sdelay $0x1  }
0xa1: {  	s23 =	simm.s32 $0x1B8B  }
0xa2: {  	_ =	swait.ge [sflag:s23], $0x1  }
0xa3: {  	[sflag:s23] =	ssyncset.done $0x0  }
0xa4: {  	s25 =	simm.s32 $0x1B8E;
	s24 =	sld [smem:$0x3FFE];
	[sflag:s23] =	ssyncadd.s32 $0xFFFFFFFF  }
0xa5: {  	s26 =	simm.s32 $execute0_lowered;
	[smem:$0x3FD2] =	sst s25  }
0xa6: {  	s5 =	sshll.u32 s26, $0x1;
	_ =	strace $0x80000046;
	[dreg:$0x1] =	wrdreg $0xFFFFFFFF  }
0xa7: {  	s28 =	simm.s32 $_size_execute0_lowered;
	s3 =	sadd.s32 s3, s5;
	[dreg:$0x0] =	wrdreg $0x0  }
0xa8: {  	s5 =	sshll.u32 s28, $0x1;
	[dreg:$0x2] =	wrdreg s3  }
0xa9: {  	[dreg:$0x3] =	wrdreg s5  }
0xaa: {  	[dreg:$0x4] =	wrdreg $0xC0  }
0xab: {  	_ =	task [dreg:s7], $0x5FFFF  }
0xac: {  	[dreg:$0x1] =	wrdreg $0xFFFFFFFF  }
0xad: {  	[dreg:$0x0] =	wrdreg $0x60  }
0xae: {  	[dreg:$0x2] =	wrdreg s24  }
0xaf: {  	[dreg:$0x3] =	wrdreg s2  }
0xb0: {  	[dreg:$0x4] =	wrdreg $0x90800  }
0xb1: {  	[dreg:$0x5] =	wrdreg $0x1D0800  }
0xb2: {  	[dreg:$0x6] =	wrdreg $0x9  }
0xb3: {  	_ =	task.clear_ibuf [dreg:s7], $0x7FFFF;
	_ =	strace $0x90000046  }
0xb4: {  	s29 =	simm.s32 $0x9;
	_ =	strace $0x80000048  }
0xb5: {  	_ =	swait.ge [sflag:s29], $0x1  }
0xb6: {  	[sflag:s29] =	ssyncadd.s32 $0xFFFFFFFF  }
0xb7: {  	_ =	strace $0x90000048  }
0xb8: {  	_ =	sfence  }
0xb9: {  	s30 =	sld [smem:$0x0];
	_ =	sdelay $0x2  }
0xba: {  	s31 =	sshll.u32 s1, $0xD;
	s1 =	sshrl.u32 s1, $0x2  }
0xbb: {  	s3 =	sand.u32 $0x4000, s31;
	s1 =	sadd.s32 s1, s30  }
0xbc: {  	s0 =	sor.u32 s3, s0;
	s1 =	sshll.u32 s1, $0x11  }
0xbd: {  	s0 =	sor.u32 s1, s0  }
0xbe: {  	s0 =	sadd.s32 $0x8F2B, s0  }
0xbf: {  	[sflag:s0] =	ssyncadd.remote.s32 $0x1  }
0xc0: {  	_ =	sfence.sel $0xFFFF  }
0xc1: {  	[dreg:$0x0] =	wrdreg $0xFFFFFFFF;
	(pc) =	sbr.abs _section_cstart, $3  }
0xc2: {  	[dreg:$0x1] =	wrdreg $0xFFFFFFFF  }
0xc3: {  	_ =	task.clear_ibuf [dreg:s7], $0x2FFFF;
	_ =	strace $0x9FFFFFFF  }
0xc4: {  	(tm) =	ssettm $0x7FFFFFFF  }
0xc5: {  	_ =	shalt  }
tec
execute0_lowered:
.L_overlay_start_1:
0x0: {  	(tag) =	ssettag $0x1  }
0x1: {  	s0 =	rddreg [dreg:$0x0]  }
0x2: {  	s2 =	rddreg [dreg:$0x2]  }
0x3: {  	s3 =	rddreg [dreg:$0x3];
	s4 =	simm.s32 $0x0  }
0x4: {  	s1 =	stileid.u32;
	s9 =	srdreg.scid;
	s19 =	simm.s32 $0x9000  }
0x5: {  	s21 =	simm.s32 $0x80;
	s28 =	simm.s32 $0x0;
	[smem:$0x7FF] =	sst s4  }
0x6: {  	s5 =	sadd.s32 $0x17C00, s0;
	s7 =	smul.u32 $0x2800, s1;
	s8 =	sadd.s32 $0x3C00, s0  }
0x7: {  	s6 =	sadd.s32 $0x3FC00, s0;
	s13 =	sand.u32 $0x1, s9;
	s23 =	smul.u32 $0x50000, s1  }
0x8: {  	s22 =	sshll.u32 s1, $0x1;
	s10 =	sadd.s32 $0xB8200, s0;
	s12 =	smul.u32 $0x5000, s1  }
0x9: {  	s26 =	sshll.u32 s1, $0x6;
	p1 =	sne.s32 s1, $0x0;
	p2 =	seq.s32 s1, $0x0  }
0xa: {  	_ =	strace $0x80000047;
	[dreg:$0x7] =	wrdreg s10;
	s9 =	sor.u32 s13, s22  }
0xb: {  	s24 =	ssub.s32 $0x2, s13;
	s14 =	smul.u32 $0x2800, s13;
	p0 =	seq.s32 s13, $0x1  }
0xc: {  	s18 =	sshrl.u32 @!p1 s3, $0x3;
	s22 =	simm.s32 $0x1000;
	s7 =	sadd.s32 s7, s0  }
0xd: {  	s0 =	sadd.s32 $0xB8800, s0;
	s11 =	smul.u32 $0x2800, s9;
	s25 =	sshrl.u32 s24, $0x1  }
0xe: {  	s10 =	sshrl.u32 s23, $0x2;
	s23 =	simm.s32 $0x5000;
	[dreg:$0x8] =	wrdreg s0  }
0xf: {  	s0 =	ssub.s32 s24, s25;
	s16 =	sadd.s32 s10, s2;
	s9 =	sadd.s32 $0x40200, s7  }
0x10: {  	s10 =	sor.u32 $0x1C05, s26;
	s14 =	sadd.s32 s14, s12;
	s29 =	sadd.s32 $0x68200, s7  }
0x11: {  	s7 =	sadd.s32 $0x90200, s7;
	s24 =	simm.s32 $0x1;
	s25 =	simm.s32 $0x2  }
0x12: {  	s26 =	simm.s32 $0x4;
	s11 =	sshrl.u32 s11, $0x3;
	s15 =	sor.u32 $0x400, s14  }
.Ltmp0:
0x13: {  	[dreg:$0x9] =	wrdreg s29;
	s17 =	sadd.s32 $0x50400, s14;
	(pc) =	sbr.rel .LBB2_1-.Ltmp0, $4  }
0x14: {  	[dreg:$0xa] =	wrdreg s7;
	s16 =	sshrl.u32 s16, $0x3;
	s15 =	sshrl.u32 s15, $0x3  }
0x15: {  	s11 =	sadd.s32 s8, s11;
	s17 =	sshrl.u32 s17, $0x3;
	s30 =	sadd.s32 s15, s8  }
0x16: {  	s12 =	sadd.s32 $0xA000, s11;
	s31 =	sadd.s32 s17, s8;
	[dreg:$0x5] =	wrdreg s30  }
0x17: {  	s15 =	smax.u32 s0, $0x1;
	s17 =	simm.s32 $0x5;
	[dreg:$0x6] =	wrdreg s31  }
.LBB2_6:
0x18: {  	s1 =	sshrl.u32 s3, $0x3  }
0x19: {  	[hbm:s0], [sflag:s10] =	dma.local [spmem:s1], $0x500  }
0x1a: {  	_ =	swait.ge [sflag:s17], $0x500  }
0x1b: {  	[sflag:s17] =	ssyncset.done $0x0  }
0x1c: {  	[sflag:s17] =	ssyncadd.s32 $0xFFFFFB00  }
.LBB2_7:
0x1d: {  	s28 =	sadd.s32 $0x1, s28  }
0x1e: {  	p3 =	sne.s32 s28, s15  }
.Ltmp1:
0x1f: {  	_ = 	snop;
	(pc) =	sbr.rel @!p3 .LBB2_8-.Ltmp1, $1  }
0x20: {  	_ =	sdelay $0x3  }
.LBB2_1:
0x21: {  	[spmem:s16], [sflag:s10] =	dma.local [hbm:s9], $0x2800  }
0x22: {  	_ =	swait.ge [sflag:s17], $0x2800  }
0x23: {  	[sflag:s17] =	ssyncset.done $0x0  }
0x24: {  	s0 =	simm.s32 @!p1 $0x5;
	[sflag:s17] =	ssyncadd.s32 $0xFFFFD800  }
0x25: {  	[spmem:s18], [sflag:s10] =	dma.local @!p1 [hbm:s6], $0x500  }
0x26: {  	_ =	swait.ge @!p1 [sflag:s0], $0x500  }
0x27: {  	[sflag:s0] =	ssyncset.done @!p1 $0x0  }
0x28: {  	[sflag:s0] =	ssyncadd.s32 @!p1 $0xFFFFFB00  }
0x29: {  	s0 =	rddreg [dreg:$0x1]  }
0x2a: {  	[tilespmem:s19], [sflag:$0x5] =	stream.linear.gather [hbm4b:s0+s4], $0x80, $0x38;
	[tilespmem:$0x1D300] =	vst v63  }
0x2b: {  	_ =	swait.ge [sflag:s17], $0x80  }
0x2c: {  	[sflag:s17] =	ssyncset.done $0x0  }
0x2d: {  	[sflag:s17] =	ssyncadd.s32 $0xFFFFFF80  }
0x2e: {  	[bflag:$0x0] =	sbarrier.arrive $0xFFFF  }
0x2f: {  	[tilespmem:s4], [sflag:$0x5] =	stream.linear.gather [hbm4b:s11+s4], $0x400, $0x38;
	[tilespmem:$0x1D300] =	vst v63  }
0x30: {  	_ =	swait.ge [sflag:s17], $0x400  }
0x31: {  	[sflag:s17] =	ssyncset.done $0x0  }
0x32: {  	s1 =	simm.s32 $0x800;
	[sflag:s17] =	ssyncadd.s32 $0xFFFFFC00  }
0x33: {  	[tilespmem:s1], [sflag:$0x5] =	stream.linear.gather [hbm4b:s12+s4], $0x400, $0x38;
	[tilespmem:$0x1D300] =	vst v63  }
0x34: {  	_ =	swait.ge [sflag:s17], $0x400  }
0x35: {  	[sflag:s17] =	ssyncset.done $0x0  }
0x36: {  	[sflag:s17] =	ssyncadd.s32 $0xFFFFFC00  }
0x37: {  	[tilespmem:s22], [sflag:$0x1] =	stream.indirect.gather [hbm4b:s5+s21], $0x80, s4, s21, $0xb8;
	[tilespmem:$0x1D300] =	vst v63  }
0x38: {  	_ = 	snop  }
0x39: {  	[tilespmem:s23], [sflag:$0x2] =	stream.indirect.gather [hbm4b:s5+s21], $0x80, s21, s21, $0xb8;
	[tilespmem:$0x1D300] =	vst v63  }
0x3a: {  	_ =	swait.ge [sflag:s24], $0x4000  }
0x3b: {  	s1 =	sand.u32 $0x400, s4;
	[sflag:s24] =	ssyncset.done $0x0  }
0x3c: {  	s7 =	sor.u32 $0x800, s1;
	[sflag:s24] =	ssyncadd.s32 $0xFFFFC000  }
0x3d: {  	[spmem:s2] =	stream.indirect.scatter.add.f32 [tilespmem:s22], [sflag:$0x1], $0x80, s7, s21, $0xb8;
	[tilespmem:$0x1D300] =	vst v63  }
0x3e: {  	_ = 	snop  }
0x3f: {  	[spmem:s3] =	stream.indirect.scatter.add.f32 [tilespmem:s19], [sflag:$0x4], $0x1, s7, s21, $0xb8;
	[tilespmem:$0x1D300] =	vst v63  }
0x40: {  	_ =	swait.ge [sflag:s24], $0x4000  }
0x41: {  	[sflag:s24] =	ssyncset.done $0x0  }
0x42: {  	s8 =	sor.u32 $0x100, s1;
	[sflag:s24] =	ssyncadd.s32 $0xFFFFC000  }
0x43: {  	[tilespmem:s22], [sflag:$0x1] =	stream.indirect.gather [hbm4b:s5+s21], $0x80, s8, s21, $0xb8;
	[tilespmem:$0x1D300] =	vst v63  }
0x44: {  	_ =	swait.ge [sflag:s25], $0x4000  }
0x45: {  	[sflag:s25] =	ssyncset.done $0x0  }
0x46: {  	s13 =	sor.u32 $0x880, s1;
	[sflag:s25] =	ssyncadd.s32 $0xFFFFC000  }
0x47: {  	[spmem:s2] =	stream.indirect.scatter.add.f32 [tilespmem:s23], [sflag:$0x2], $0x80, s13, s21, $0xb8;
	[tilespmem:$0x1D300] =	vst v63  }
0x48: {  	_ = 	snop  }
0x49: {  	[spmem:s3] =	stream.indirect.scatter.add.f32 [tilespmem:s19], [sflag:$0x4], $0x1, s13, s21, $0xb8;
	[tilespmem:$0x1D300] =	vst v63  }
0x4a: {  	_ =	swait.ge [sflag:s25], $0x4000  }
0x4b: {  	[sflag:s25] =	ssyncset.done $0x0  }
0x4c: {  	s7 =	sor.u32 $0x180, s1;
	[sflag:s25] =	ssyncadd.s32 $0xFFFFC000  }
0x4d: {  	[tilespmem:s23], [sflag:$0x2] =	stream.indirect.gather [hbm4b:s5+s21], $0x80, s7, s21, $0xb8;
	[tilespmem:$0x1D300] =	vst v63  }
0x4e: {  	_ =	swait.ge [sflag:s24], $0x4000  }
0x4f: {  	s29 =	sand.u32 $0x1, s24;
	[sflag:s24] =	ssyncset.done $0x0  }
0x50: {  	p3 =	por $0x0, $0x0;
	s14 =	sor.u32 $0x900, s1;
	[sflag:s24] =	ssyncadd.s32 $0xFFFFC000  }
0x51: {  	[spmem:s2] =	stream.indirect.scatter.add.f32 [tilespmem:s22], [sflag:$0x1], $0x80, s14, s21, $0xb8;
	[tilespmem:$0x1D300] =	vst v63  }
0x52: {  	s0 =	sshll.u32 @!p3 s29, $0xA;
	s8 =	rddreg [dreg:$0x5]  }
0x53: {  	[spmem:s3] =	stream.indirect.scatter.add.f32 [tilespmem:s19], [sflag:$0x4], $0x1, s14, s21, $0xb8;
	[tilespmem:$0x1D300] =	vst v63  }
0x54: {  	s29 =	simm.s32 @!p3 $0x0;
	s30 =	rddreg [dreg:$0x6];
	s8 =	sadd.s32 @!p3 $0x0, s8  }
0x55: {  	[tilespmem:s0], [sflag:$0x3] =	stream.linear.gather @!p3 [hbm4b:s8+s29], $0x400, $0x38;
	[tilespmem:$0x1D300] =	vst v63  }
0x56: {  	s30 =	sadd.s32 @!p3 $0x0, s30;
	s8 =	sor.u32 @!p3 $0x800, s0  }
0x57: {  	[tilespmem:s8], [sflag:$0x3] =	stream.linear.gather @!p3 [hbm4b:s30+s29], $0x400, $0x38;
	[tilespmem:$0x1D300] =	vst v63  }
0x58: {  	_ =	swait.ge [sflag:s24], $0x4000  }
0x59: {  	[sflag:s24] =	ssyncset.done $0x0  }
0x5a: {  	s20 =	sor.u32 $0x200, s1;
	[sflag:s24] =	ssyncadd.s32 $0xFFFFC000  }
0x5b: {  	[tilespmem:s22], [sflag:$0x1] =	stream.indirect.gather [hbm4b:s5+s21], $0x80, s20, s21, $0xb8;
	[tilespmem:$0x1D300] =	vst v63  }
0x5c: {  	_ =	swait.ge [sflag:s25], $0x4000  }
0x5d: {  	[sflag:s25] =	ssyncset.done $0x0  }
0x5e: {  	s7 =	sor.u32 $0x800, s7;
	[sflag:s25] =	ssyncadd.s32 $0xFFFFC000  }
0x5f: {  	[spmem:s2] =	stream.indirect.scatter.add.f32 [tilespmem:s23], [sflag:$0x2], $0x80, s7, s21, $0xb8;
	[tilespmem:$0x1D300] =	vst v63  }
0x60: {  	_ = 	snop  }
0x61: {  	[spmem:s3] =	stream.indirect.scatter.add.f32 [tilespmem:s19], [sflag:$0x4], $0x1, s7, s21, $0xb8;
	[tilespmem:$0x1D300] =	vst v63  }
0x62: {  	_ =	swait.ge [sflag:s25], $0x4000  }
0x63: {  	[sflag:s25] =	ssyncset.done $0x0  }
0x64: {  	s8 =	sor.u32 $0x280, s1;
	[sflag:s25] =	ssyncadd.s32 $0xFFFFC000  }
0x65: {  	[tilespmem:s23], [sflag:$0x2] =	stream.indirect.gather [hbm4b:s5+s21], $0x80, s8, s21, $0xb8;
	[tilespmem:$0x1D300] =	vst v63  }
0x66: {  	_ =	swait.ge [sflag:s24], $0x4000  }
0x67: {  	[sflag:s24] =	ssyncset.done $0x0  }
0x68: {  	s13 =	sor.u32 $0xA00, s1;
	[sflag:s24] =	ssyncadd.s32 $0xFFFFC000  }
0x69: {  	[spmem:s2] =	stream.indirect.scatter.add.f32 [tilespmem:s22], [sflag:$0x1], $0x80, s13, s21, $0xb8;
	[tilespmem:$0x1D300] =	vst v63  }
0x6a: {  	_ = 	snop  }
0x6b: {  	[spmem:s3] =	stream.indirect.scatter.add.f32 [tilespmem:s19], [sflag:$0x4], $0x1, s13, s21, $0xb8;
	[tilespmem:$0x1D300] =	vst v63  }
0x6c: {  	_ =	swait.ge [sflag:s24], $0x4000  }
0x6d: {  	[sflag:s24] =	ssyncset.done $0x0  }
0x6e: {  	s14 =	sor.u32 $0x300, s1;
	[sflag:s24] =	ssyncadd.s32 $0xFFFFC000  }
0x6f: {  	[tilespmem:s22], [sflag:$0x1] =	stream.indirect.gather [hbm4b:s5+s21], $0x80, s14, s21, $0xb8;
	[tilespmem:$0x1D300] =	vst v63  }
0x70: {  	_ =	swait.ge [sflag:s25], $0x4000  }
0x71: {  	[sflag:s25] =	ssyncset.done $0x0  }
0x72: {  	s20 =	sor.u32 $0xA80, s1;
	[sflag:s25] =	ssyncadd.s32 $0xFFFFC000  }
0x73: {  	[spmem:s2] =	stream.indirect.scatter.add.f32 [tilespmem:s23], [sflag:$0x2], $0x80, s20, s21, $0xb8;
	[tilespmem:$0x1D300] =	vst v63  }
0x74: {  	_ = 	snop  }
0x75: {  	[spmem:s3] =	stream.indirect.scatter.add.f32 [tilespmem:s19], [sflag:$0x4], $0x1, s20, s21, $0xb8;
	[tilespmem:$0x1D300] =	vst v63  }
0x76: {  	_ =	swait.ge [sflag:s25], $0x4000  }
0x77: {  	[sflag:s25] =	ssyncset.done $0x0  }
0x78: {  	s7 =	sor.u32 $0x380, s1;
	[sflag:s25] =	ssyncadd.s32 $0xFFFFC000  }
0x79: {  	[tilespmem:s23], [sflag:$0x2] =	stream.indirect.gather [hbm4b:s5+s21], $0x80, s7, s21, $0xb8;
	[tilespmem:$0x1D300] =	vst v63  }
0x7a: {  	_ =	swait.ge [sflag:s24], $0x4000  }
0x7b: {  	[sflag:s24] =	ssyncset.done $0x0  }
0x7c: {  	s1 =	sor.u32 $0xB00, s1;
	[sflag:s24] =	ssyncadd.s32 $0xFFFFC000  }
0x7d: {  	[spmem:s2] =	stream.indirect.scatter.add.f32 [tilespmem:s22], [sflag:$0x1], $0x80, s1, s21, $0xb8;
	[tilespmem:$0x1D300] =	vst v63  }
0x7e: {  	_ = 	snop  }
0x7f: {  	[spmem:s3] =	stream.indirect.scatter.add.f32 [tilespmem:s19], [sflag:$0x4], $0x1, s1, s21, $0xb8;
	[tilespmem:$0x1D300] =	vst v63  }
0x80: {  	_ =	swait.ge [sflag:s24], $0x4000  }
0x81: {  	[sflag:s24] =	ssyncset.done $0x0  }
0x82: {  	s1 =	simm.s32 @p3 $0x2;
	[sflag:s24] =	ssyncadd.s32 $0xFFFFC000  }
0x83: {  	_ =	swait.ge @p3 [sflag:s1], $0x4000  }
0x84: {  	s30 =	simm.s32 @p3 $0x80;
	[sflag:s1] =	ssyncset.done @p3 $0x0  }
0x85: {  	s29 =	sor.u32 @p3 $0x800, s7;
	s8 =	simm.s32 @p3 $0x5000;
	[sflag:s1] =	ssyncadd.s32 @p3 $0xFFFFC000  }
0x86: {  	[spmem:s2] =	stream.indirect.scatter.add.f32 @p3 [tilespmem:s8], [sflag:$0x2], $0x80, s29, s30, $0xb8;
	[tilespmem:$0x1D300] =	vst v63  }
0x87: {  	s8 =	simm.s32 @p3 $0x9000  }
0x88: {  	[spmem:s3] =	stream.indirect.scatter.add.f32 @p3 [tilespmem:s8], [sflag:$0x4], $0x1, s29, s30, $0xb8;
	[tilespmem:$0x1D300] =	vst v63  }
0x89: {  	_ =	swait.ge @p3 [sflag:s1], $0x4000  }
0x8a: {  	[sflag:s1] =	ssyncset.done @p3 $0x0  }
0x8b: {  	[sflag:s1] =	ssyncadd.s32 @p3 $0xFFFFC000;
	s1 =	simm.s32 @!p3 $0x3  }
0x8c: {  	_ =	swait.ge @!p3 [sflag:s1], $0x400  }
0x8d: {  	[sflag:s1] =	ssyncset.done @!p3 $0x0  }
0x8e: {  	[sflag:s1] =	ssyncadd.s32 @!p3 $0xFFFFFC00  }
0x8f: {  	_ =	swait.ge @!p3 [sflag:s1], $0x400  }
0x90: {  	s8 =	simm.s32 @!p3 $0x2;
	[sflag:s1] =	ssyncset.done @!p3 $0x0  }
0x91: {  	s29 =	simm.s32 @!p3 $0x1000;
	[sflag:s1] =	ssyncadd.s32 @!p3 $0xFFFFFC00;
	s1 =	simm.s32 @!p3 $0x80  }
0x92: {  	[tilespmem:s29], [sflag:$0x1] =	stream.indirect.gather @!p3 [hbm4b:s5+s1], $0x80, s0, s1, $0xb8;
	[tilespmem:$0x1D300] =	vst v63  }
0x93: {  	_ =	swait.ge @!p3 [sflag:s8], $0x4000  }
0x94: {  	[sflag:s8] =	ssyncset.done @!p3 $0x0  }
0x95: {  	s7 =	sor.u32 @!p3 $0x800, s7;
	s29 =	simm.s32 @!p3 $0x5000;
	[sflag:s8] =	ssyncadd.s32 @!p3 $0xFFFFC000  }
0x96: {  	[spmem:s2] =	stream.indirect.scatter.add.f32 @!p3 [tilespmem:s29], [sflag:$0x2], $0x80, s7, s1, $0xb8;
	[tilespmem:$0x1D300] =	vst v63  }
0x97: {  	s30 =	simm.s32 @!p3 $0x9000  }
0x98: {  	[spmem:s3] =	stream.indirect.scatter.add.f32 @!p3 [tilespmem:s30], [sflag:$0x4], $0x1, s7, s1, $0xb8;
	[tilespmem:$0x1D300] =	vst v63  }
0x99: {  	_ =	swait.ge @!p3 [sflag:s8], $0x4000  }
0x9a: {  	[sflag:s8] =	ssyncset.done @!p3 $0x0  }
0x9b: {  	s0 =	sor.u32 @!p3 $0x80, s0;
	[sflag:s8] =	ssyncadd.s32 @!p3 $0xFFFFC000  }
0x9c: {  	[tilespmem:s29], [sflag:$0x2] =	stream.indirect.gather @!p3 [hbm4b:s5+s1], $0x80, s0, s1, $0xb8;
	[tilespmem:$0x1D300] =	vst v63  }
0x9d: {  	_ =	swait.ge [sflag:s26], $0x80  }
0x9e: {  	[sflag:s26] =	ssyncset.done $0x0  }
0x9f: {  	[sflag:s26] =	ssyncadd.s32 $0xFFFFFF80  }
0xa0: {  	_ =	swait.ge [sflag:s26], $0x80  }
0xa1: {  	[sflag:s26] =	ssyncset.done $0x0  }
0xa2: {  	[sflag:s26] =	ssyncadd.s32 $0xFFFFFF80  }
0xa3: {  	_ =	swait.ge [sflag:s26], $0x80  }
0xa4: {  	[sflag:s26] =	ssyncset.done $0x0  }
0xa5: {  	[sflag:s26] =	ssyncadd.s32 $0xFFFFFF80  }
0xa6: {  	_ =	swait.ge [sflag:s26], $0x80  }
0xa7: {  	[sflag:s26] =	ssyncset.done $0x0  }
0xa8: {  	[sflag:s26] =	ssyncadd.s32 $0xFFFFFF80  }
0xa9: {  	_ =	swait.ge [sflag:s26], $0x80  }
0xaa: {  	[sflag:s26] =	ssyncset.done $0x0  }
0xab: {  	[sflag:s26] =	ssyncadd.s32 $0xFFFFFF80  }
0xac: {  	_ =	swait.ge [sflag:s26], $0x80  }
0xad: {  	[sflag:s26] =	ssyncset.done $0x0  }
0xae: {  	[sflag:s26] =	ssyncadd.s32 $0xFFFFFF80  }
0xaf: {  	_ =	swait.ge [sflag:s26], $0x80  }
0xb0: {  	[sflag:s26] =	ssyncset.done $0x0  }
0xb1: {  	[sflag:s26] =	ssyncadd.s32 $0xFFFFFF80  }
0xb2: {  	s31 =	simm.s32 $0x1;
	_ =	swait.ge [sflag:s26], $0x80  }
0xb3: {  	s30 =	simm.s32 $0x400;
	s29 =	simm.s32 $0x80;
	[sflag:s26] =	ssyncset.done $0x0  }
.LBB2_2:
0xb4: {  	[sflag:s26] =	ssyncadd.s32 $0xFFFFFF80  }
0xb5: {  	_ =	swait.ge [sflag:s24], $0x4000  }
0xb6: {  	s1 =	sand.u32 $0x400, s30;
	[sflag:s24] =	ssyncset.done $0x0  }
0xb7: {  	s7 =	sor.u32 $0x800, s1;
	[sflag:s24] =	ssyncadd.s32 $0xFFFFC000  }
0xb8: {  	[spmem:s2] =	stream.indirect.scatter.add.f32 [tilespmem:s22], [sflag:$0x1], $0x80, s7, s21, $0xb8;
	[tilespmem:$0x1D300] =	vst v63  }
0xb9: {  	_ = 	snop  }
0xba: {  	[spmem:s3] =	stream.indirect.scatter.add.f32 [tilespmem:s19], [sflag:$0x4], $0x1, s7, s21, $0xb8;
	[tilespmem:$0x1D300] =	vst v63  }
0xbb: {  	_ =	swait.ge [sflag:s24], $0x4000  }
0xbc: {  	[sflag:s24] =	ssyncset.done $0x0  }
0xbd: {  	s8 =	sor.u32 $0x100, s1;
	[sflag:s24] =	ssyncadd.s32 $0xFFFFC000  }
0xbe: {  	[tilespmem:s22], [sflag:$0x1] =	stream.indirect.gather [hbm4b:s5+s21], $0x80, s8, s21, $0xb8;
	[tilespmem:$0x1D300] =	vst v63  }
0xbf: {  	_ =	swait.ge [sflag:s25], $0x4000  }
0xc0: {  	[sflag:s25] =	ssyncset.done $0x0  }
0xc1: {  	s13 =	sor.u32 $0x880, s1;
	[sflag:s25] =	ssyncadd.s32 $0xFFFFC000  }
0xc2: {  	[spmem:s2] =	stream.indirect.scatter.add.f32 [tilespmem:s23], [sflag:$0x2], $0x80, s13, s21, $0xb8;
	[tilespmem:$0x1D300] =	vst v63  }
0xc3: {  	_ = 	snop  }
0xc4: {  	[spmem:s3] =	stream.indirect.scatter.add.f32 [tilespmem:s19], [sflag:$0x4], $0x1, s13, s21, $0xb8;
	[tilespmem:$0x1D300] =	vst v63  }
0xc5: {  	_ =	swait.ge [sflag:s25], $0x4000  }
0xc6: {  	[sflag:s25] =	ssyncset.done $0x0  }
0xc7: {  	s8 =	sor.u32 $0x180, s1;
	[sflag:s25] =	ssyncadd.s32 $0xFFFFC000  }
0xc8: {  	[tilespmem:s23], [sflag:$0x2] =	stream.indirect.gather [hbm4b:s5+s21], $0x80, s8, s21, $0xb8;
	[tilespmem:$0x1D300] =	vst v63  }
0xc9: {  	_ =	swait.ge [sflag:s24], $0x4000  }
0xca: {  	s31 =	sadd.s32 $0x1, s31;
	s0 =	smov.u32 s29;
	[sflag:s24] =	ssyncset.done $0x0  }
0xcb: {  	s7 =	sor.u32 $0x900, s1;
	s20 =	rddreg [dreg:$0x5];
	[sflag:s24] =	ssyncadd.s32 $0xFFFFC000  }
0xcc: {  	[spmem:s2] =	stream.indirect.scatter.add.f32 [tilespmem:s22], [sflag:$0x1], $0x80, s7, s21, $0xb8;
	[tilespmem:$0x1D300] =	vst v63  }
0xcd: {  	p4 =	seq.s32 s0, $0x480;
	s13 =	sand.u32 $0x1, s31;
	s14 =	rddreg [dreg:$0x6]  }
0xce: {  	[spmem:s3] =	stream.indirect.scatter.add.f32 [tilespmem:s19], [sflag:$0x4], $0x1, s7, s21, $0xb8;
	[tilespmem:$0x1D300] =	vst v63  }
0xcf: {  	s7 =	sshll.u32 @!p4 s13, $0xA;
	s13 =	sadd.s32 @!p4 s0, s20;
	s20 =	simm.s32 @!p4 $0x0  }
0xd0: {  	[tilespmem:s7], [sflag:$0x3] =	stream.linear.gather @!p4 [hbm4b:s13+s20], $0x400, $0x38;
	[tilespmem:$0x1D300] =	vst v63  }
0xd1: {  	s14 =	sadd.s32 @!p4 s0, s14;
	s13 =	sor.u32 @!p4 $0x800, s7  }
0xd2: {  	[tilespmem:s13], [sflag:$0x3] =	stream.linear.gather @!p4 [hbm4b:s14+s20], $0x400, $0x38;
	[tilespmem:$0x1D300] =	vst v63  }
0xd3: {  	_ =	swait.ge [sflag:s24], $0x4000  }
0xd4: {  	[sflag:s24] =	ssyncset.done $0x0  }
0xd5: {  	s14 =	sor.u32 $0x200, s1;
	[sflag:s24] =	ssyncadd.s32 $0xFFFFC000  }
0xd6: {  	[tilespmem:s22], [sflag:$0x1] =	stream.indirect.gather [hbm4b:s5+s21], $0x80, s14, s21, $0xb8;
	[tilespmem:$0x1D300] =	vst v63  }
0xd7: {  	_ =	swait.ge [sflag:s25], $0x4000  }
0xd8: {  	[sflag:s25] =	ssyncset.done $0x0  }
0xd9: {  	s8 =	sor.u32 $0x800, s8;
	[sflag:s25] =	ssyncadd.s32 $0xFFFFC000  }
0xda: {  	[spmem:s2] =	stream.indirect.scatter.add.f32 [tilespmem:s23], [sflag:$0x2], $0x80, s8, s21, $0xb8;
	[tilespmem:$0x1D300] =	vst v63  }
0xdb: {  	_ = 	snop  }
0xdc: {  	[spmem:s3] =	stream.indirect.scatter.add.f32 [tilespmem:s19], [sflag:$0x4], $0x1, s8, s21, $0xb8;
	[tilespmem:$0x1D300] =	vst v63  }
0xdd: {  	_ =	swait.ge [sflag:s25], $0x4000  }
0xde: {  	[sflag:s25] =	ssyncset.done $0x0  }
0xdf: {  	s20 =	sor.u32 $0x280, s1;
	[sflag:s25] =	ssyncadd.s32 $0xFFFFC000  }
0xe0: {  	[tilespmem:s23], [sflag:$0x2] =	stream.indirect.gather [hbm4b:s5+s21], $0x80, s20, s21, $0xb8;
	[tilespmem:$0x1D300] =	vst v63  }
0xe1: {  	_ =	swait.ge [sflag:s24], $0x4000  }
0xe2: {  	[sflag:s24] =	ssyncset.done $0x0  }
0xe3: {  	s13 =	sor.u32 $0xA00, s1;
	[sflag:s24] =	ssyncadd.s32 $0xFFFFC000  }
0xe4: {  	[spmem:s2] =	stream.indirect.scatter.add.f32 [tilespmem:s22], [sflag:$0x1], $0x80, s13, s21, $0xb8;
	[tilespmem:$0x1D300] =	vst v63  }
0xe5: {  	_ = 	snop  }
0xe6: {  	[spmem:s3] =	stream.indirect.scatter.add.f32 [tilespmem:s19], [sflag:$0x4], $0x1, s13, s21, $0xb8;
	[tilespmem:$0x1D300] =	vst v63  }
0xe7: {  	_ =	swait.ge [sflag:s24], $0x4000  }
0xe8: {  	[sflag:s24] =	ssyncset.done $0x0  }
0xe9: {  	s14 =	sor.u32 $0x300, s1;
	[sflag:s24] =	ssyncadd.s32 $0xFFFFC000  }
0xea: {  	[tilespmem:s22], [sflag:$0x1] =	stream.indirect.gather [hbm4b:s5+s21], $0x80, s14, s21, $0xb8;
	[tilespmem:$0x1D300] =	vst v63  }
0xeb: {  	_ =	swait.ge [sflag:s25], $0x4000  }
0xec: {  	[sflag:s25] =	ssyncset.done $0x0  }
0xed: {  	s20 =	sor.u32 $0xA80, s1;
	[sflag:s25] =	ssyncadd.s32 $0xFFFFC000  }
0xee: {  	[spmem:s2] =	stream.indirect.scatter.add.f32 [tilespmem:s23], [sflag:$0x2], $0x80, s20, s21, $0xb8;
	[tilespmem:$0x1D300] =	vst v63  }
0xef: {  	_ = 	snop  }
0xf0: {  	[spmem:s3] =	stream.indirect.scatter.add.f32 [tilespmem:s19], [sflag:$0x4], $0x1, s20, s21, $0xb8;
	[tilespmem:$0x1D300] =	vst v63  }
0xf1: {  	_ =	swait.ge [sflag:s25], $0x4000  }
0xf2: {  	[sflag:s25] =	ssyncset.done $0x0  }
0xf3: {  	s8 =	sor.u32 $0x380, s1;
	[sflag:s25] =	ssyncadd.s32 $0xFFFFC000  }
0xf4: {  	[tilespmem:s23], [sflag:$0x2] =	stream.indirect.gather [hbm4b:s5+s21], $0x80, s8, s21, $0xb8;
	[tilespmem:$0x1D300] =	vst v63  }
0xf5: {  	_ =	swait.ge [sflag:s24], $0x4000  }
0xf6: {  	[sflag:s24] =	ssyncset.done $0x0  }
0xf7: {  	s1 =	sor.u32 $0xB00, s1;
	[sflag:s24] =	ssyncadd.s32 $0xFFFFC000  }
0xf8: {  	[spmem:s2] =	stream.indirect.scatter.add.f32 [tilespmem:s22], [sflag:$0x1], $0x80, s1, s21, $0xb8;
	[tilespmem:$0x1D300] =	vst v63  }
0xf9: {  	_ = 	snop  }
0xfa: {  	[spmem:s3] =	stream.indirect.scatter.add.f32 [tilespmem:s19], [sflag:$0x4], $0x1, s1, s21, $0xb8;
	[tilespmem:$0x1D300] =	vst v63  }
0xfb: {  	_ =	swait.ge [sflag:s24], $0x4000  }
0xfc: {  	[sflag:s24] =	ssyncset.done $0x0  }
0xfd: {  	s1 =	simm.s32 @p4 $0x2;
	[sflag:s24] =	ssyncadd.s32 $0xFFFFC000  }
0xfe: {  	_ =	swait.ge @p4 [sflag:s1], $0x4000  }
0xff: {  	s13 =	simm.s32 @p4 $0x5000;
	[sflag:s1] =	ssyncset.done @p4 $0x0  }
0x100: {  	s14 =	sor.u32 @p4 $0x800, s8;
	s20 =	simm.s32 @p4 $0x80;
	[sflag:s1] =	ssyncadd.s32 @p4 $0xFFFFC000  }
0x101: {  	[spmem:s2] =	stream.indirect.scatter.add.f32 @p4 [tilespmem:s13], [sflag:$0x2], $0x80, s14, s20, $0xb8;
	[tilespmem:$0x1D300] =	vst v63  }
0x102: {  	s13 =	simm.s32 @p4 $0x9000  }
0x103: {  	[spmem:s3] =	stream.indirect.scatter.add.f32 @p4 [tilespmem:s13], [sflag:$0x4], $0x1, s14, s20, $0xb8;
	[tilespmem:$0x1D300] =	vst v63  }
0x104: {  	_ =	swait.ge @p4 [sflag:s1], $0x4000  }
0x105: {  	[sflag:s1] =	ssyncset.done @p4 $0x0  }
0x106: {  	[sflag:s1] =	ssyncadd.s32 @p4 $0xFFFFC000;
	s1 =	simm.s32 @!p4 $0x3  }
0x107: {  	_ =	swait.ge @!p4 [sflag:s1], $0x400  }
0x108: {  	[sflag:s1] =	ssyncset.done @!p4 $0x0  }
0x109: {  	[sflag:s1] =	ssyncadd.s32 @!p4 $0xFFFFFC00  }
0x10a: {  	_ =	swait.ge @!p4 [sflag:s1], $0x400  }
0x10b: {  	s13 =	simm.s32 @!p4 $0x2;
	[sflag:s1] =	ssyncset.done @!p4 $0x0  }
0x10c: {  	s14 =	simm.s32 @!p4 $0x1000;
	[sflag:s1] =	ssyncadd.s32 @!p4 $0xFFFFFC00;
	s1 =	simm.s32 @!p4 $0x80  }
0x10d: {  	[tilespmem:s14], [sflag:$0x1] =	stream.indirect.gather @!p4 [hbm4b:s5+s1], $0x80, s7, s1, $0xb8;
	[tilespmem:$0x1D300] =	vst v63  }
0x10e: {  	_ =	swait.ge @!p4 [sflag:s13], $0x4000  }
0x10f: {  	s0 =	sor.u32 @!p4 $0x80, s7;
	[sflag:s13] =	ssyncset.done @!p4 $0x0  }
0x110: {  	s7 =	sor.u32 @!p4 $0x800, s8;
	s8 =	simm.s32 @!p4 $0x5000;
	[sflag:s13] =	ssyncadd.s32 @!p4 $0xFFFFC000  }
0x111: {  	[spmem:s2] =	stream.indirect.scatter.add.f32 @!p4 [tilespmem:s8], [sflag:$0x2], $0x80, s7, s1, $0xb8;
	[tilespmem:$0x1D300] =	vst v63  }
0x112: {  	s14 =	simm.s32 @!p4 $0x9000  }
0x113: {  	[spmem:s3] =	stream.indirect.scatter.add.f32 @!p4 [tilespmem:s14], [sflag:$0x4], $0x1, s7, s1, $0xb8;
	[tilespmem:$0x1D300] =	vst v63  }
0x114: {  	_ =	swait.ge @!p4 [sflag:s13], $0x4000  }
0x115: {  	[sflag:s13] =	ssyncset.done @!p4 $0x0  }
0x116: {  	[sflag:s13] =	ssyncadd.s32 @!p4 $0xFFFFC000  }
0x117: {  	[tilespmem:s8], [sflag:$0x2] =	stream.indirect.gather @!p4 [hbm4b:s5+s1], $0x80, s0, s1, $0xb8;
	[tilespmem:$0x1D300] =	vst v63  }
0x118: {  	_ =	swait.ge [sflag:s26], $0x80  }
0x119: {  	[sflag:s26] =	ssyncset.done $0x0  }
0x11a: {  	[sflag:s26] =	ssyncadd.s32 $0xFFFFFF80  }
0x11b: {  	_ =	swait.ge [sflag:s26], $0x80  }
0x11c: {  	[sflag:s26] =	ssyncset.done $0x0  }
0x11d: {  	[sflag:s26] =	ssyncadd.s32 $0xFFFFFF80  }
0x11e: {  	_ =	swait.ge [sflag:s26], $0x80  }
0x11f: {  	[sflag:s26] =	ssyncset.done $0x0  }
0x120: {  	[sflag:s26] =	ssyncadd.s32 $0xFFFFFF80  }
0x121: {  	_ =	swait.ge [sflag:s26], $0x80  }
0x122: {  	[sflag:s26] =	ssyncset.done $0x0  }
0x123: {  	[sflag:s26] =	ssyncadd.s32 $0xFFFFFF80  }
0x124: {  	_ =	swait.ge [sflag:s26], $0x80  }
0x125: {  	[sflag:s26] =	ssyncset.done $0x0  }
0x126: {  	[sflag:s26] =	ssyncadd.s32 $0xFFFFFF80  }
0x127: {  	_ =	swait.ge [sflag:s26], $0x80  }
0x128: {  	s29 =	sadd.s32 $0x80, s29;
	[sflag:s26] =	ssyncset.done $0x0  }
0x129: {  	p3 =	sne.s32 s29, $0x500;
	[sflag:s26] =	ssyncadd.s32 $0xFFFFFF80  }
.Ltmp2:
0x12a: {  	_ =	swait.ge [sflag:s26], $0x80;
	(pc) =	sbr.rel @p3 .LBB2_2-.Ltmp2, $4  }
0x12b: {  	[sflag:s26] =	ssyncset.done $0x0  }
0x12c: {  	[sflag:s26] =	ssyncadd.s32 $0xFFFFFF80  }
0x12d: {  	_ =	swait.ge [sflag:s26], $0x80  }
0x12e: {  	s30 =	sadd.s32 $0x400, s30;
	[sflag:s26] =	ssyncset.done $0x0  }
.Ltmp3:
0x12f: {  	(pc) =	sbr.rel @!p0 .LBB2_4-.Ltmp3, $3  }
0x130: {  	_ = 	snop  }
0x131: {  	[sflag:s26] =	ssyncadd.s32 $0xFFFFFF80  }
0x132: {  	[bflag:$0x0] =	sbarrier.arrive $0xFFFF;
	_ =	sdelay $0x1  }
0x133: {  	s0 =	rddreg [dreg:$0xa]  }
0x134: {  	[hbm:s0], [sflag:s10] =	dma.local [spmem:s16], $0x2800  }
.Ltmp4:
0x135: {  	_ = 	snop;
	(pc) =	sbr.rel @p1 .LBB2_7-.Ltmp4, $4  }
.Ltmp5:
0x136: {  	_ = 	snop;
	(pc) =	sbr.rel @!p1 .LBB2_6-.Ltmp5, $4  }
0x137: {  	_ =	swait.ge [sflag:s17], $0x2800  }
0x138: {  	[sflag:s17] =	ssyncset.done $0x0  }
0x139: {  	s0 =	rddreg [dreg:$0x8];
	[sflag:s17] =	ssyncadd.s32 $0xFFFFD800  }
0x13a: {  	_ = 	snop  }
.LBB2_4:
0x13b: {  	s0 =	rddreg [dreg:$0x9]  }
0x13c: {  	[hbm:s0], [sflag:s10] =	dma.local [spmem:s16], $0x2800  }
.Ltmp6:
0x13d: {  	_ = 	snop;
	(pc) =	sbr.rel @!p2 .LBB2_7-.Ltmp6, $4  }
.Ltmp7:
0x13e: {  	_ = 	snop;
	(pc) =	sbr.rel @p2 .LBB2_6-.Ltmp7, $4  }
0x13f: {  	_ =	swait.ge [sflag:s17], $0x2800  }
0x140: {  	[sflag:s17] =	ssyncset.done $0x0  }
0x141: {  	s0 =	rddreg [dreg:$0x7];
	[sflag:s17] =	ssyncadd.s32 $0xFFFFD800  }
0x142: {  	_ = 	snop  }
.LBB2_8:
0x143: {  	_ =	sfence.sel $0x180000  }
0x144: {  	[bflag:$0x0] =	sbarrier.arrive $0xFFFF  }
0x145: {  	_ =	strace $0x90000047  }
0x146: {  	[bflag:$0x2] =	sbarrier.arrive $0xFFFF  }
0x147: {  	s0 =	rddreg [dreg:$0x4]  }
0x148: {  	s0 =	sadd.s32 @!p1 $0x100000, s0  }
0x149: {  	[sflag:s0] =	ssyncadd.tile.s32 @!p1 $0x1;
	_ =	shalt  }
.Lfunc_end2:
_tile_overlayer_lowered:
.L_overlay_start_2:
0x14a: {  	(tag) =	ssettag $0x2  }
0x14b: {  	s0 =	rddreg [dreg:$0x0];
	s2 =	stileid.u32  }
0x14c: {  	s1 =	rddreg [dreg:$0x1];
	p0 =	sne.s32 s2, $0x0  }
0x14d: {  	s3 =	rddreg [dreg:$0x2];
	[bflag:$0x3] =	sbarrier.arrive $0xFFFF;
	s2 =	simm.s32 @!p0 $0x1C05  }
0x14e: {  	[timem:s3], [sflag:s2] =	dma.local @!p0 [hbm:s0], s1  }
0x14f: {  	s0 =	simm.s32 @!p0 $0x5  }
0x150: {  	_ =	swait.ge @!p0 [sflag:s0], s1  }
0x151: {  	s1 =	ssub.s32 @!p0 $0x0, s1;
	[sflag:s0] =	ssyncset.done @!p0 $0x0  }
0x152: {  	[sflag:s0] =	ssyncadd.s32 @!p0 s1  }
0x153: {  	[bflag:$0x3] =	sbarrier.arrive $0xFFFF  }
0x154: {  	_ =	shalt  }

// kernel: kernel.9.cloned.1.call-start
scs
__scs_entry_jumppad:
0x0: {  	(pc) =	sbr.rel $0x88, $3  }
0x1: {  	(tag) =	ssettag $0x0;
	lr =	simm.s32 $0x1  }
0x2: {  	[smem:$0x3F97] =	sst lr;
	_ =	strace $0xD0000000  }
0x3: {  	_ = 	snop  }
0x4: {  	_ = 	snop  }
0x5: {  	_ = 	snop  }
0x6: {  	_ = 	snop  }
0x7: {  	_ = 	snop  }
__scs_overlays_trampoline_lowered:
0x8: {  	[smem:$0x3FA6] =	sst s0  }
0x9: {  	[smem:$0x3FA7] =	sst s1  }
0xa: {  	[smem:$0x3FA8] =	sst s2  }
0xb: {  	[smem:$0x3FA9] =	sst s3  }
0xc: {  	[smem:$0x3FAA] =	sst s4  }
0xd: {  	[smem:$0x3FAB] =	sst s5  }
0xe: {  	[smem:$0x3FAC] =	sst s6  }
0xf: {  	[smem:$0x3FAD] =	sst s7  }
0x10: {  	[smem:$0x3FAE] =	sst s8  }
0x11: {  	[smem:$0x3FAF] =	sst s9;
	s0 =	simm.s32 @!p0 $0x0  }
0x12: {  	s1 =	sld [smem:$0x3F95];
	s0 =	simm.s32 @p0 $0x1  }
0x13: {  	[smem:$0x3FB0] =	sst s0;
	s0 =	simm.s32 @!p1 $0x0  }
0x14: {  	s2 =	sld [smem:$0x3F94];
	s0 =	simm.s32 @p1 $0x1  }
0x15: {  	[smem:$0x3FB1] =	sst s0;
	s0 =	simm.s32 @!p2 $0x0  }
0x16: {  	s3 =	sld [smem:$0x3FDB];
	s0 =	simm.s32 @p2 $0x1  }
0x17: {  	s4 =	simm.s32 $0x1BF5;
	[smem:$0x3FB3] =	sst s0  }
0x18: {  	s0 =	sld [smem:$0x3F96];
	_ =	swait.ge [sflag:s4], $0x0  }
0x19: {  	s7 =	sld [smem:$0x3F97]  }
0x1a: {  	s8 =	sadd.s32 $0xFFFFE003, lr  }
0x1b: {  	s9 =	sadd.s32 $0xFFFFFEF7, lr;
	s5 =	simm.s32 $0xFFFFFFFF;
	p2 =	slt.u32 s8, $0xFFFFF086  }
0x1c: {  	p1 =	slt.u32 s9, $0xF7A;
	s5 =	simm.s32 @!p2 $0x0  }
0x1d: {  	s5 =	simm.s32 @p1 $0x1;
	p0 =	seq.s32 s7, s2  }
0x1e: {  	s7 =	smul.u32 @!p0 $0xF7A, s2;
	p2 =	seq.s32 @!p0 s5, $0x0  }
0x1f: {  	s9 =	smul.u32 $0xF7A, s1;
	s8 =	simm.s32 @!p0 $0x1BF5;
	p2 =	por !p2, p0  }
0x20: {  	[sflag:s8] =	ssyncset.s32 @!p0 $0xFFFFF086;
	s6 =	sadd.s32 @!p0 s3, s7;
	s7 =	simm.s32 @!p0 $0x108  }
0x21: {  	s3 =	sadd.s32 s3, s9;
	s6 =	sadd.s32 @!p0 $0x88, s6;
	s7 =	simm.s32 @p2 $0x1082  }
0x22: {  	[simem:s7], [sflag:s8] =	dma.local @!p0 [hbm:s6], $0xF7A  }
0x23: {  	s9 =	sor.u32 $0xD0000000, s2;
	s6 =	simm.s32 $0x108;
	_ =	swait.ge @!p0 [sflag:s8], $0x0  }
0x24: {  	s3 =	sadd.s32 $0x88, s3;
	s6 =	simm.s32 @!p1 $0x1082;
	[sflag:s4] =	ssyncset.s32 $0xFFFFF086  }
0x25: {  	[simem:s6], [sflag:s4] =	dma.local [hbm:s3], $0xF7A  }
0x26: {  	[smem:$0x3F97] =	sst s1;
	(tag) =	ssettag s2;
	_ =	strace s9  }
0x27: {  	s1 =	sld [smem:$0x3FA7]  }
0x28: {  	s2 =	sld [smem:$0x3FA8]  }
0x29: {  	s4 =	sld [smem:$0x3FAA]  }
0x2a: {  	p0 =	seq.s32 s5, $0x0;
	s5 =	sld [smem:$0x3FAB]  }
0x2b: {  	s6 =	sld [smem:$0x3FAC]  }
0x2c: {  	s7 =	sld [smem:$0x3FAD]  }
0x2d: {  	s3 =	simm.s32 $0x108;
	s8 =	sld [smem:$0x3FAE]  }
0x2e: {  	s3 =	simm.s32 @!p0 $0x1082;
	s9 =	sld [smem:$0x3FAF]  }
0x2f: {  	lr =	sadd.s32 s0, s3;
	s0 =	sld [smem:$0x3FA6]  }
0x30: {  	s3 =	sld [smem:$0x3FA9]  }
0x31: {  	[smem:$0x3FB2] =	sst s10  }
0x32: {  	s10 =	sld [smem:$0x3FB0];
	_ =	sdelay $0x3  }
0x33: {  	p0 =	seq.s32 s10, $0x1;
	s10 =	sld [smem:$0x3FB2];
	_ =	sdelay $0x3  }
0x34: {  	[smem:$0x3FB2] =	sst s10  }
0x35: {  	s10 =	sld [smem:$0x3FB1];
	_ =	sdelay $0x3  }
0x36: {  	p1 =	seq.s32 s10, $0x1;
	s10 =	sld [smem:$0x3FB2];
	_ =	sdelay $0x3  }
0x37: {  	[smem:$0x3FB2] =	sst s10  }
0x38: {  	s10 =	sld [smem:$0x3FB3]  }
0x39: {  	_ = 	snop;
	(pc) =	sbr.ind lr, $3  }
0x3a: {  	_ = 	snop  }
0x3b: {  	_ = 	snop  }
0x3c: {  	p2 =	seq.s32 s10, $0x1;
	s10 =	sld [smem:$0x3FB2]  }
0x3d: {  	_ =	shalt  }
0x3e: {  	_ =	shalt  }
0x3f: {  	_ =	shalt  }
0x40: {  	_ =	shalt  }
0x41: {  	_ =	shalt  }
0x42: {  	_ =	shalt  }
0x43: {  	_ =	shalt  }
0x44: {  	_ =	shalt  }
0x45: {  	_ =	shalt  }
0x46: {  	_ =	shalt  }
0x47: {  	_ =	shalt  }
0x48: {  	_ =	shalt  }
0x49: {  	_ =	shalt  }
0x4a: {  	_ =	shalt  }
0x4b: {  	_ =	shalt  }
0x4c: {  	_ =	shalt  }
0x4d: {  	_ =	shalt  }
0x4e: {  	_ =	shalt  }
0x4f: {  	_ =	shalt  }
0x50: {  	_ =	shalt  }
0x51: {  	_ =	shalt  }
0x52: {  	_ =	shalt  }
0x53: {  	_ =	shalt  }
0x54: {  	_ =	shalt  }
0x55: {  	_ =	shalt  }
0x56: {  	_ =	shalt  }
0x57: {  	_ =	shalt  }
0x58: {  	_ =	shalt  }
0x59: {  	_ =	shalt  }
0x5a: {  	_ =	shalt  }
0x5b: {  	_ =	shalt  }
0x5c: {  	_ =	shalt  }
0x5d: {  	_ =	shalt  }
0x5e: {  	_ =	shalt  }
0x5f: {  	_ =	shalt  }
0x60: {  	_ =	shalt  }
0x61: {  	_ =	shalt  }
0x62: {  	_ =	shalt  }
0x63: {  	_ =	shalt  }
0x64: {  	_ =	shalt  }
0x65: {  	_ =	shalt  }
0x66: {  	_ =	shalt  }
0x67: {  	_ =	shalt  }
0x68: {  	_ =	shalt  }
0x69: {  	_ =	shalt  }
0x6a: {  	_ =	shalt  }
0x6b: {  	_ =	shalt  }
0x6c: {  	_ =	shalt  }
0x6d: {  	_ =	shalt  }
0x6e: {  	_ =	shalt  }
0x6f: {  	_ =	shalt  }
0x70: {  	_ =	shalt  }
0x71: {  	_ =	shalt  }
0x72: {  	_ =	shalt  }
0x73: {  	_ =	shalt  }
0x74: {  	_ =	shalt  }
0x75: {  	_ =	shalt  }
0x76: {  	_ =	shalt  }
0x77: {  	_ =	shalt  }
0x78: {  	_ =	shalt  }
0x79: {  	_ =	shalt  }
0x7a: {  	_ =	shalt  }
0x7b: {  	_ =	shalt  }
0x7c: {  	_ =	shalt  }
0x7d: {  	_ =	shalt  }
0x7e: {  	_ =	shalt  }
0x7f: {  	_ =	shalt  }
0x80: {  	_ =	shalt  }
0x81: {  	_ =	shalt  }
0x82: {  	_ =	shalt  }
0x83: {  	_ =	shalt  }
0x84: {  	_ =	shalt  }
0x85: {  	_ =	shalt  }
0x86: {  	_ =	shalt  }
0x87: {  	_ =	shalt  }
.Lfunc_end0:
.L_simem_size_0:
called_computation.1_lowered:
.L_overlay_start_0:
0x88: {  	s2 =	sld [smem:$0x3FD9]  }
0x89: {  	s3 =	sld [smem:$0x3FFE];
	_ =	sdelay $0x1  }
0x8a: {  	s1 =	srdreg.scid  }
0x8b: {  	s0 =	sand.u32 $0x1, s1  }
0x8c: {  	s17 =	sshll.u32 s0, $0xA;
	s2 =	sadd.s32 s3, s2  }
0x8d: {  	s2 =	sadd.s32 s2, s17  }
0x8e: {  	[smem:$0x3FBE] =	sst s2  }
0x8f: {  	_ = 	snop  }
0x90: {  	s2 =	sld [smem:$0x3FD0];
	(tm) =	ssettm $0x1  }
0x91: {  	s18 =	sld [smem:$0x3FFB];
	_ =	sdelay $0x3  }
0x92: {  	_ =	strace s18  }
0x93: {  	s3 =	sld [smem:$0x3FFC];
	_ =	sdelay $0x3  }
0x94: {  	_ =	strace s3  }
0x95: {  	s3 =	sld [smem:$0x3FFD];
	_ =	sdelay $0x3  }
0x96: {  	_ =	strace s3  }
0x97: {  	_ =	strace $0x8FFFFFFF  }
0x98: {  	s19 =	sld [smem:$0x3FDB];
	_ =	sdelay $0x1  }
0x99: {  	s4 =	simm.s32 $_scs_section_size  }
0x9a: {  	s5 =	simm.s32 $_size__tile_overlayer_lowered;
	s6 =	simm.s32 $_tile_overlayer_lowered  }
0x9b: {  	s22 =	simm.s32 $0x1BFF;
	s21 =	sshll.u32 s6, $0x1;
	s3 =	sadd.s32 s4, s19  }
0x9c: {  	s7 =	simm.s32 $0x0;
	s20 =	sshll.u32 s5, $0x1;
	s5 =	sadd.s32 s21, s3  }
0x9d: {  	[timem:s7], [sflag:s22] =	dma.local [hbm:s5], s20  }
0x9e: {  	_ =	swait.ge [sflag:s22], s20  }
0x9f: {  	s4 =	ssub.s32 $0x0, s20;
	[sflag:s22] =	ssyncset.done $0x0  }
0xa0: {  	[sflag:s22] =	ssyncadd.s32 s4;
	_ =	sdelay $0x1  }
0xa1: {  	s23 =	simm.s32 $0x1B8B  }
0xa2: {  	_ =	swait.ge [sflag:s23], $0x1  }
0xa3: {  	[sflag:s23] =	ssyncset.done $0x0  }
0xa4: {  	s25 =	simm.s32 $0x1B8E;
	s24 =	sld [smem:$0x3FFE];
	[sflag:s23] =	ssyncadd.s32 $0xFFFFFFFF  }
0xa5: {  	s26 =	simm.s32 $execute0_lowered;
	[smem:$0x3FD2] =	sst s25  }
0xa6: {  	s5 =	sshll.u32 s26, $0x1;
	_ =	strace $0x80000049;
	[dreg:$0x1] =	wrdreg $0xFFFFFFFF  }
0xa7: {  	s28 =	simm.s32 $_size_execute0_lowered;
	s3 =	sadd.s32 s3, s5;
	[dreg:$0x0] =	wrdreg $0x0  }
0xa8: {  	s5 =	sshll.u32 s28, $0x1;
	[dreg:$0x2] =	wrdreg s3  }
0xa9: {  	[dreg:$0x3] =	wrdreg s5  }
0xaa: {  	[dreg:$0x4] =	wrdreg $0xC0  }
0xab: {  	_ =	task [dreg:s7], $0x5FFFF  }
0xac: {  	[dreg:$0x1] =	wrdreg $0xFFFFFFFF  }
0xad: {  	[dreg:$0x0] =	wrdreg $0x60  }
0xae: {  	[dreg:$0x2] =	wrdreg s24  }
0xaf: {  	[dreg:$0x3] =	wrdreg s2  }
0xb0: {  	[dreg:$0x4] =	wrdreg $0x90800  }
0xb1: {  	[dreg:$0x5] =	wrdreg $0x1D0800  }
0xb2: {  	[dreg:$0x6] =	wrdreg $0x9  }
0xb3: {  	_ =	task.clear_ibuf [dreg:s7], $0x7FFFF;
	_ =	strace $0x90000049  }
0xb4: {  	s29 =	simm.s32 $0x9;
	_ =	strace $0x8000004B  }
0xb5: {  	_ =	swait.ge [sflag:s29], $0x1  }
0xb6: {  	[sflag:s29] =	ssyncadd.s32 $0xFFFFFFFF  }
0xb7: {  	_ =	strace $0x9000004B  }
0xb8: {  	_ =	sfence  }
0xb9: {  	s30 =	sld [smem:$0x0];
	_ =	sdelay $0x2  }
0xba: {  	s31 =	sshll.u32 s1, $0xD;
	s1 =	sshrl.u32 s1, $0x2  }
0xbb: {  	s3 =	sand.u32 $0x4000, s31;
	s1 =	sadd.s32 s1, s30  }
0xbc: {  	s0 =	sor.u32 s3, s0;
	s1 =	sshll.u32 s1, $0x11  }
0xbd: {  	s0 =	sor.u32 s1, s0  }
0xbe: {  	s0 =	sadd.s32 $0x8F2B, s0  }
0xbf: {  	[sflag:s0] =	ssyncadd.remote.s32 $0x1  }
0xc0: {  	_ =	sfence.sel $0xFFFF  }
0xc1: {  	[dreg:$0x0] =	wrdreg $0xFFFFFFFF;
	(pc) =	sbr.abs _section_cstart, $3  }
0xc2: {  	[dreg:$0x1] =	wrdreg $0xFFFFFFFF  }
0xc3: {  	_ =	task.clear_ibuf [dreg:s7], $0x2FFFF;
	_ =	strace $0x9FFFFFFF  }
0xc4: {  	(tm) =	ssettm $0x7FFFFFFF  }
0xc5: {  	_ =	shalt  }
tec
execute0_lowered:
.L_overlay_start_1:
0x0: {  	(tag) =	ssettag $0x1  }
0x1: {  	s0 =	rddreg [dreg:$0x0]  }
0x2: {  	s2 =	rddreg [dreg:$0x2]  }
0x3: {  	s3 =	rddreg [dreg:$0x3];
	s4 =	simm.s32 $0x0  }
0x4: {  	s1 =	stileid.u32;
	s9 =	srdreg.scid;
	s19 =	simm.s32 $0x9000  }
0x5: {  	s21 =	simm.s32 $0x80;
	s28 =	simm.s32 $0x0;
	[smem:$0x7FF] =	sst s4  }
0x6: {  	s5 =	sadd.s32 $0x17C00, s0;
	s7 =	smul.u32 $0x2800, s1;
	s8 =	sadd.s32 $0x3C00, s0  }
0x7: {  	s6 =	sadd.s32 $0x3FC00, s0;
	s13 =	sand.u32 $0x1, s9;
	s23 =	smul.u32 $0x50000, s1  }
0x8: {  	s22 =	sshll.u32 s1, $0x1;
	s10 =	sadd.s32 $0x68200, s0;
	s12 =	smul.u32 $0x5000, s1  }
0x9: {  	s26 =	sshll.u32 s1, $0x6;
	p1 =	sne.s32 s1, $0x0;
	p2 =	seq.s32 s1, $0x0  }
0xa: {  	_ =	strace $0x8000004A;
	[dreg:$0x7] =	wrdreg s10;
	s9 =	sor.u32 s13, s22  }
0xb: {  	s24 =	ssub.s32 $0x2, s13;
	s14 =	smul.u32 $0x2800, s13;
	p0 =	seq.s32 s13, $0x1  }
0xc: {  	s18 =	sshrl.u32 @!p1 s3, $0x3;
	s22 =	simm.s32 $0x1000;
	s7 =	sadd.s32 s7, s0  }
0xd: {  	s0 =	sadd.s32 $0x68800, s0;
	s11 =	smul.u32 $0x2800, s9;
	s25 =	sshrl.u32 s24, $0x1  }
0xe: {  	s10 =	sshrl.u32 s23, $0x2;
	s23 =	simm.s32 $0x5000;
	[dreg:$0x8] =	wrdreg s0  }
0xf: {  	s0 =	ssub.s32 s24, s25;
	s16 =	sadd.s32 s10, s2;
	s9 =	sadd.s32 $0x40200, s7  }
0x10: {  	s10 =	sor.u32 $0x1C05, s26;
	s14 =	sadd.s32 s14, s12;
	s29 =	sadd.s32 $0x68E00, s7  }
0x11: {  	s7 =	sadd.s32 $0xB8E00, s7;
	s24 =	simm.s32 $0x1;
	s25 =	simm.s32 $0x2  }
0x12: {  	s26 =	simm.s32 $0x4;
	s11 =	sshrl.u32 s11, $0x3;
	s15 =	sor.u32 $0x400, s14  }
.Ltmp0:
0x13: {  	[dreg:$0x9] =	wrdreg s29;
	s17 =	sadd.s32 $0x50400, s14;
	(pc) =	sbr.rel .LBB2_1-.Ltmp0, $4  }
0x14: {  	[dreg:$0xa] =	wrdreg s7;
	s16 =	sshrl.u32 s16, $0x3;
	s15 =	sshrl.u32 s15, $0x3  }
0x15: {  	s11 =	sadd.s32 s8, s11;
	s17 =	sshrl.u32 s17, $0x3;
	s30 =	sadd.s32 s15, s8  }
0x16: {  	s12 =	sadd.s32 $0xA000, s11;
	s31 =	sadd.s32 s17, s8;
	[dreg:$0x5] =	wrdreg s30  }
0x17: {  	s15 =	smax.u32 s0, $0x1;
	s17 =	simm.s32 $0x5;
	[dreg:$0x6] =	wrdreg s31  }
.LBB2_6:
0x18: {  	s1 =	sshrl.u32 s3, $0x3  }
0x19: {  	[hbm:s0], [sflag:s10] =	dma.local [spmem:s1], $0x500  }
0x1a: {  	_ =	swait.ge [sflag:s17], $0x500  }
0x1b: {  	[sflag:s17] =	ssyncset.done $0x0  }
0x1c: {  	[sflag:s17] =	ssyncadd.s32 $0xFFFFFB00  }
.LBB2_7:
0x1d: {  	s28 =	sadd.s32 $0x1, s28  }
0x1e: {  	p3 =	sne.s32 s28, s15  }
.Ltmp1:
0x1f: {  	_ = 	snop;
	(pc) =	sbr.rel @!p3 .LBB2_8-.Ltmp1, $1  }
0x20: {  	_ =	sdelay $0x3  }
.LBB2_1:
0x21: {  	[spmem:s16], [sflag:s10] =	dma.local [hbm:s9], $0x2800  }
0x22: {  	_ =	swait.ge [sflag:s17], $0x2800  }
0x23: {  	[sflag:s17] =	ssyncset.done $0x0  }
0x24: {  	s0 =	simm.s32 @!p1 $0x5;
	[sflag:s17] =	ssyncadd.s32 $0xFFFFD800  }
0x25: {  	[spmem:s18], [sflag:s10] =	dma.local @!p1 [hbm:s6], $0x500  }
0x26: {  	_ =	swait.ge @!p1 [sflag:s0], $0x500  }
0x27: {  	[sflag:s0] =	ssyncset.done @!p1 $0x0  }
0x28: {  	[sflag:s0] =	ssyncadd.s32 @!p1 $0xFFFFFB00  }
0x29: {  	s0 =	rddreg [dreg:$0x1]  }
0x2a: {  	[tilespmem:s19], [sflag:$0x5] =	stream.linear.gather [hbm4b:s0+s4], $0x80, $0x38;
	[tilespmem:$0x1D300] =	vst v63  }
0x2b: {  	_ =	swait.ge [sflag:s17], $0x80  }
0x2c: {  	[sflag:s17] =	ssyncset.done $0x0  }
0x2d: {  	[sflag:s17] =	ssyncadd.s32 $0xFFFFFF80  }
0x2e: {  	[bflag:$0x0] =	sbarrier.arrive $0xFFFF  }
0x2f: {  	[tilespmem:s4], [sflag:$0x5] =	stream.linear.gather [hbm4b:s11+s4], $0x400, $0x38;
	[tilespmem:$0x1D300] =	vst v63  }
0x30: {  	_ =	swait.ge [sflag:s17], $0x400  }
0x31: {  	[sflag:s17] =	ssyncset.done $0x0  }
0x32: {  	s1 =	simm.s32 $0x800;
	[sflag:s17] =	ssyncadd.s32 $0xFFFFFC00  }
0x33: {  	[tilespmem:s1], [sflag:$0x5] =	stream.linear.gather [hbm4b:s12+s4], $0x400, $0x38;
	[tilespmem:$0x1D300] =	vst v63  }
0x34: {  	_ =	swait.ge [sflag:s17], $0x400  }
0x35: {  	[sflag:s17] =	ssyncset.done $0x0  }
0x36: {  	[sflag:s17] =	ssyncadd.s32 $0xFFFFFC00  }
0x37: {  	[tilespmem:s22], [sflag:$0x1] =	stream.indirect.gather [hbm4b:s5+s21], $0x80, s4, s21, $0xb8;
	[tilespmem:$0x1D300] =	vst v63  }
0x38: {  	_ = 	snop  }
0x39: {  	[tilespmem:s23], [sflag:$0x2] =	stream.indirect.gather [hbm4b:s5+s21], $0x80, s21, s21, $0xb8;
	[tilespmem:$0x1D300] =	vst v63  }
0x3a: {  	_ =	swait.ge [sflag:s24], $0x4000  }
0x3b: {  	s1 =	sand.u32 $0x400, s4;
	[sflag:s24] =	ssyncset.done $0x0  }
0x3c: {  	s7 =	sor.u32 $0x800, s1;
	[sflag:s24] =	ssyncadd.s32 $0xFFFFC000  }
0x3d: {  	[spmem:s2] =	stream.indirect.scatter.add.f32 [tilespmem:s22], [sflag:$0x1], $0x80, s7, s21, $0xb8;
	[tilespmem:$0x1D300] =	vst v63  }
0x3e: {  	_ = 	snop  }
0x3f: {  	[spmem:s3] =	stream.indirect.scatter.add.f32 [tilespmem:s19], [sflag:$0x4], $0x1, s7, s21, $0xb8;
	[tilespmem:$0x1D300] =	vst v63  }
0x40: {  	_ =	swait.ge [sflag:s24], $0x4000  }
0x41: {  	[sflag:s24] =	ssyncset.done $0x0  }
0x42: {  	s8 =	sor.u32 $0x100, s1;
	[sflag:s24] =	ssyncadd.s32 $0xFFFFC000  }
0x43: {  	[tilespmem:s22], [sflag:$0x1] =	stream.indirect.gather [hbm4b:s5+s21], $0x80, s8, s21, $0xb8;
	[tilespmem:$0x1D300] =	vst v63  }
0x44: {  	_ =	swait.ge [sflag:s25], $0x4000  }
0x45: {  	[sflag:s25] =	ssyncset.done $0x0  }
0x46: {  	s13 =	sor.u32 $0x880, s1;
	[sflag:s25] =	ssyncadd.s32 $0xFFFFC000  }
0x47: {  	[spmem:s2] =	stream.indirect.scatter.add.f32 [tilespmem:s23], [sflag:$0x2], $0x80, s13, s21, $0xb8;
	[tilespmem:$0x1D300] =	vst v63  }
0x48: {  	_ = 	snop  }
0x49: {  	[spmem:s3] =	stream.indirect.scatter.add.f32 [tilespmem:s19], [sflag:$0x4], $0x1, s13, s21, $0xb8;
	[tilespmem:$0x1D300] =	vst v63  }
0x4a: {  	_ =	swait.ge [sflag:s25], $0x4000  }
0x4b: {  	[sflag:s25] =	ssyncset.done $0x0  }
0x4c: {  	s7 =	sor.u32 $0x180, s1;
	[sflag:s25] =	ssyncadd.s32 $0xFFFFC000  }
0x4d: {  	[tilespmem:s23], [sflag:$0x2] =	stream.indirect.gather [hbm4b:s5+s21], $0x80, s7, s21, $0xb8;
	[tilespmem:$0x1D300] =	vst v63  }
0x4e: {  	_ =	swait.ge [sflag:s24], $0x4000  }
0x4f: {  	s29 =	sand.u32 $0x1, s24;
	[sflag:s24] =	ssyncset.done $0x0  }
0x50: {  	p3 =	por $0x0, $0x0;
	s14 =	sor.u32 $0x900, s1;
	[sflag:s24] =	ssyncadd.s32 $0xFFFFC000  }
0x51: {  	[spmem:s2] =	stream.indirect.scatter.add.f32 [tilespmem:s22], [sflag:$0x1], $0x80, s14, s21, $0xb8;
	[tilespmem:$0x1D300] =	vst v63  }
0x52: {  	s0 =	sshll.u32 @!p3 s29, $0xA;
	s8 =	rddreg [dreg:$0x5]  }
0x53: {  	[spmem:s3] =	stream.indirect.scatter.add.f32 [tilespmem:s19], [sflag:$0x4], $0x1, s14, s21, $0xb8;
	[tilespmem:$0x1D300] =	vst v63  }
0x54: {  	s29 =	simm.s32 @!p3 $0x0;
	s30 =	rddreg [dreg:$0x6];
	s8 =	sadd.s32 @!p3 $0x0, s8  }
0x55: {  	[tilespmem:s0], [sflag:$0x3] =	stream.linear.gather @!p3 [hbm4b:s8+s29], $0x400, $0x38;
	[tilespmem:$0x1D300] =	vst v63  }
0x56: {  	s30 =	sadd.s32 @!p3 $0x0, s30;
	s8 =	sor.u32 @!p3 $0x800, s0  }
0x57: {  	[tilespmem:s8], [sflag:$0x3] =	stream.linear.gather @!p3 [hbm4b:s30+s29], $0x400, $0x38;
	[tilespmem:$0x1D300] =	vst v63  }
0x58: {  	_ =	swait.ge [sflag:s24], $0x4000  }
0x59: {  	[sflag:s24] =	ssyncset.done $0x0  }
0x5a: {  	s20 =	sor.u32 $0x200, s1;
	[sflag:s24] =	ssyncadd.s32 $0xFFFFC000  }
0x5b: {  	[tilespmem:s22], [sflag:$0x1] =	stream.indirect.gather [hbm4b:s5+s21], $0x80, s20, s21, $0xb8;
	[tilespmem:$0x1D300] =	vst v63  }
0x5c: {  	_ =	swait.ge [sflag:s25], $0x4000  }
0x5d: {  	[sflag:s25] =	ssyncset.done $0x0  }
0x5e: {  	s7 =	sor.u32 $0x800, s7;
	[sflag:s25] =	ssyncadd.s32 $0xFFFFC000  }
0x5f: {  	[spmem:s2] =	stream.indirect.scatter.add.f32 [tilespmem:s23], [sflag:$0x2], $0x80, s7, s21, $0xb8;
	[tilespmem:$0x1D300] =	vst v63  }
0x60: {  	_ = 	snop  }
0x61: {  	[spmem:s3] =	stream.indirect.scatter.add.f32 [tilespmem:s19], [sflag:$0x4], $0x1, s7, s21, $0xb8;
	[tilespmem:$0x1D300] =	vst v63  }
0x62: {  	_ =	swait.ge [sflag:s25], $0x4000  }
0x63: {  	[sflag:s25] =	ssyncset.done $0x0  }
0x64: {  	s8 =	sor.u32 $0x280, s1;
	[sflag:s25] =	ssyncadd.s32 $0xFFFFC000  }
0x65: {  	[tilespmem:s23], [sflag:$0x2] =	stream.indirect.gather [hbm4b:s5+s21], $0x80, s8, s21, $0xb8;
	[tilespmem:$0x1D300] =	vst v63  }
0x66: {  	_ =	swait.ge [sflag:s24], $0x4000  }
0x67: {  	[sflag:s24] =	ssyncset.done $0x0  }
0x68: {  	s13 =	sor.u32 $0xA00, s1;
	[sflag:s24] =	ssyncadd.s32 $0xFFFFC000  }
0x69: {  	[spmem:s2] =	stream.indirect.scatter.add.f32 [tilespmem:s22], [sflag:$0x1], $0x80, s13, s21, $0xb8;
	[tilespmem:$0x1D300] =	vst v63  }
0x6a: {  	_ = 	snop  }
0x6b: {  	[spmem:s3] =	stream.indirect.scatter.add.f32 [tilespmem:s19], [sflag:$0x4], $0x1, s13, s21, $0xb8;
	[tilespmem:$0x1D300] =	vst v63  }
0x6c: {  	_ =	swait.ge [sflag:s24], $0x4000  }
0x6d: {  	[sflag:s24] =	ssyncset.done $0x0  }
0x6e: {  	s14 =	sor.u32 $0x300, s1;
	[sflag:s24] =	ssyncadd.s32 $0xFFFFC000  }
0x6f: {  	[tilespmem:s22], [sflag:$0x1] =	stream.indirect.gather [hbm4b:s5+s21], $0x80, s14, s21, $0xb8;
	[tilespmem:$0x1D300] =	vst v63  }
0x70: {  	_ =	swait.ge [sflag:s25], $0x4000  }
0x71: {  	[sflag:s25] =	ssyncset.done $0x0  }
0x72: {  	s20 =	sor.u32 $0xA80, s1;
	[sflag:s25] =	ssyncadd.s32 $0xFFFFC000  }
0x73: {  	[spmem:s2] =	stream.indirect.scatter.add.f32 [tilespmem:s23], [sflag:$0x2], $0x80, s20, s21, $0xb8;
	[tilespmem:$0x1D300] =	vst v63  }
0x74: {  	_ = 	snop  }
0x75: {  	[spmem:s3] =	stream.indirect.scatter.add.f32 [tilespmem:s19], [sflag:$0x4], $0x1, s20, s21, $0xb8;
	[tilespmem:$0x1D300] =	vst v63  }
0x76: {  	_ =	swait.ge [sflag:s25], $0x4000  }
0x77: {  	[sflag:s25] =	ssyncset.done $0x0  }
0x78: {  	s7 =	sor.u32 $0x380, s1;
	[sflag:s25] =	ssyncadd.s32 $0xFFFFC000  }
0x79: {  	[tilespmem:s23], [sflag:$0x2] =	stream.indirect.gather [hbm4b:s5+s21], $0x80, s7, s21, $0xb8;
	[tilespmem:$0x1D300] =	vst v63  }
0x7a: {  	_ =	swait.ge [sflag:s24], $0x4000  }
0x7b: {  	[sflag:s24] =	ssyncset.done $0x0  }
0x7c: {  	s1 =	sor.u32 $0xB00, s1;
	[sflag:s24] =	ssyncadd.s32 $0xFFFFC000  }
0x7d: {  	[spmem:s2] =	stream.indirect.scatter.add.f32 [tilespmem:s22], [sflag:$0x1], $0x80, s1, s21, $0xb8;
	[tilespmem:$0x1D300] =	vst v63  }
0x7e: {  	_ = 	snop  }
0x7f: {  	[spmem:s3] =	stream.indirect.scatter.add.f32 [tilespmem:s19], [sflag:$0x4], $0x1, s1, s21, $0xb8;
	[tilespmem:$0x1D300] =	vst v63  }
0x80: {  	_ =	swait.ge [sflag:s24], $0x4000  }
0x81: {  	[sflag:s24] =	ssyncset.done $0x0  }
0x82: {  	s1 =	simm.s32 @p3 $0x2;
	[sflag:s24] =	ssyncadd.s32 $0xFFFFC000  }
0x83: {  	_ =	swait.ge @p3 [sflag:s1], $0x4000  }
0x84: {  	s30 =	simm.s32 @p3 $0x80;
	[sflag:s1] =	ssyncset.done @p3 $0x0  }
0x85: {  	s29 =	sor.u32 @p3 $0x800, s7;
	s8 =	simm.s32 @p3 $0x5000;
	[sflag:s1] =	ssyncadd.s32 @p3 $0xFFFFC000  }
0x86: {  	[spmem:s2] =	stream.indirect.scatter.add.f32 @p3 [tilespmem:s8], [sflag:$0x2], $0x80, s29, s30, $0xb8;
	[tilespmem:$0x1D300] =	vst v63  }
0x87: {  	s8 =	simm.s32 @p3 $0x9000  }
0x88: {  	[spmem:s3] =	stream.indirect.scatter.add.f32 @p3 [tilespmem:s8], [sflag:$0x4], $0x1, s29, s30, $0xb8;
	[tilespmem:$0x1D300] =	vst v63  }
0x89: {  	_ =	swait.ge @p3 [sflag:s1], $0x4000  }
0x8a: {  	[sflag:s1] =	ssyncset.done @p3 $0x0  }
0x8b: {  	[sflag:s1] =	ssyncadd.s32 @p3 $0xFFFFC000;
	s1 =	simm.s32 @!p3 $0x3  }
0x8c: {  	_ =	swait.ge @!p3 [sflag:s1], $0x400  }
0x8d: {  	[sflag:s1] =	ssyncset.done @!p3 $0x0  }
0x8e: {  	[sflag:s1] =	ssyncadd.s32 @!p3 $0xFFFFFC00  }
0x8f: {  	_ =	swait.ge @!p3 [sflag:s1], $0x400  }
0x90: {  	s8 =	simm.s32 @!p3 $0x2;
	[sflag:s1] =	ssyncset.done @!p3 $0x0  }
0x91: {  	s29 =	simm.s32 @!p3 $0x1000;
	[sflag:s1] =	ssyncadd.s32 @!p3 $0xFFFFFC00;
	s1 =	simm.s32 @!p3 $0x80  }
0x92: {  	[tilespmem:s29], [sflag:$0x1] =	stream.indirect.gather @!p3 [hbm4b:s5+s1], $0x80, s0, s1, $0xb8;
	[tilespmem:$0x1D300] =	vst v63  }
0x93: {  	_ =	swait.ge @!p3 [sflag:s8], $0x4000  }
0x94: {  	[sflag:s8] =	ssyncset.done @!p3 $0x0  }
0x95: {  	s7 =	sor.u32 @!p3 $0x800, s7;
	s29 =	simm.s32 @!p3 $0x5000;
	[sflag:s8] =	ssyncadd.s32 @!p3 $0xFFFFC000  }
0x96: {  	[spmem:s2] =	stream.indirect.scatter.add.f32 @!p3 [tilespmem:s29], [sflag:$0x2], $0x80, s7, s1, $0xb8;
	[tilespmem:$0x1D300] =	vst v63  }
0x97: {  	s30 =	simm.s32 @!p3 $0x9000  }
0x98: {  	[spmem:s3] =	stream.indirect.scatter.add.f32 @!p3 [tilespmem:s30], [sflag:$0x4], $0x1, s7, s1, $0xb8;
	[tilespmem:$0x1D300] =	vst v63  }
0x99: {  	_ =	swait.ge @!p3 [sflag:s8], $0x4000  }
0x9a: {  	[sflag:s8] =	ssyncset.done @!p3 $0x0  }
0x9b: {  	s0 =	sor.u32 @!p3 $0x80, s0;
	[sflag:s8] =	ssyncadd.s32 @!p3 $0xFFFFC000  }
0x9c: {  	[tilespmem:s29], [sflag:$0x2] =	stream.indirect.gather @!p3 [hbm4b:s5+s1], $0x80, s0, s1, $0xb8;
	[tilespmem:$0x1D300] =	vst v63  }
0x9d: {  	_ =	swait.ge [sflag:s26], $0x80  }
0x9e: {  	[sflag:s26] =	ssyncset.done $0x0  }
0x9f: {  	[sflag:s26] =	ssyncadd.s32 $0xFFFFFF80  }
0xa0: {  	_ =	swait.ge [sflag:s26], $0x80  }
0xa1: {  	[sflag:s26] =	ssyncset.done $0x0  }
0xa2: {  	[sflag:s26] =	ssyncadd.s32 $0xFFFFFF80  }
0xa3: {  	_ =	swait.ge [sflag:s26], $0x80  }
0xa4: {  	[sflag:s26] =	ssyncset.done $0x0  }
0xa5: {  	[sflag:s26] =	ssyncadd.s32 $0xFFFFFF80  }
0xa6: {  	_ =	swait.ge [sflag:s26], $0x80  }
0xa7: {  	[sflag:s26] =	ssyncset.done $0x0  }
0xa8: {  	[sflag:s26] =	ssyncadd.s32 $0xFFFFFF80  }
0xa9: {  	_ =	swait.ge [sflag:s26], $0x80  }
0xaa: {  	[sflag:s26] =	ssyncset.done $0x0  }
0xab: {  	[sflag:s26] =	ssyncadd.s32 $0xFFFFFF80  }
0xac: {  	_ =	swait.ge [sflag:s26], $0x80  }
0xad: {  	[sflag:s26] =	ssyncset.done $0x0  }
0xae: {  	[sflag:s26] =	ssyncadd.s32 $0xFFFFFF80  }
0xaf: {  	_ =	swait.ge [sflag:s26], $0x80  }
0xb0: {  	[sflag:s26] =	ssyncset.done $0x0  }
0xb1: {  	[sflag:s26] =	ssyncadd.s32 $0xFFFFFF80  }
0xb2: {  	s31 =	simm.s32 $0x1;
	_ =	swait.ge [sflag:s26], $0x80  }
0xb3: {  	s30 =	simm.s32 $0x400;
	s29 =	simm.s32 $0x80;
	[sflag:s26] =	ssyncset.done $0x0  }
.LBB2_2:
0xb4: {  	[sflag:s26] =	ssyncadd.s32 $0xFFFFFF80  }
0xb5: {  	_ =	swait.ge [sflag:s24], $0x4000  }
0xb6: {  	s1 =	sand.u32 $0x400, s30;
	[sflag:s24] =	ssyncset.done $0x0  }
0xb7: {  	s7 =	sor.u32 $0x800, s1;
	[sflag:s24] =	ssyncadd.s32 $0xFFFFC000  }
0xb8: {  	[spmem:s2] =	stream.indirect.scatter.add.f32 [tilespmem:s22], [sflag:$0x1], $0x80, s7, s21, $0xb8;
	[tilespmem:$0x1D300] =	vst v63  }
0xb9: {  	_ = 	snop  }
0xba: {  	[spmem:s3] =	stream.indirect.scatter.add.f32 [tilespmem:s19], [sflag:$0x4], $0x1, s7, s21, $0xb8;
	[tilespmem:$0x1D300] =	vst v63  }
0xbb: {  	_ =	swait.ge [sflag:s24], $0x4000  }
0xbc: {  	[sflag:s24] =	ssyncset.done $0x0  }
0xbd: {  	s8 =	sor.u32 $0x100, s1;
	[sflag:s24] =	ssyncadd.s32 $0xFFFFC000  }
0xbe: {  	[tilespmem:s22], [sflag:$0x1] =	stream.indirect.gather [hbm4b:s5+s21], $0x80, s8, s21, $0xb8;
	[tilespmem:$0x1D300] =	vst v63  }
0xbf: {  	_ =	swait.ge [sflag:s25], $0x4000  }
0xc0: {  	[sflag:s25] =	ssyncset.done $0x0  }
0xc1: {  	s13 =	sor.u32 $0x880, s1;
	[sflag:s25] =	ssyncadd.s32 $0xFFFFC000  }
0xc2: {  	[spmem:s2] =	stream.indirect.scatter.add.f32 [tilespmem:s23], [sflag:$0x2], $0x80, s13, s21, $0xb8;
	[tilespmem:$0x1D300] =	vst v63  }
0xc3: {  	_ = 	snop  }
0xc4: {  	[spmem:s3] =	stream.indirect.scatter.add.f32 [tilespmem:s19], [sflag:$0x4], $0x1, s13, s21, $0xb8;
	[tilespmem:$0x1D300] =	vst v63  }
0xc5: {  	_ =	swait.ge [sflag:s25], $0x4000  }
0xc6: {  	[sflag:s25] =	ssyncset.done $0x0  }
0xc7: {  	s8 =	sor.u32 $0x180, s1;
	[sflag:s25] =	ssyncadd.s32 $0xFFFFC000  }
0xc8: {  	[tilespmem:s23], [sflag:$0x2] =	stream.indirect.gather [hbm4b:s5+s21], $0x80, s8, s21, $0xb8;
	[tilespmem:$0x1D300] =	vst v63  }
0xc9: {  	_ =	swait.ge [sflag:s24], $0x4000  }
0xca: {  	s31 =	sadd.s32 $0x1, s31;
	s0 =	smov.u32 s29;
	[sflag:s24] =	ssyncset.done $0x0  }
0xcb: {  	s7 =	sor.u32 $0x900, s1;
	s20 =	rddreg [dreg:$0x5];
	[sflag:s24] =	ssyncadd.s32 $0xFFFFC000  }
0xcc: {  	[spmem:s2] =	stream.indirect.scatter.add.f32 [tilespmem:s22], [sflag:$0x1], $0x80, s7, s21, $0xb8;
	[tilespmem:$0x1D300] =	vst v63  }
0xcd: {  	p4 =	seq.s32 s0, $0x480;
	s13 =	sand.u32 $0x1, s31;
	s14 =	rddreg [dreg:$0x6]  }
0xce: {  	[spmem:s3] =	stream.indirect.scatter.add.f32 [tilespmem:s19], [sflag:$0x4], $0x1, s7, s21, $0xb8;
	[tilespmem:$0x1D300] =	vst v63  }
0xcf: {  	s7 =	sshll.u32 @!p4 s13, $0xA;
	s13 =	sadd.s32 @!p4 s0, s20;
	s20 =	simm.s32 @!p4 $0x0  }
0xd0: {  	[tilespmem:s7], [sflag:$0x3] =	stream.linear.gather @!p4 [hbm4b:s13+s20], $0x400, $0x38;
	[tilespmem:$0x1D300] =	vst v63  }
0xd1: {  	s14 =	sadd.s32 @!p4 s0, s14;
	s13 =	sor.u32 @!p4 $0x800, s7  }
0xd2: {  	[tilespmem:s13], [sflag:$0x3] =	stream.linear.gather @!p4 [hbm4b:s14+s20], $0x400, $0x38;
	[tilespmem:$0x1D300] =	vst v63  }
0xd3: {  	_ =	swait.ge [sflag:s24], $0x4000  }
0xd4: {  	[sflag:s24] =	ssyncset.done $0x0  }
0xd5: {  	s14 =	sor.u32 $0x200, s1;
	[sflag:s24] =	ssyncadd.s32 $0xFFFFC000  }
0xd6: {  	[tilespmem:s22], [sflag:$0x1] =	stream.indirect.gather [hbm4b:s5+s21], $0x80, s14, s21, $0xb8;
	[tilespmem:$0x1D300] =	vst v63  }
0xd7: {  	_ =	swait.ge [sflag:s25], $0x4000  }
0xd8: {  	[sflag:s25] =	ssyncset.done $0x0  }
0xd9: {  	s8 =	sor.u32 $0x800, s8;
	[sflag:s25] =	ssyncadd.s32 $0xFFFFC000  }
0xda: {  	[spmem:s2] =	stream.indirect.scatter.add.f32 [tilespmem:s23], [sflag:$0x2], $0x80, s8, s21, $0xb8;
	[tilespmem:$0x1D300] =	vst v63  }
0xdb: {  	_ = 	snop  }
0xdc: {  	[spmem:s3] =	stream.indirect.scatter.add.f32 [tilespmem:s19], [sflag:$0x4], $0x1, s8, s21, $0xb8;
	[tilespmem:$0x1D300] =	vst v63  }
0xdd: {  	_ =	swait.ge [sflag:s25], $0x4000  }
0xde: {  	[sflag:s25] =	ssyncset.done $0x0  }
0xdf: {  	s20 =	sor.u32 $0x280, s1;
	[sflag:s25] =	ssyncadd.s32 $0xFFFFC000  }
0xe0: {  	[tilespmem:s23], [sflag:$0x2] =	stream.indirect.gather [hbm4b:s5+s21], $0x80, s20, s21, $0xb8;
	[tilespmem:$0x1D300] =	vst v63  }
0xe1: {  	_ =	swait.ge [sflag:s24], $0x4000  }
0xe2: {  	[sflag:s24] =	ssyncset.done $0x0  }
0xe3: {  	s13 =	sor.u32 $0xA00, s1;
	[sflag:s24] =	ssyncadd.s32 $0xFFFFC000  }
0xe4: {  	[spmem:s2] =	stream.indirect.scatter.add.f32 [tilespmem:s22], [sflag:$0x1], $0x80, s13, s21, $0xb8;
	[tilespmem:$0x1D300] =	vst v63  }
0xe5: {  	_ = 	snop  }
0xe6: {  	[spmem:s3] =	stream.indirect.scatter.add.f32 [tilespmem:s19], [sflag:$0x4], $0x1, s13, s21, $0xb8;
	[tilespmem:$0x1D300] =	vst v63  }
0xe7: {  	_ =	swait.ge [sflag:s24], $0x4000  }
0xe8: {  	[sflag:s24] =	ssyncset.done $0x0  }
0xe9: {  	s14 =	sor.u32 $0x300, s1;
	[sflag:s24] =	ssyncadd.s32 $0xFFFFC000  }
0xea: {  	[tilespmem:s22], [sflag:$0x1] =	stream.indirect.gather [hbm4b:s5+s21], $0x80, s14, s21, $0xb8;
	[tilespmem:$0x1D300] =	vst v63  }
0xeb: {  	_ =	swait.ge [sflag:s25], $0x4000  }
0xec: {  	[sflag:s25] =	ssyncset.done $0x0  }
0xed: {  	s20 =	sor.u32 $0xA80, s1;
	[sflag:s25] =	ssyncadd.s32 $0xFFFFC000  }
0xee: {  	[spmem:s2] =	stream.indirect.scatter.add.f32 [tilespmem:s23], [sflag:$0x2], $0x80, s20, s21, $0xb8;
	[tilespmem:$0x1D300] =	vst v63  }
0xef: {  	_ = 	snop  }
0xf0: {  	[spmem:s3] =	stream.indirect.scatter.add.f32 [tilespmem:s19], [sflag:$0x4], $0x1, s20, s21, $0xb8;
	[tilespmem:$0x1D300] =	vst v63  }
0xf1: {  	_ =	swait.ge [sflag:s25], $0x4000  }
0xf2: {  	[sflag:s25] =	ssyncset.done $0x0  }
0xf3: {  	s8 =	sor.u32 $0x380, s1;
	[sflag:s25] =	ssyncadd.s32 $0xFFFFC000  }
0xf4: {  	[tilespmem:s23], [sflag:$0x2] =	stream.indirect.gather [hbm4b:s5+s21], $0x80, s8, s21, $0xb8;
	[tilespmem:$0x1D300] =	vst v63  }
0xf5: {  	_ =	swait.ge [sflag:s24], $0x4000  }
0xf6: {  	[sflag:s24] =	ssyncset.done $0x0  }
0xf7: {  	s1 =	sor.u32 $0xB00, s1;
	[sflag:s24] =	ssyncadd.s32 $0xFFFFC000  }
0xf8: {  	[spmem:s2] =	stream.indirect.scatter.add.f32 [tilespmem:s22], [sflag:$0x1], $0x80, s1, s21, $0xb8;
	[tilespmem:$0x1D300] =	vst v63  }
0xf9: {  	_ = 	snop  }
0xfa: {  	[spmem:s3] =	stream.indirect.scatter.add.f32 [tilespmem:s19], [sflag:$0x4], $0x1, s1, s21, $0xb8;
	[tilespmem:$0x1D300] =	vst v63  }
0xfb: {  	_ =	swait.ge [sflag:s24], $0x4000  }
0xfc: {  	[sflag:s24] =	ssyncset.done $0x0  }
0xfd: {  	s1 =	simm.s32 @p4 $0x2;
	[sflag:s24] =	ssyncadd.s32 $0xFFFFC000  }
0xfe: {  	_ =	swait.ge @p4 [sflag:s1], $0x4000  }
0xff: {  	s13 =	simm.s32 @p4 $0x5000;
	[sflag:s1] =	ssyncset.done @p4 $0x0  }
0x100: {  	s14 =	sor.u32 @p4 $0x800, s8;
	s20 =	simm.s32 @p4 $0x80;
	[sflag:s1] =	ssyncadd.s32 @p4 $0xFFFFC000  }
0x101: {  	[spmem:s2] =	stream.indirect.scatter.add.f32 @p4 [tilespmem:s13], [sflag:$0x2], $0x80, s14, s20, $0xb8;
	[tilespmem:$0x1D300] =	vst v63  }
0x102: {  	s13 =	simm.s32 @p4 $0x9000  }
0x103: {  	[spmem:s3] =	stream.indirect.scatter.add.f32 @p4 [tilespmem:s13], [sflag:$0x4], $0x1, s14, s20, $0xb8;
	[tilespmem:$0x1D300] =	vst v63  }
0x104: {  	_ =	swait.ge @p4 [sflag:s1], $0x4000  }
0x105: {  	[sflag:s1] =	ssyncset.done @p4 $0x0  }
0x106: {  	[sflag:s1] =	ssyncadd.s32 @p4 $0xFFFFC000;
	s1 =	simm.s32 @!p4 $0x3  }
0x107: {  	_ =	swait.ge @!p4 [sflag:s1], $0x400  }
0x108: {  	[sflag:s1] =	ssyncset.done @!p4 $0x0  }
0x109: {  	[sflag:s1] =	ssyncadd.s32 @!p4 $0xFFFFFC00  }
0x10a: {  	_ =	swait.ge @!p4 [sflag:s1], $0x400  }
0x10b: {  	s13 =	simm.s32 @!p4 $0x2;
	[sflag:s1] =	ssyncset.done @!p4 $0x0  }
0x10c: {  	s14 =	simm.s32 @!p4 $0x1000;
	[sflag:s1] =	ssyncadd.s32 @!p4 $0xFFFFFC00;
	s1 =	simm.s32 @!p4 $0x80  }
0x10d: {  	[tilespmem:s14], [sflag:$0x1] =	stream.indirect.gather @!p4 [hbm4b:s5+s1], $0x80, s7, s1, $0xb8;
	[tilespmem:$0x1D300] =	vst v63  }
0x10e: {  	_ =	swait.ge @!p4 [sflag:s13], $0x4000  }
0x10f: {  	s0 =	sor.u32 @!p4 $0x80, s7;
	[sflag:s13] =	ssyncset.done @!p4 $0x0  }
0x110: {  	s7 =	sor.u32 @!p4 $0x800, s8;
	s8 =	simm.s32 @!p4 $0x5000;
	[sflag:s13] =	ssyncadd.s32 @!p4 $0xFFFFC000  }
0x111: {  	[spmem:s2] =	stream.indirect.scatter.add.f32 @!p4 [tilespmem:s8], [sflag:$0x2], $0x80, s7, s1, $0xb8;
	[tilespmem:$0x1D300] =	vst v63  }
0x112: {  	s14 =	simm.s32 @!p4 $0x9000  }
0x113: {  	[spmem:s3] =	stream.indirect.scatter.add.f32 @!p4 [tilespmem:s14], [sflag:$0x4], $0x1, s7, s1, $0xb8;
	[tilespmem:$0x1D300] =	vst v63  }
0x114: {  	_ =	swait.ge @!p4 [sflag:s13], $0x4000  }
0x115: {  	[sflag:s13] =	ssyncset.done @!p4 $0x0  }
0x116: {  	[sflag:s13] =	ssyncadd.s32 @!p4 $0xFFFFC000  }
0x117: {  	[tilespmem:s8], [sflag:$0x2] =	stream.indirect.gather @!p4 [hbm4b:s5+s1], $0x80, s0, s1, $0xb8;
	[tilespmem:$0x1D300] =	vst v63  }
0x118: {  	_ =	swait.ge [sflag:s26], $0x80  }
0x119: {  	[sflag:s26] =	ssyncset.done $0x0  }
0x11a: {  	[sflag:s26] =	ssyncadd.s32 $0xFFFFFF80  }
0x11b: {  	_ =	swait.ge [sflag:s26], $0x80  }
0x11c: {  	[sflag:s26] =	ssyncset.done $0x0  }
0x11d: {  	[sflag:s26] =	ssyncadd.s32 $0xFFFFFF80  }
0x11e: {  	_ =	swait.ge [sflag:s26], $0x80  }
0x11f: {  	[sflag:s26] =	ssyncset.done $0x0  }
0x120: {  	[sflag:s26] =	ssyncadd.s32 $0xFFFFFF80  }
0x121: {  	_ =	swait.ge [sflag:s26], $0x80  }
0x122: {  	[sflag:s26] =	ssyncset.done $0x0  }
0x123: {  	[sflag:s26] =	ssyncadd.s32 $0xFFFFFF80  }
0x124: {  	_ =	swait.ge [sflag:s26], $0x80  }
0x125: {  	[sflag:s26] =	ssyncset.done $0x0  }
0x126: {  	[sflag:s26] =	ssyncadd.s32 $0xFFFFFF80  }
0x127: {  	_ =	swait.ge [sflag:s26], $0x80  }
0x128: {  	s29 =	sadd.s32 $0x80, s29;
	[sflag:s26] =	ssyncset.done $0x0  }
0x129: {  	p3 =	sne.s32 s29, $0x500;
	[sflag:s26] =	ssyncadd.s32 $0xFFFFFF80  }
.Ltmp2:
0x12a: {  	_ =	swait.ge [sflag:s26], $0x80;
	(pc) =	sbr.rel @p3 .LBB2_2-.Ltmp2, $4  }
0x12b: {  	[sflag:s26] =	ssyncset.done $0x0  }
0x12c: {  	[sflag:s26] =	ssyncadd.s32 $0xFFFFFF80  }
0x12d: {  	_ =	swait.ge [sflag:s26], $0x80  }
0x12e: {  	s30 =	sadd.s32 $0x400, s30;
	[sflag:s26] =	ssyncset.done $0x0  }
.Ltmp3:
0x12f: {  	(pc) =	sbr.rel @!p0 .LBB2_4-.Ltmp3, $3  }
0x130: {  	_ = 	snop  }
0x131: {  	[sflag:s26] =	ssyncadd.s32 $0xFFFFFF80  }
0x132: {  	[bflag:$0x0] =	sbarrier.arrive $0xFFFF;
	_ =	sdelay $0x1  }
0x133: {  	s0 =	rddreg [dreg:$0xa]  }
0x134: {  	[hbm:s0], [sflag:s10] =	dma.local [spmem:s16], $0x2800  }
.Ltmp4:
0x135: {  	_ = 	snop;
	(pc) =	sbr.rel @p1 .LBB2_7-.Ltmp4, $4  }
.Ltmp5:
0x136: {  	_ = 	snop;
	(pc) =	sbr.rel @!p1 .LBB2_6-.Ltmp5, $4  }
0x137: {  	_ =	swait.ge [sflag:s17], $0x2800  }
0x138: {  	[sflag:s17] =	ssyncset.done $0x0  }
0x139: {  	s0 =	rddreg [dreg:$0x8];
	[sflag:s17] =	ssyncadd.s32 $0xFFFFD800  }
0x13a: {  	_ = 	snop  }
.LBB2_4:
0x13b: {  	s0 =	rddreg [dreg:$0x9]  }
0x13c: {  	[hbm:s0], [sflag:s10] =	dma.local [spmem:s16], $0x2800  }
.Ltmp6:
0x13d: {  	_ = 	snop;
	(pc) =	sbr.rel @!p2 .LBB2_7-.Ltmp6, $4  }
.Ltmp7:
0x13e: {  	_ = 	snop;
	(pc) =	sbr.rel @p2 .LBB2_6-.Ltmp7, $4  }
0x13f: {  	_ =	swait.ge [sflag:s17], $0x2800  }
0x140: {  	[sflag:s17] =	ssyncset.done $0x0  }
0x141: {  	s0 =	rddreg [dreg:$0x7];
	[sflag:s17] =	ssyncadd.s32 $0xFFFFD800  }
0x142: {  	_ = 	snop  }
.LBB2_8:
0x143: {  	_ =	sfence.sel $0x180000  }
0x144: {  	[bflag:$0x0] =	sbarrier.arrive $0xFFFF  }
0x145: {  	_ =	strace $0x9000004A  }
0x146: {  	[bflag:$0x2] =	sbarrier.arrive $0xFFFF  }
0x147: {  	s0 =	rddreg [dreg:$0x4]  }
0x148: {  	s0 =	sadd.s32 @!p1 $0x100000, s0  }
0x149: {  	[sflag:s0] =	ssyncadd.tile.s32 @!p1 $0x1;
	_ =	shalt  }
.Lfunc_end2:
_tile_overlayer_lowered:
.L_overlay_start_2:
0x14a: {  	(tag) =	ssettag $0x2  }
0x14b: {  	s0 =	rddreg [dreg:$0x0];
	s2 =	stileid.u32  }
0x14c: {  	s1 =	rddreg [dreg:$0x1];
	p0 =	sne.s32 s2, $0x0  }
0x14d: {  	s3 =	rddreg [dreg:$0x2];
	[bflag:$0x3] =	sbarrier.arrive $0xFFFF;
	s2 =	simm.s32 @!p0 $0x1C05  }
0x14e: {  	[timem:s3], [sflag:s2] =	dma.local @!p0 [hbm:s0], s1  }
0x14f: {  	s0 =	simm.s32 @!p0 $0x5  }
0x150: {  	_ =	swait.ge @!p0 [sflag:s0], s1  }
0x151: {  	s1 =	ssub.s32 @!p0 $0x0, s1;
	[sflag:s0] =	ssyncset.done @!p0 $0x0  }
0x152: {  	[sflag:s0] =	ssyncadd.s32 @!p0 s1  }
0x153: {  	[bflag:$0x3] =	sbarrier.arrive $0xFFFF  }
0x154: {  	_ =	shalt  }

</sc_bundles>
